<compile_context>
chip_gen: v7x
topology: tpu7x:2x2x1
jax: 0.10.2.dev20260603
libtpu: 0.0.44.dev20260713+nightly
codegen_flags: <defaults>
</compile_context>

<pallas_src>
import functools

import jax
import jax.numpy as jnp
import numpy as np
from jax import lax
from jax.experimental import pallas as pl
from jax.experimental.pallas import tpu as pltpu
from jax.experimental.pallas import tpu_sc as plsc

NN = 10000
DD = 128
EE = 320000

NTILES = 32
CK = 112
CHUNKS = 90
E_PAD = NTILES * CHUNKS * CK
N_PAD = 10112
RPT = N_PAD // 16
DUMMY = NN
NB = 3

_mesh = plsc.VectorSubcoreMesh(core_axis_name="c", subcore_axis_name="s")


@functools.partial(
    pl.kernel,
    out_type=jax.ShapeDtypeStruct((2, N_PAD, DD), jnp.float32),
    mesh=_mesh,
    scratch_types=[
        pltpu.VMEM_SHARED((N_PAD, DD), jnp.float32),
        [pltpu.VMEM((1, CK), jnp.int32) for _ in range(NB)],
        [pltpu.VMEM((1, CK), jnp.int32) for _ in range(NB)],
        [pltpu.VMEM((CK, DD), jnp.float32) for _ in range(NB)],
        [pltpu.SemaphoreType.DMA for _ in range(NB)],
        [pltpu.SemaphoreType.DMA for _ in range(NB)],
        [pltpu.SemaphoreType.DMA for _ in range(NB)],
        [pltpu.SemaphoreType.DMA for _ in range(NB)],
    ],
)
def _sc_agg(h_hbm, z_hbm, srcs_hbm, dsts_hbm, out_hbm, agg_sh, sib, dib,
            rows, isems, jsems, gsems, ssems):
    c = lax.axis_index("c")
    s = lax.axis_index("s")
    wid = c * 16 + s
    nh = h_hbm.shape[0]

    @pl.when(c == 1)
    def _():
        pltpu.sync_copy(
            z_hbm.at[pl.ds(s * RPT, RPT)],
            agg_sh.at[pl.ds(s * RPT, RPT)],
        )

    if nh >= N_PAD:
        @pl.when(c == 0)
        def _():
            pltpu.sync_copy(
                h_hbm.at[pl.ds(s * RPT, RPT)],
                agg_sh.at[pl.ds(s * RPT, RPT)],
            )
    else:
        tail = NN - 15 * RPT

        @pl.when((c == 0) & (s < 15))
        def _():
            pltpu.sync_copy(
                h_hbm.at[pl.ds(s * RPT, RPT)],
                agg_sh.at[pl.ds(s * RPT, RPT)],
            )

        @pl.when((c == 0) & (s == 15))
        def _():
            pltpu.sync_copy(
                h_hbm.at[pl.ds(15 * RPT, tail)],
                agg_sh.at[pl.ds(15 * RPT, tail)],
            )

    plsc.subcore_barrier()

    def sidx_load(j, slot):
        pltpu.async_copy(srcs_hbm.at[wid, j], sib[slot], isems[slot])

    def sidx_wait(slot):
        pltpu.make_async_copy(srcs_hbm.at[wid, 0], sib[slot],
                              isems[slot]).wait()

    def didx_load(j, slot):
        pltpu.async_copy(dsts_hbm.at[wid, j], dib[slot], jsems[slot])

    def didx_wait(slot):
        pltpu.make_async_copy(dsts_hbm.at[wid, 0], dib[slot],
                              jsems[slot]).wait()

    def gather_start(slot):
        pltpu.async_copy(h_hbm.at[sib[slot].at[0]], rows[slot], gsems[slot])

    def gather_wait(slot):
        pltpu.make_async_copy(h_hbm.at[sib[slot].at[0]], rows[slot],
                              gsems[slot]).wait()

    def scatter_start(slot):
        pltpu.async_copy(rows[slot], agg_sh.at[dib[slot].at[0]], ssems[slot],
                         add=True)

    def scatter_wait(slot):
        pltpu.make_async_copy(rows[slot], agg_sh.at[dib[slot].at[0]],
                              ssems[slot]).wait()

    sidx_load(0, 0)
    sidx_load(1, 1)
    didx_load(0, 0)
    sidx_wait(0)
    gather_start(0)
    sidx_wait(1)
    gather_start(1)
    sidx_load(2, 2)

    def step(i, carry):
        for b in range(NB):
            j = NB * i + b
            bn = (b + 1) % NB
            bp = (b + 2) % NB
            gather_wait(b)
            didx_wait(b)
            scatter_start(b)

            if b == 0:
                @pl.when(i > 0)
                def _():
                    scatter_wait(bp)
            else:
                scatter_wait(bp)

            @pl.when(j + 2 < CHUNKS)
            def _():
                sidx_wait(bp)
                gather_start(bp)

            @pl.when(j + 3 < CHUNKS)
            def _():
                sidx_load(j + 3, b)

            @pl.when(j + 1 < CHUNKS)
            def _():
                didx_load(j + 1, bn)
        return carry

    lax.fori_loop(0, CHUNKS // NB, step, 0)
    scatter_wait((CHUNKS - 1) % NB)
    plsc.subcore_barrier()
    pltpu.sync_copy(
        agg_sh.at[pl.ds(s * RPT, RPT)],
        out_hbm.at[c, pl.ds(s * RPT, RPT)],
    )


def _mm_body(p_ref, w_ref, b_ref, o_ref):
    rst = p_ref[0] + p_ref[1]
    o_ref[...] = (
        jnp.dot(rst, w_ref[...], preferred_element_type=jnp.float32) + b_ref[...]
    )


def _tc_mm(parts, w, b, rows_out, bm):
    return pl.pallas_call(
        _mm_body,
        grid=(rows_out // bm,),
        in_specs=[
            pl.BlockSpec((2, bm, DD), lambda i: (0, i, 0)),
            pl.BlockSpec((DD, DD), lambda i: (0, 0)),
            pl.BlockSpec((1, DD), lambda i: (0, 0)),
        ],
        out_specs=pl.BlockSpec((bm, DD), lambda i: (i, 0)),
        out_shape=jax.ShapeDtypeStruct((rows_out, DD), jnp.float32),
    )(parts, w, b.reshape(1, DD))


def kernel(x, edge_index, W1, b1, W2, b2, W3, b3):
    pad = E_PAD - EE
    pad_src = jnp.asarray(np.arange(pad, dtype=np.int32) % NN)
    pad_dst = jnp.asarray(DUMMY + np.arange(pad, dtype=np.int32) % (N_PAD - NN))
    src = jnp.concatenate([edge_index[0], pad_src])
    dst = jnp.concatenate([edge_index[1], pad_dst])
    srcs = src.reshape(NTILES, CHUNKS, 1, CK)
    dsts = dst.reshape(NTILES, CHUNKS, 1, CK)

    zeros = jnp.zeros((N_PAD, DD), jnp.float32)
    h = x
    for li, (w, b) in enumerate(((W1, b1), (W2, b2), (W3, b3))):
        parts = _sc_agg(h, zeros, srcs, dsts)
        if li < 2:
            h = _tc_mm(parts, w, b, N_PAD, N_PAD // 8)
        else:
            h = _tc_mm(parts, w, b, NN, 1000)
    return h

# --- scband reference (transcript-rebuilt; emitter-appended) ---
"""Pipeline reference for scband-gin-61804579389456 (READ-ONLY COPY).

The authoritative reference and input builder live on the scoring server;
editing this copy changes nothing except your own understanding.
"""

import jax, jax.numpy as jnp
import numpy as np

N, E, D = 10000, 320000, 128


def setup_inputs(seed: int = 0) -> dict:
    key = jax.random.key(seed)
    ks = jax.random.split(key, 8)
    x = jax.random.normal(ks[0], (N, D), dtype=jnp.float32)
    edge_index = jax.random.randint(ks[1], (2, E), 0, N, dtype=jnp.int32)
    s = 1.0 / np.sqrt(D)
    W1 = jax.random.uniform(ks[2], (D, D), dtype=jnp.float32, minval=-s, maxval=s)
    b1 = jax.random.uniform(ks[3], (D,), dtype=jnp.float32, minval=-s, maxval=s)
    W2 = jax.random.uniform(ks[4], (D, D), dtype=jnp.float32, minval=-s, maxval=s)
    b2 = jax.random.uniform(ks[5], (D,), dtype=jnp.float32, minval=-s, maxval=s)
    W3 = jax.random.uniform(ks[6], (D, D), dtype=jnp.float32, minval=-s, maxval=s)
    b3 = jax.random.uniform(ks[7], (D,), dtype=jnp.float32, minval=-s, maxval=s)
    return {"x": x, "edge_index": edge_index, "W1": W1, "b1": b1, "W2": W2, "b2": b2, "W3": W3, "b3": b3}


def reference(x, edge_index, W1, b1, W2, b2, W3, b3):
    # GIN with 3 GINConv layers, aggregator='sum', eps=0 (not learned),
    # apply_func = Linear (ApplyNodeFunc wrapping nn.Linear).
    src = edge_index[0]
    dst = edge_index[1]

    def gin_layer(h, W, b):
        # message: neighbor features gathered by src, scatter-summed to dst
        agg = jax.ops.segment_sum(h[src], dst, num_segments=h.shape[0])
        rst = (1.0 + 0.0) * h + agg
        return rst @ W + b

    h = gin_layer(x, W1, b1)
    h = gin_layer(h, W2, b2)
    h = gin_layer(h, W3, b3)
    return h

if __name__ == "__main__":
    import jax
    _d = setup_inputs()
    print(jax.jit(kernel)(*tuple(_d.values())))

</pallas_src>

<mosaic_0001>
#map = affine_map<(d0, d1) -> (0, 0)>
#map1 = affine_map<(d0, d1) -> (0, 0, 0, 0)>
#map2 = affine_map<(d0, d1) -> (0, 0, 0)>
module attributes {stable_mosaic.version = 14 : i64} {
  func.func @_sc_agg(%arg0: i32, %arg1: i32, %arg2: memref<10112x128xf32, #tpu.memory_space<hbm>>, %arg3: memref<10112x128xf32, #tpu.memory_space<hbm>>, %arg4: memref<32x90x1x112xi32, #tpu.memory_space<hbm>>, %arg5: memref<32x90x1x112xi32, #tpu.memory_space<hbm>>, %arg6: memref<2x10112x128xf32, #tpu.memory_space<hbm>>, %arg7: memref<10112x128xf32, #tpu.memory_space<vmem_shared>>, %arg8: memref<1x112xi32, #tpu.memory_space<vmem>>, %arg9: memref<1x112xi32, #tpu.memory_space<vmem>>, %arg10: memref<1x112xi32, #tpu.memory_space<vmem>>, %arg11: memref<1x112xi32, #tpu.memory_space<vmem>>, %arg12: memref<1x112xi32, #tpu.memory_space<vmem>>, %arg13: memref<1x112xi32, #tpu.memory_space<vmem>>, %arg14: memref<112x128xf32, #tpu.memory_space<vmem>>, %arg15: memref<112x128xf32, #tpu.memory_space<vmem>>, %arg16: memref<112x128xf32, #tpu.memory_space<vmem>>, %arg17: memref<!tpu.dma_semaphore, #tpu.memory_space<semaphore_mem>>, %arg18: memref<!tpu.dma_semaphore, #tpu.memory_space<semaphore_mem>>, %arg19: memref<!tpu.dma_semaphore, #tpu.memory_space<semaphore_mem>>, %arg20: memref<!tpu.dma_semaphore, #tpu.memory_space<semaphore_mem>>, %arg21: memref<!tpu.dma_semaphore, #tpu.memory_space<semaphore_mem>>, %arg22: memref<!tpu.dma_semaphore, #tpu.memory_space<semaphore_mem>>, %arg23: memref<!tpu.dma_semaphore, #tpu.memory_space<semaphore_mem>>, %arg24: memref<!tpu.dma_semaphore, #tpu.memory_space<semaphore_mem>>, %arg25: memref<!tpu.dma_semaphore, #tpu.memory_space<semaphore_mem>>, %arg26: memref<!tpu.dma_semaphore, #tpu.memory_space<semaphore_mem>>, %arg27: memref<!tpu.dma_semaphore, #tpu.memory_space<semaphore_mem>>, %arg28: memref<!tpu.dma_semaphore, #tpu.memory_space<semaphore_mem>>) attributes {dimension_semantics = [#tpu.dimension_semantics<core_parallel>, #tpu.dimension_semantics<subcore_parallel>], iteration_bounds = array<i64: 2, 16>, scalar_prefetch = 0 : i64, scratch_operands = 22 : i64, tpu.core_type = #tpu.core_type<sc_vector_subcore>, window_params = [{transform_indices = #map}, {transform_indices = #map}, {transform_indices = #map1}, {transform_indices = #map1}, {transform_indices = #map2}]} {
    %mul3A = arith.constant 16 : i32
    %mul3A_0 = arith.muli %arg0, %mul3A : i32
    %add3A = arith.addi %mul3A_0, %arg1 : i32
    %eq3A = arith.constant 1 : i32
    %eq3A_1 = arith.cmpi eq, %arg0, %eq3A : i32
    %convert_element_type3A = arith.extui %eq3A_1 : i1 to i32
    %cond3A = arith.constant 0 : i32
    %cond3A_2 = arith.cmpi ne, %convert_element_type3A, %cond3A : i32
    scf.if %cond3A_2 {
      %mul3A_91 = arith.constant 632 : i32
      %mul3A_92 = arith.muli %arg1, %mul3A_91 : i32
      %mul3A_93 = arith.constant 632 : i32
      %mul3A_94 = arith.muli %arg1, %mul3A_93 : i32
      "tpu.region"() ({
        %run_scoped3A = tpu.sem_alloc : memref<!tpu.dma_semaphore, #tpu.memory_space<semaphore_mem>>
        %dma_start3A_95 = arith.constant 0 : i32
        %dma_start3A_96 = tpu.memref_slice %arg7[%mul3A_94, %dma_start3A_95] : memref<10112x128xf32, #tpu.memory_space<vmem_shared>> -> memref<632x128xf32, #tpu.memory_space<vmem_shared>>
        %dma_start3A_97 = arith.constant 0 : i32
        %dma_start3A_98 = tpu.memref_slice %arg3[%mul3A_92, %dma_start3A_97] : memref<10112x128xf32, #tpu.memory_space<hbm>> -> memref<632x128xf32, #tpu.memory_space<hbm>>
        tpu.enqueue_dma source(%dma_start3A_98 : memref<632x128xf32, #tpu.memory_space<hbm>>) target(%dma_start3A_96 : memref<632x128xf32, #tpu.memory_space<vmem_shared>>) target_semaphore(%run_scoped3A : memref<!tpu.dma_semaphore, #tpu.memory_space<semaphore_mem>>)
        %dma_wait3A_99 = arith.constant 0 : i32
        %dma_wait3A_100 = tpu.memref_slice %arg7[%mul3A_94, %dma_wait3A_99] : memref<10112x128xf32, #tpu.memory_space<vmem_shared>> -> memref<632x128xf32, #tpu.memory_space<vmem_shared>>
        %dma_wait3A_101 = arith.constant 0 : i32
        %dma_wait3A_102 = tpu.memref_slice %arg3[%mul3A_92, %dma_wait3A_101] : memref<10112x128xf32, #tpu.memory_space<hbm>> -> memref<632x128xf32, #tpu.memory_space<hbm>>
        tpu.wait_dma2 semaphore(%run_scoped3A : memref<!tpu.dma_semaphore, #tpu.memory_space<semaphore_mem>>) src(%dma_wait3A_102 : memref<632x128xf32, #tpu.memory_space<hbm>>) dst(%dma_wait3A_100 : memref<632x128xf32, #tpu.memory_space<vmem_shared>>)
        tpu.yield
      }) : () -> ()
    } else {
    }
    %eq3A_3 = arith.constant 0 : i32
    %eq3A_4 = arith.cmpi eq, %arg0, %eq3A_3 : i32
    %convert_element_type3A_5 = arith.extui %eq3A_4 : i1 to i32
    %cond3A_6 = arith.constant 0 : i32
    %cond3A_7 = arith.cmpi ne, %convert_element_type3A_5, %cond3A_6 : i32
    scf.if %cond3A_7 {
      %mul3A_91 = arith.constant 632 : i32
      %mul3A_92 = arith.muli %arg1, %mul3A_91 : i32
      %mul3A_93 = arith.constant 632 : i32
      %mul3A_94 = arith.muli %arg1, %mul3A_93 : i32
      "tpu.region"() ({
        %run_scoped3A = tpu.sem_alloc : memref<!tpu.dma_semaphore, #tpu.memory_space<semaphore_mem>>
        %dma_start3A_95 = arith.constant 0 : i32
        %dma_start3A_96 = tpu.memref_slice %arg7[%mul3A_94, %dma_start3A_95] : memref<10112x128xf32, #tpu.memory_space<vmem_shared>> -> memref<632x128xf32, #tpu.memory_space<vmem_shared>>
        %dma_start3A_97 = arith.constant 0 : i32
        %dma_start3A_98 = tpu.memref_slice %arg2[%mul3A_92, %dma_start3A_97] : memref<10112x128xf32, #tpu.memory_space<hbm>> -> memref<632x128xf32, #tpu.memory_space<hbm>>
        tpu.enqueue_dma source(%dma_start3A_98 : memref<632x128xf32, #tpu.memory_space<hbm>>) target(%dma_start3A_96 : memref<632x128xf32, #tpu.memory_space<vmem_shared>>) target_semaphore(%run_scoped3A : memref<!tpu.dma_semaphore, #tpu.memory_space<semaphore_mem>>)
        %dma_wait3A_99 = arith.constant 0 : i32
        %dma_wait3A_100 = tpu.memref_slice %arg7[%mul3A_94, %dma_wait3A_99] : memref<10112x128xf32, #tpu.memory_space<vmem_shared>> -> memref<632x128xf32, #tpu.memory_space<vmem_shared>>
        %dma_wait3A_101 = arith.constant 0 : i32
        %dma_wait3A_102 = tpu.memref_slice %arg2[%mul3A_92, %dma_wait3A_101] : memref<10112x128xf32, #tpu.memory_space<hbm>> -> memref<632x128xf32, #tpu.memory_space<hbm>>
        tpu.wait_dma2 semaphore(%run_scoped3A : memref<!tpu.dma_semaphore, #tpu.memory_space<semaphore_mem>>) src(%dma_wait3A_102 : memref<632x128xf32, #tpu.memory_space<hbm>>) dst(%dma_wait3A_100 : memref<632x128xf32, #tpu.memory_space<vmem_shared>>)
        tpu.yield
      }) : () -> ()
    } else {
    }
    %barrier3A = arith.constant 0 : index
    tpu.barrier barrier_id(%barrier3A)
    %dma_start3A = arith.constant 0 : i32
    %dma_start3A_8 = arith.constant 0 : i32
    %dma_start3A_9 = arith.constant 0 : i32
    %dma_start3A_10 = tpu.memref_slice %arg4[%add3A, %dma_start3A, %dma_start3A_8, %dma_start3A_9] : memref<32x90x1x112xi32, #tpu.memory_space<hbm>> -> memref<1x1x1x112xi32, #tpu.memory_space<hbm>>
    %dma_start3A_11 = tpu.memref_squeeze %dma_start3A_10 : memref<1x1x1x112xi32, #tpu.memory_space<hbm>> -> memref<1x112xi32, #tpu.memory_space<hbm>>
    %dma_start3A_12 = arith.constant 0 : i32
    %dma_start3A_13 = arith.constant 0 : i32
    %dma_start3A_14 = tpu.memref_slice %arg4[%add3A, %dma_start3A, %dma_start3A_12, %dma_start3A_13] : memref<32x90x1x112xi32, #tpu.memory_space<hbm>> -> memref<1x1x1x112xi32, #tpu.memory_space<hbm>>
    %dma_start3A_15 = tpu.memref_squeeze %dma_start3A_14 : memref<1x1x1x112xi32, #tpu.memory_space<hbm>> -> memref<1x112xi32, #tpu.memory_space<hbm>>
    tpu.enqueue_dma source(%dma_start3A_15 : memref<1x112xi32, #tpu.memory_space<hbm>>) target(%arg8 : memref<1x112xi32, #tpu.memory_space<vmem>>) target_semaphore(%arg17 : memref<!tpu.dma_semaphore, #tpu.memory_space<semaphore_mem>>)
    %dma_start3A_16 = arith.constant 1 : i32
    %dma_start3A_17 = arith.constant 0 : i32
    %dma_start3A_18 = arith.constant 0 : i32
    %dma_start3A_19 = tpu.memref_slice %arg4[%add3A, %dma_start3A_16, %dma_start3A_17, %dma_start3A_18] : memref<32x90x1x112xi32, #tpu.memory_space<hbm>> -> memref<1x1x1x112xi32, #tpu.memory_space<hbm>>
    %dma_start3A_20 = tpu.memref_squeeze %dma_start3A_19 : memref<1x1x1x112xi32, #tpu.memory_space<hbm>> -> memref<1x112xi32, #tpu.memory_space<hbm>>
    %dma_start3A_21 = arith.constant 0 : i32
    %dma_start3A_22 = arith.constant 0 : i32
    %dma_start3A_23 = tpu.memref_slice %arg4[%add3A, %dma_start3A_16, %dma_start3A_21, %dma_start3A_22] : memref<32x90x1x112xi32, #tpu.memory_space<hbm>> -> memref<1x1x1x112xi32, #tpu.memory_space<hbm>>
    %dma_start3A_24 = tpu.memref_squeeze %dma_start3A_23 : memref<1x1x1x112xi32, #tpu.memory_space<hbm>> -> memref<1x112xi32, #tpu.memory_space<hbm>>
    tpu.enqueue_dma source(%dma_start3A_24 : memref<1x112xi32, #tpu.memory_space<hbm>>) target(%arg9 : memref<1x112xi32, #tpu.memory_space<vmem>>) target_semaphore(%arg18 : memref<!tpu.dma_semaphore, #tpu.memory_space<semaphore_mem>>)
    %dma_start3A_25 = arith.constant 0 : i32
    %dma_start3A_26 = arith.constant 0 : i32
    %dma_start3A_27 = arith.constant 0 : i32
    %dma_start3A_28 = tpu.memref_slice %arg5[%add3A, %dma_start3A_25, %dma_start3A_26, %dma_start3A_27] : memref<32x90x1x112xi32, #tpu.memory_space<hbm>> -> memref<1x1x1x112xi32, #tpu.memory_space<hbm>>
    %dma_start3A_29 = tpu.memref_squeeze %dma_start3A_28 : memref<1x1x1x112xi32, #tpu.memory_space<hbm>> -> memref<1x112xi32, #tpu.memory_space<hbm>>
    %dma_start3A_30 = arith.constant 0 : i32
    %dma_start3A_31 = arith.constant 0 : i32
    %dma_start3A_32 = tpu.memref_slice %arg5[%add3A, %dma_start3A_25, %dma_start3A_30, %dma_start3A_31] : memref<32x90x1x112xi32, #tpu.memory_space<hbm>> -> memref<1x1x1x112xi32, #tpu.memory_space<hbm>>
    %dma_start3A_33 = tpu.memref_squeeze %dma_start3A_32 : memref<1x1x1x112xi32, #tpu.memory_space<hbm>> -> memref<1x112xi32, #tpu.memory_space<hbm>>
    tpu.enqueue_dma source(%dma_start3A_33 : memref<1x112xi32, #tpu.memory_space<hbm>>) target(%arg11 : memref<1x112xi32, #tpu.memory_space<vmem>>) target_semaphore(%arg20 : memref<!tpu.dma_semaphore, #tpu.memory_space<semaphore_mem>>)
    %dma_wait3A = arith.constant 0 : i32
    %dma_wait3A_34 = arith.constant 0 : i32
    %dma_wait3A_35 = arith.constant 0 : i32
    %dma_wait3A_36 = tpu.memref_slice %arg4[%add3A, %dma_wait3A, %dma_wait3A_34, %dma_wait3A_35] : memref<32x90x1x112xi32, #tpu.memory_space<hbm>> -> memref<1x1x1x112xi32, #tpu.memory_space<hbm>>
    %dma_wait3A_37 = tpu.memref_squeeze %dma_wait3A_36 : memref<1x1x1x112xi32, #tpu.memory_space<hbm>> -> memref<1x112xi32, #tpu.memory_space<hbm>>
    %dma_wait3A_38 = arith.constant 0 : i32
    %dma_wait3A_39 = arith.constant 0 : i32
    %dma_wait3A_40 = tpu.memref_slice %arg4[%add3A, %dma_wait3A, %dma_wait3A_38, %dma_wait3A_39] : memref<32x90x1x112xi32, #tpu.memory_space<hbm>> -> memref<1x1x1x112xi32, #tpu.memory_space<hbm>>
    %dma_wait3A_41 = tpu.memref_squeeze %dma_wait3A_40 : memref<1x1x1x112xi32, #tpu.memory_space<hbm>> -> memref<1x112xi32, #tpu.memory_space<hbm>>
    tpu.wait_dma2 semaphore(%arg17 : memref<!tpu.dma_semaphore, #tpu.memory_space<semaphore_mem>>) src(%dma_wait3A_41 : memref<1x112xi32, #tpu.memory_space<hbm>>) dst(%arg8 : memref<1x112xi32, #tpu.memory_space<vmem>>)
    %dma_start3A_42 = arith.constant 0 : i32
    %dma_start3A_43 = arith.constant 0 : i32
    %dma_start3A_44 = tpu.memref_slice %arg8[%dma_start3A_42, %dma_start3A_43] : memref<1x112xi32, #tpu.memory_space<vmem>> -> memref<1x112xi32, #tpu.memory_space<vmem>>
    %dma_start3A_45 = tpu.memref_squeeze %dma_start3A_44 : memref<1x112xi32, #tpu.memory_space<vmem>> -> memref<112xi32, #tpu.memory_space<vmem>>
    %dma_start3A_46 = arith.constant 0 : i32
    %dma_start3A_47 = arith.constant 0 : i32
    %dma_start3A_48 = tpu.memref_slice %arg2[%dma_start3A_46, %dma_start3A_47] : memref<10112x128xf32, #tpu.memory_space<hbm>> -> memref<10112x128xf32, #tpu.memory_space<hbm>>
    tpu.enqueue_indirect_dma source(%dma_start3A_48 : memref<10112x128xf32, #tpu.memory_space<hbm>>) target(%arg14 : memref<112x128xf32, #tpu.memory_space<vmem>>) offsets(%dma_start3A_45 : memref<112xi32, #tpu.memory_space<vmem>>) semaphore(%arg23 : memref<!tpu.dma_semaphore, #tpu.memory_space<semaphore_mem>>)
    %dma_wait3A_49 = arith.constant 0 : i32
    %dma_wait3A_50 = arith.constant 0 : i32
    %dma_wait3A_51 = arith.constant 0 : i32
    %dma_wait3A_52 = tpu.memref_slice %arg4[%add3A, %dma_wait3A_49, %dma_wait3A_50, %dma_wait3A_51] : memref<32x90x1x112xi32, #tpu.memory_space<hbm>> -> memref<1x1x1x112xi32, #tpu.memory_space<hbm>>
    %dma_wait3A_53 = tpu.memref_squeeze %dma_wait3A_52 : memref<1x1x1x112xi32, #tpu.memory_space<hbm>> -> memref<1x112xi32, #tpu.memory_space<hbm>>
    %dma_wait3A_54 = arith.constant 0 : i32
    %dma_wait3A_55 = arith.constant 0 : i32
    %dma_wait3A_56 = tpu.memref_slice %arg4[%add3A, %dma_wait3A_49, %dma_wait3A_54, %dma_wait3A_55] : memref<32x90x1x112xi32, #tpu.memory_space<hbm>> -> memref<1x1x1x112xi32, #tpu.memory_space<hbm>>
    %dma_wait3A_57 = tpu.memref_squeeze %dma_wait3A_56 : memref<1x1x1x112xi32, #tpu.memory_space<hbm>> -> memref<1x112xi32, #tpu.memory_space<hbm>>
    tpu.wait_dma2 semaphore(%arg18 : memref<!tpu.dma_semaphore, #tpu.memory_space<semaphore_mem>>) src(%dma_wait3A_57 : memref<1x112xi32, #tpu.memory_space<hbm>>) dst(%arg9 : memref<1x112xi32, #tpu.memory_space<vmem>>)
    %dma_start3A_58 = arith.constant 0 : i32
    %dma_start3A_59 = arith.constant 0 : i32
    %dma_start3A_60 = tpu.memref_slice %arg9[%dma_start3A_58, %dma_start3A_59] : memref<1x112xi32, #tpu.memory_space<vmem>> -> memref<1x112xi32, #tpu.memory_space<vmem>>
    %dma_start3A_61 = tpu.memref_squeeze %dma_start3A_60 : memref<1x112xi32, #tpu.memory_space<vmem>> -> memref<112xi32, #tpu.memory_space<vmem>>
    %dma_start3A_62 = arith.constant 0 : i32
    %dma_start3A_63 = arith.constant 0 : i32
    %dma_start3A_64 = tpu.memref_slice %arg2[%dma_start3A_62, %dma_start3A_63] : memref<10112x128xf32, #tpu.memory_space<hbm>> -> memref<10112x128xf32, #tpu.memory_space<hbm>>
    tpu.enqueue_indirect_dma source(%dma_start3A_64 : memref<10112x128xf32, #tpu.memory_space<hbm>>) target(%arg15 : memref<112x128xf32, #tpu.memory_space<vmem>>) offsets(%dma_start3A_61 : memref<112xi32, #tpu.memory_space<vmem>>) semaphore(%arg24 : memref<!tpu.dma_semaphore, #tpu.memory_space<semaphore_mem>>)
    %dma_start3A_65 = arith.constant 2 : i32
    %dma_start3A_66 = arith.constant 0 : i32
    %dma_start3A_67 = arith.constant 0 : i32
    %dma_start3A_68 = tpu.memref_slice %arg4[%add3A, %dma_start3A_65, %dma_start3A_66, %dma_start3A_67] : memref<32x90x1x112xi32, #tpu.memory_space<hbm>> -> memref<1x1x1x112xi32, #tpu.memory_space<hbm>>
    %dma_start3A_69 = tpu.memref_squeeze %dma_start3A_68 : memref<1x1x1x112xi32, #tpu.memory_space<hbm>> -> memref<1x112xi32, #tpu.memory_space<hbm>>
    %dma_start3A_70 = arith.constant 0 : i32
    %dma_start3A_71 = arith.constant 0 : i32
    %dma_start3A_72 = tpu.memref_slice %arg4[%add3A, %dma_start3A_65, %dma_start3A_70, %dma_start3A_71] : memref<32x90x1x112xi32, #tpu.memory_space<hbm>> -> memref<1x1x1x112xi32, #tpu.memory_space<hbm>>
    %dma_start3A_73 = tpu.memref_squeeze %dma_start3A_72 : memref<1x1x1x112xi32, #tpu.memory_space<hbm>> -> memref<1x112xi32, #tpu.memory_space<hbm>>
    tpu.enqueue_dma source(%dma_start3A_73 : memref<1x112xi32, #tpu.memory_space<hbm>>) target(%arg10 : memref<1x112xi32, #tpu.memory_space<vmem>>) target_semaphore(%arg19 : memref<!tpu.dma_semaphore, #tpu.memory_space<semaphore_mem>>)
    %scan3A = arith.constant 0 : i32
    %scan3A_74 = arith.constant 0 : i32
    %scan3A_75 = arith.constant 30 : i32
    %scan3A_76 = arith.addi %scan3A_74, %scan3A_75 : i32
    %scan3A_77 = arith.constant 1 : i32
    scf.for %scan3A_91 = %scan3A_74 to %scan3A_76 step %scan3A_77  : i32 {
      %mul3A_92 = arith.constant 3 : i32
      %mul3A_93 = arith.muli %mul3A_92, %scan3A_91 : i32
      %add3A_94 = arith.constant 0 : i32
      %add3A_95 = arith.addi %mul3A_93, %add3A_94 : i32
      %dma_wait3A_96 = arith.constant 0 : i32
      %dma_wait3A_97 = arith.constant 0 : i32
      %dma_wait3A_98 = tpu.memref_slice %arg8[%dma_wait3A_96, %dma_wait3A_97] : memref<1x112xi32, #tpu.memory_space<vmem>> -> memref<1x112xi32, #tpu.memory_space<vmem>>
      %dma_wait3A_99 = tpu.memref_squeeze %dma_wait3A_98 : memref<1x112xi32, #tpu.memory_space<vmem>> -> memref<112xi32, #tpu.memory_space<vmem>>
      %dma_wait3A_100 = arith.constant 0 : i32
      %dma_wait3A_101 = arith.constant 0 : i32
      %dma_wait3A_102 = tpu.memref_slice %arg2[%dma_wait3A_100, %dma_wait3A_101] : memref<10112x128xf32, #tpu.memory_space<hbm>> -> memref<10112x128xf32, #tpu.memory_space<hbm>>
      tpu.wait_indirect_dma semaphore(%arg23 : memref<!tpu.dma_semaphore, #tpu.memory_space<semaphore_mem>>) src(%dma_wait3A_102 : memref<10112x128xf32, #tpu.memory_space<hbm>>) dst(%arg14 : memref<112x128xf32, #tpu.memory_space<vmem>>)
      %dma_wait3A_103 = arith.constant 0 : i32
      %dma_wait3A_104 = arith.constant 0 : i32
      %dma_wait3A_105 = arith.constant 0 : i32
      %dma_wait3A_106 = tpu.memref_slice %arg5[%add3A, %dma_wait3A_103, %dma_wait3A_104, %dma_wait3A_105] : memref<32x90x1x112xi32, #tpu.memory_space<hbm>> -> memref<1x1x1x112xi32, #tpu.memory_space<hbm>>
      %dma_wait3A_107 = tpu.memref_squeeze %dma_wait3A_106 : memref<1x1x1x112xi32, #tpu.memory_space<hbm>> -> memref<1x112xi32, #tpu.memory_space<hbm>>
      %dma_wait3A_108 = arith.constant 0 : i32
      %dma_wait3A_109 = arith.constant 0 : i32
      %dma_wait3A_110 = tpu.memref_slice %arg5[%add3A, %dma_wait3A_103, %dma_wait3A_108, %dma_wait3A_109] : memref<32x90x1x112xi32, #tpu.memory_space<hbm>> -> memref<1x1x1x112xi32, #tpu.memory_space<hbm>>
      %dma_wait3A_111 = tpu.memref_squeeze %dma_wait3A_110 : memref<1x1x1x112xi32, #tpu.memory_space<hbm>> -> memref<1x112xi32, #tpu.memory_space<hbm>>
      tpu.wait_dma2 semaphore(%arg20 : memref<!tpu.dma_semaphore, #tpu.memory_space<semaphore_mem>>) src(%dma_wait3A_111 : memref<1x112xi32, #tpu.memory_space<hbm>>) dst(%arg11 : memref<1x112xi32, #tpu.memory_space<vmem>>)
      %dma_start3A_112 = arith.constant 0 : i32
      %dma_start3A_113 = arith.constant 0 : i32
      %dma_start3A_114 = tpu.memref_slice %arg11[%dma_start3A_112, %dma_start3A_113] : memref<1x112xi32, #tpu.memory_space<vmem>> -> memref<1x112xi32, #tpu.memory_space<vmem>>
      %dma_start3A_115 = tpu.memref_squeeze %dma_start3A_114 : memref<1x112xi32, #tpu.memory_space<vmem>> -> memref<112xi32, #tpu.memory_space<vmem>>
      %dma_start3A_116 = arith.constant 0 : i32
      %dma_start3A_117 = arith.constant 0 : i32
      %dma_start3A_118 = tpu.memref_slice %arg7[%dma_start3A_116, %dma_start3A_117] : memref<10112x128xf32, #tpu.memory_space<vmem_shared>> -> memref<10112x128xf32, #tpu.memory_space<vmem_shared>>
      tpu.enqueue_indirect_dma source(%arg14 : memref<112x128xf32, #tpu.memory_space<vmem>>) target(%dma_start3A_118 : memref<10112x128xf32, #tpu.memory_space<vmem_shared>>) offsets(%dma_start3A_115 : memref<112xi32, #tpu.memory_space<vmem>>) semaphore(%arg26 : memref<!tpu.dma_semaphore, #tpu.memory_space<semaphore_mem>>) {add = true}
      %gt3A = arith.constant 0 : i32
      %gt3A_119 = arith.cmpi sgt, %scan3A_91, %gt3A : i32
      %convert_element_type3A_120 = arith.extui %gt3A_119 : i1 to i32
      %cond3A_121 = arith.constant 0 : i32
      %cond3A_122 = arith.cmpi ne, %convert_element_type3A_120, %cond3A_121 : i32
      scf.if %cond3A_122 {
        %dma_wait3A_253 = arith.constant 0 : i32
        %dma_wait3A_254 = arith.constant 0 : i32
        %dma_wait3A_255 = tpu.memref_slice %arg13[%dma_wait3A_253, %dma_wait3A_254] : memref<1x112xi32, #tpu.memory_space<vmem>> -> memref<1x112xi32, #tpu.memory_space<vmem>>
        %dma_wait3A_256 = tpu.memref_squeeze %dma_wait3A_255 : memref<1x112xi32, #tpu.memory_space<vmem>> -> memref<112xi32, #tpu.memory_space<vmem>>
        %dma_wait3A_257 = arith.constant 0 : i32
        %dma_wait3A_258 = arith.constant 0 : i32
        %dma_wait3A_259 = tpu.memref_slice %arg7[%dma_wait3A_257, %dma_wait3A_258] : memref<10112x128xf32, #tpu.memory_space<vmem_shared>> -> memref<10112x128xf32, #tpu.memory_space<vmem_shared>>
        tpu.wait_indirect_dma semaphore(%arg28 : memref<!tpu.dma_semaphore, #tpu.memory_space<semaphore_mem>>) src(%arg16 : memref<112x128xf32, #tpu.memory_space<vmem>>) dst(%dma_wait3A_259 : memref<10112x128xf32, #tpu.memory_space<vmem_shared>>)
      } else {
      }
      %add3A_123 = arith.constant 2 : i32
      %add3A_124 = arith.addi %add3A_95, %add3A_123 : i32
      %lt3A = arith.constant 90 : i32
      %lt3A_125 = arith.cmpi slt, %add3A_124, %lt3A : i32
      %convert_element_type3A_126 = arith.extui %lt3A_125 : i1 to i32
      %cond3A_127 = arith.constant 0 : i32
      %cond3A_128 = arith.cmpi ne, %convert_element_type3A_126, %cond3A_127 : i32
      scf.if %cond3A_128 {
        %dma_wait3A_253 = arith.constant 0 : i32
        %dma_wait3A_254 = arith.constant 0 : i32
        %dma_wait3A_255 = arith.constant 0 : i32
        %dma_wait3A_256 = tpu.memref_slice %arg4[%add3A, %dma_wait3A_253, %dma_wait3A_254, %dma_wait3A_255] : memref<32x90x1x112xi32, #tpu.memory_space<hbm>> -> memref<1x1x1x112xi32, #tpu.memory_space<hbm>>
        %dma_wait3A_257 = tpu.memref_squeeze %dma_wait3A_256 : memref<1x1x1x112xi32, #tpu.memory_space<hbm>> -> memref<1x112xi32, #tpu.memory_space<hbm>>
        %dma_wait3A_258 = arith.constant 0 : i32
        %dma_wait3A_259 = arith.constant 0 : i32
        %dma_wait3A_260 = tpu.memref_slice %arg4[%add3A, %dma_wait3A_253, %dma_wait3A_258, %dma_wait3A_259] : memref<32x90x1x112xi32, #tpu.memory_space<hbm>> -> memref<1x1x1x112xi32, #tpu.memory_space<hbm>>
        %dma_wait3A_261 = tpu.memref_squeeze %dma_wait3A_260 : memref<1x1x1x112xi32, #tpu.memory_space<hbm>> -> memref<1x112xi32, #tpu.memory_space<hbm>>
        tpu.wait_dma2 semaphore(%arg19 : memref<!tpu.dma_semaphore, #tpu.memory_space<semaphore_mem>>) src(%dma_wait3A_261 : memref<1x112xi32, #tpu.memory_space<hbm>>) dst(%arg10 : memref<1x112xi32, #tpu.memory_space<vmem>>)
        %dma_start3A_262 = arith.constant 0 : i32
        %dma_start3A_263 = arith.constant 0 : i32
        %dma_start3A_264 = tpu.memref_slice %arg10[%dma_start3A_262, %dma_start3A_263] : memref<1x112xi32, #tpu.memory_space<vmem>> -> memref<1x112xi32, #tpu.memory_space<vmem>>
        %dma_start3A_265 = tpu.memref_squeeze %dma_start3A_264 : memref<1x112xi32, #tpu.memory_space<vmem>> -> memref<112xi32, #tpu.memory_space<vmem>>
        %dma_start3A_266 = arith.constant 0 : i32
        %dma_start3A_267 = arith.constant 0 : i32
        %dma_start3A_268 = tpu.memref_slice %arg2[%dma_start3A_266, %dma_start3A_267] : memref<10112x128xf32, #tpu.memory_space<hbm>> -> memref<10112x128xf32, #tpu.memory_space<hbm>>
        tpu.enqueue_indirect_dma source(%dma_start3A_268 : memref<10112x128xf32, #tpu.memory_space<hbm>>) target(%arg16 : memref<112x128xf32, #tpu.memory_space<vmem>>) offsets(%dma_start3A_265 : memref<112xi32, #tpu.memory_space<vmem>>) semaphore(%arg25 : memref<!tpu.dma_semaphore, #tpu.memory_space<semaphore_mem>>)
      } else {
      }
      %add3A_129 = arith.constant 3 : i32
      %add3A_130 = arith.addi %add3A_95, %add3A_129 : i32
      %lt3A_131 = arith.constant 90 : i32
      %lt3A_132 = arith.cmpi slt, %add3A_130, %lt3A_131 : i32
      %convert_element_type3A_133 = arith.extui %lt3A_132 : i1 to i32
      %cond3A_134 = arith.constant 0 : i32
      %cond3A_135 = arith.cmpi ne, %convert_element_type3A_133, %cond3A_134 : i32
      scf.if %cond3A_135 {
        %add3A_253 = arith.constant 3 : i32
        %add3A_254 = arith.addi %add3A_95, %add3A_253 : i32
        %dma_start3A_255 = arith.constant 0 : i32
        %dma_start3A_256 = arith.constant 0 : i32
        %dma_start3A_257 = tpu.memref_slice %arg4[%add3A, %add3A_254, %dma_start3A_255, %dma_start3A_256] : memref<32x90x1x112xi32, #tpu.memory_space<hbm>> -> memref<1x1x1x112xi32, #tpu.memory_space<hbm>>
        %dma_start3A_258 = tpu.memref_squeeze %dma_start3A_257 : memref<1x1x1x112xi32, #tpu.memory_space<hbm>> -> memref<1x112xi32, #tpu.memory_space<hbm>>
        %dma_start3A_259 = arith.constant 0 : i32
        %dma_start3A_260 = arith.constant 0 : i32
        %dma_start3A_261 = tpu.memref_slice %arg4[%add3A, %add3A_254, %dma_start3A_259, %dma_start3A_260] : memref<32x90x1x112xi32, #tpu.memory_space<hbm>> -> memref<1x1x1x112xi32, #tpu.memory_space<hbm>>
        %dma_start3A_262 = tpu.memref_squeeze %dma_start3A_261 : memref<1x1x1x112xi32, #tpu.memory_space<hbm>> -> memref<1x112xi32, #tpu.memory_space<hbm>>
        tpu.enqueue_dma source(%dma_start3A_262 : memref<1x112xi32, #tpu.memory_space<hbm>>) target(%arg8 : memref<1x112xi32, #tpu.memory_space<vmem>>) target_semaphore(%arg17 : memref<!tpu.dma_semaphore, #tpu.memory_space<semaphore_mem>>)
      } else {
      }
      %add3A_136 = arith.constant 1 : i32
      %add3A_137 = arith.addi %add3A_95, %add3A_136 : i32
      %lt3A_138 = arith.constant 90 : i32
      %lt3A_139 = arith.cmpi slt, %add3A_137, %lt3A_138 : i32
      %convert_element_type3A_140 = arith.extui %lt3A_139 : i1 to i32
      %cond3A_141 = arith.constant 0 : i32
      %cond3A_142 = arith.cmpi ne, %convert_element_type3A_140, %cond3A_141 : i32
      scf.if %cond3A_142 {
        %add3A_253 = arith.constant 1 : i32
        %add3A_254 = arith.addi %add3A_95, %add3A_253 : i32
        %dma_start3A_255 = arith.constant 0 : i32
        %dma_start3A_256 = arith.constant 0 : i32
        %dma_start3A_257 = tpu.memref_slice %arg5[%add3A, %add3A_254, %dma_start3A_255, %dma_start3A_256] : memref<32x90x1x112xi32, #tpu.memory_space<hbm>> -> memref<1x1x1x112xi32, #tpu.memory_space<hbm>>
        %dma_start3A_258 = tpu.memref_squeeze %dma_start3A_257 : memref<1x1x1x112xi32, #tpu.memory_space<hbm>> -> memref<1x112xi32, #tpu.memory_space<hbm>>
        %dma_start3A_259 = arith.constant 0 : i32
        %dma_start3A_260 = arith.constant 0 : i32
        %dma_start3A_261 = tpu.memref_slice %arg5[%add3A, %add3A_254, %dma_start3A_259, %dma_start3A_260] : memref<32x90x1x112xi32, #tpu.memory_space<hbm>> -> memref<1x1x1x112xi32, #tpu.memory_space<hbm>>
        %dma_start3A_262 = tpu.memref_squeeze %dma_start3A_261 : memref<1x1x1x112xi32, #tpu.memory_space<hbm>> -> memref<1x112xi32, #tpu.memory_space<hbm>>
        tpu.enqueue_dma source(%dma_start3A_262 : memref<1x112xi32, #tpu.memory_space<hbm>>) target(%arg12 : memref<1x112xi32, #tpu.memory_space<vmem>>) target_semaphore(%arg21 : memref<!tpu.dma_semaphore, #tpu.memory_space<semaphore_mem>>)
      } else {
      }
      %mul3A_143 = arith.constant 3 : i32
      %mul3A_144 = arith.muli %mul3A_143, %scan3A_91 : i32
      %add3A_145 = arith.constant 1 : i32
      %add3A_146 = arith.addi %mul3A_144, %add3A_145 : i32
      %dma_wait3A_147 = arith.constant 0 : i32
      %dma_wait3A_148 = arith.constant 0 : i32
      %dma_wait3A_149 = tpu.memref_slice %arg9[%dma_wait3A_147, %dma_wait3A_148] : memref<1x112xi32, #tpu.memory_space<vmem>> -> memref<1x112xi32, #tpu.memory_space<vmem>>
      %dma_wait3A_150 = tpu.memref_squeeze %dma_wait3A_149 : memref<1x112xi32, #tpu.memory_space<vmem>> -> memref<112xi32, #tpu.memory_space<vmem>>
      %dma_wait3A_151 = arith.constant 0 : i32
      %dma_wait3A_152 = arith.constant 0 : i32
      %dma_wait3A_153 = tpu.memref_slice %arg2[%dma_wait3A_151, %dma_wait3A_152] : memref<10112x128xf32, #tpu.memory_space<hbm>> -> memref<10112x128xf32, #tpu.memory_space<hbm>>
      tpu.wait_indirect_dma semaphore(%arg24 : memref<!tpu.dma_semaphore, #tpu.memory_space<semaphore_mem>>) src(%dma_wait3A_153 : memref<10112x128xf32, #tpu.memory_space<hbm>>) dst(%arg15 : memref<112x128xf32, #tpu.memory_space<vmem>>)
      %dma_wait3A_154 = arith.constant 0 : i32
      %dma_wait3A_155 = arith.constant 0 : i32
      %dma_wait3A_156 = arith.constant 0 : i32
      %dma_wait3A_157 = tpu.memref_slice %arg5[%add3A, %dma_wait3A_154, %dma_wait3A_155, %dma_wait3A_156] : memref<32x90x1x112xi32, #tpu.memory_space<hbm>> -> memref<1x1x1x112xi32, #tpu.memory_space<hbm>>
      %dma_wait3A_158 = tpu.memref_squeeze %dma_wait3A_157 : memref<1x1x1x112xi32, #tpu.memory_space<hbm>> -> memref<1x112xi32, #tpu.memory_space<hbm>>
      %dma_wait3A_159 = arith.constant 0 : i32
      %dma_wait3A_160 = arith.constant 0 : i32
      %dma_wait3A_161 = tpu.memref_slice %arg5[%add3A, %dma_wait3A_154, %dma_wait3A_159, %dma_wait3A_160] : memref<32x90x1x112xi32, #tpu.memory_space<hbm>> -> memref<1x1x1x112xi32, #tpu.memory_space<hbm>>
      %dma_wait3A_162 = tpu.memref_squeeze %dma_wait3A_161 : memref<1x1x1x112xi32, #tpu.memory_space<hbm>> -> memref<1x112xi32, #tpu.memory_space<hbm>>
      tpu.wait_dma2 semaphore(%arg21 : memref<!tpu.dma_semaphore, #tpu.memory_space<semaphore_mem>>) src(%dma_wait3A_162 : memref<1x112xi32, #tpu.memory_space<hbm>>) dst(%arg12 : memref<1x112xi32, #tpu.memory_space<vmem>>)
      %dma_start3A_163 = arith.constant 0 : i32
      %dma_start3A_164 = arith.constant 0 : i32
      %dma_start3A_165 = tpu.memref_slice %arg12[%dma_start3A_163, %dma_start3A_164] : memref<1x112xi32, #tpu.memory_space<vmem>> -> memref<1x112xi32, #tpu.memory_space<vmem>>
      %dma_start3A_166 = tpu.memref_squeeze %dma_start3A_165 : memref<1x112xi32, #tpu.memory_space<vmem>> -> memref<112xi32, #tpu.memory_space<vmem>>
      %dma_start3A_167 = arith.constant 0 : i32
      %dma_start3A_168 = arith.constant 0 : i32
      %dma_start3A_169 = tpu.memref_slice %arg7[%dma_start3A_167, %dma_start3A_168] : memref<10112x128xf32, #tpu.memory_space<vmem_shared>> -> memref<10112x128xf32, #tpu.memory_space<vmem_shared>>
      tpu.enqueue_indirect_dma source(%arg15 : memref<112x128xf32, #tpu.memory_space<vmem>>) target(%dma_start3A_169 : memref<10112x128xf32, #tpu.memory_space<vmem_shared>>) offsets(%dma_start3A_166 : memref<112xi32, #tpu.memory_space<vmem>>) semaphore(%arg27 : memref<!tpu.dma_semaphore, #tpu.memory_space<semaphore_mem>>) {add = true}
      %dma_wait3A_170 = arith.constant 0 : i32
      %dma_wait3A_171 = arith.constant 0 : i32
      %dma_wait3A_172 = tpu.memref_slice %arg11[%dma_wait3A_170, %dma_wait3A_171] : memref<1x112xi32, #tpu.memory_space<vmem>> -> memref<1x112xi32, #tpu.memory_space<vmem>>
      %dma_wait3A_173 = tpu.memref_squeeze %dma_wait3A_172 : memref<1x112xi32, #tpu.memory_space<vmem>> -> memref<112xi32, #tpu.memory_space<vmem>>
      %dma_wait3A_174 = arith.constant 0 : i32
      %dma_wait3A_175 = arith.constant 0 : i32
      %dma_wait3A_176 = tpu.memref_slice %arg7[%dma_wait3A_174, %dma_wait3A_175] : memref<10112x128xf32, #tpu.memory_space<vmem_shared>> -> memref<10112x128xf32, #tpu.memory_space<vmem_shared>>
      tpu.wait_indirect_dma semaphore(%arg26 : memref<!tpu.dma_semaphore, #tpu.memory_space<semaphore_mem>>) src(%arg14 : memref<112x128xf32, #tpu.memory_space<vmem>>) dst(%dma_wait3A_176 : memref<10112x128xf32, #tpu.memory_space<vmem_shared>>)
      %add3A_177 = arith.constant 2 : i32
      %add3A_178 = arith.addi %add3A_146, %add3A_177 : i32
      %lt3A_179 = arith.constant 90 : i32
      %lt3A_180 = arith.cmpi slt, %add3A_178, %lt3A_179 : i32
      %convert_element_type3A_181 = arith.extui %lt3A_180 : i1 to i32
      %cond3A_182 = arith.constant 0 : i32
      %cond3A_183 = arith.cmpi ne, %convert_element_type3A_181, %cond3A_182 : i32
      scf.if %cond3A_183 {
        %dma_wait3A_253 = arith.constant 0 : i32
        %dma_wait3A_254 = arith.constant 0 : i32
        %dma_wait3A_255 = arith.constant 0 : i32
        %dma_wait3A_256 = tpu.memref_slice %arg4[%add3A, %dma_wait3A_253, %dma_wait3A_254, %dma_wait3A_255] : memref<32x90x1x112xi32, #tpu.memory_space<hbm>> -> memref<1x1x1x112xi32, #tpu.memory_space<hbm>>
        %dma_wait3A_257 = tpu.memref_squeeze %dma_wait3A_256 : memref<1x1x1x112xi32, #tpu.memory_space<hbm>> -> memref<1x112xi32, #tpu.memory_space<hbm>>
        %dma_wait3A_258 = arith.constant 0 : i32
        %dma_wait3A_259 = arith.constant 0 : i32
        %dma_wait3A_260 = tpu.memref_slice %arg4[%add3A, %dma_wait3A_253, %dma_wait3A_258, %dma_wait3A_259] : memref<32x90x1x112xi32, #tpu.memory_space<hbm>> -> memref<1x1x1x112xi32, #tpu.memory_space<hbm>>
        %dma_wait3A_261 = tpu.memref_squeeze %dma_wait3A_260 : memref<1x1x1x112xi32, #tpu.memory_space<hbm>> -> memref<1x112xi32, #tpu.memory_space<hbm>>
        tpu.wait_dma2 semaphore(%arg17 : memref<!tpu.dma_semaphore, #tpu.memory_space<semaphore_mem>>) src(%dma_wait3A_261 : memref<1x112xi32, #tpu.memory_space<hbm>>) dst(%arg8 : memref<1x112xi32, #tpu.memory_space<vmem>>)
        %dma_start3A_262 = arith.constant 0 : i32
        %dma_start3A_263 = arith.constant 0 : i32
        %dma_start3A_264 = tpu.memref_slice %arg8[%dma_start3A_262, %dma_start3A_263] : memref<1x112xi32, #tpu.memory_space<vmem>> -> memref<1x112xi32, #tpu.memory_space<vmem>>
        %dma_start3A_265 = tpu.memref_squeeze %dma_start3A_264 : memref<1x112xi32, #tpu.memory_space<vmem>> -> memref<112xi32, #tpu.memory_space<vmem>>
        %dma_start3A_266 = arith.constant 0 : i32
        %dma_start3A_267 = arith.constant 0 : i32
        %dma_start3A_268 = tpu.memref_slice %arg2[%dma_start3A_266, %dma_start3A_267] : memref<10112x128xf32, #tpu.memory_space<hbm>> -> memref<10112x128xf32, #tpu.memory_space<hbm>>
        tpu.enqueue_indirect_dma source(%dma_start3A_268 : memref<10112x128xf32, #tpu.memory_space<hbm>>) target(%arg14 : memref<112x128xf32, #tpu.memory_space<vmem>>) offsets(%dma_start3A_265 : memref<112xi32, #tpu.memory_space<vmem>>) semaphore(%arg23 : memref<!tpu.dma_semaphore, #tpu.memory_space<semaphore_mem>>)
      } else {
      }
      %add3A_184 = arith.constant 3 : i32
      %add3A_185 = arith.addi %add3A_146, %add3A_184 : i32
      %lt3A_186 = arith.constant 90 : i32
      %lt3A_187 = arith.cmpi slt, %add3A_185, %lt3A_186 : i32
      %convert_element_type3A_188 = arith.extui %lt3A_187 : i1 to i32
      %cond3A_189 = arith.constant 0 : i32
      %cond3A_190 = arith.cmpi ne, %convert_element_type3A_188, %cond3A_189 : i32
      scf.if %cond3A_190 {
        %add3A_253 = arith.constant 3 : i32
        %add3A_254 = arith.addi %add3A_146, %add3A_253 : i32
        %dma_start3A_255 = arith.constant 0 : i32
        %dma_start3A_256 = arith.constant 0 : i32
        %dma_start3A_257 = tpu.memref_slice %arg4[%add3A, %add3A_254, %dma_start3A_255, %dma_start3A_256] : memref<32x90x1x112xi32, #tpu.memory_space<hbm>> -> memref<1x1x1x112xi32, #tpu.memory_space<hbm>>
        %dma_start3A_258 = tpu.memref_squeeze %dma_start3A_257 : memref<1x1x1x112xi32, #tpu.memory_space<hbm>> -> memref<1x112xi32, #tpu.memory_space<hbm>>
        %dma_start3A_259 = arith.constant 0 : i32
        %dma_start3A_260 = arith.constant 0 : i32
        %dma_start3A_261 = tpu.memref_slice %arg4[%add3A, %add3A_254, %dma_start3A_259, %dma_start3A_260] : memref<32x90x1x112xi32, #tpu.memory_space<hbm>> -> memref<1x1x1x112xi32, #tpu.memory_space<hbm>>
        %dma_start3A_262 = tpu.memref_squeeze %dma_start3A_261 : memref<1x1x1x112xi32, #tpu.memory_space<hbm>> -> memref<1x112xi32, #tpu.memory_space<hbm>>
        tpu.enqueue_dma source(%dma_start3A_262 : memref<1x112xi32, #tpu.memory_space<hbm>>) target(%arg9 : memref<1x112xi32, #tpu.memory_space<vmem>>) target_semaphore(%arg18 : memref<!tpu.dma_semaphore, #tpu.memory_space<semaphore_mem>>)
      } else {
      }
      %add3A_191 = arith.constant 1 : i32
      %add3A_192 = arith.addi %add3A_146, %add3A_191 : i32
      %lt3A_193 = arith.constant 90 : i32
      %lt3A_194 = arith.cmpi slt, %add3A_192, %lt3A_193 : i32
      %convert_element_type3A_195 = arith.extui %lt3A_194 : i1 to i32
      %cond3A_196 = arith.constant 0 : i32
      %cond3A_197 = arith.cmpi ne, %convert_element_type3A_195, %cond3A_196 : i32
      scf.if %cond3A_197 {
        %add3A_253 = arith.constant 1 : i32
        %add3A_254 = arith.addi %add3A_146, %add3A_253 : i32
        %dma_start3A_255 = arith.constant 0 : i32
        %dma_start3A_256 = arith.constant 0 : i32
        %dma_start3A_257 = tpu.memref_slice %arg5[%add3A, %add3A_254, %dma_start3A_255, %dma_start3A_256] : memref<32x90x1x112xi32, #tpu.memory_space<hbm>> -> memref<1x1x1x112xi32, #tpu.memory_space<hbm>>
        %dma_start3A_258 = tpu.memref_squeeze %dma_start3A_257 : memref<1x1x1x112xi32, #tpu.memory_space<hbm>> -> memref<1x112xi32, #tpu.memory_space<hbm>>
        %dma_start3A_259 = arith.constant 0 : i32
        %dma_start3A_260 = arith.constant 0 : i32
        %dma_start3A_261 = tpu.memref_slice %arg5[%add3A, %add3A_254, %dma_start3A_259, %dma_start3A_260] : memref<32x90x1x112xi32, #tpu.memory_space<hbm>> -> memref<1x1x1x112xi32, #tpu.memory_space<hbm>>
        %dma_start3A_262 = tpu.memref_squeeze %dma_start3A_261 : memref<1x1x1x112xi32, #tpu.memory_space<hbm>> -> memref<1x112xi32, #tpu.memory_space<hbm>>
        tpu.enqueue_dma source(%dma_start3A_262 : memref<1x112xi32, #tpu.memory_space<hbm>>) target(%arg13 : memref<1x112xi32, #tpu.memory_space<vmem>>) target_semaphore(%arg22 : memref<!tpu.dma_semaphore, #tpu.memory_space<semaphore_mem>>)
      } else {
      }
      %mul3A_198 = arith.constant 3 : i32
      %mul3A_199 = arith.muli %mul3A_198, %scan3A_91 : i32
      %add3A_200 = arith.constant 2 : i32
      %add3A_201 = arith.addi %mul3A_199, %add3A_200 : i32
      %dma_wait3A_202 = arith.constant 0 : i32
      %dma_wait3A_203 = arith.constant 0 : i32
      %dma_wait3A_204 = tpu.memref_slice %arg10[%dma_wait3A_202, %dma_wait3A_203] : memref<1x112xi32, #tpu.memory_space<vmem>> -> memref<1x112xi32, #tpu.memory_space<vmem>>
      %dma_wait3A_205 = tpu.memref_squeeze %dma_wait3A_204 : memref<1x112xi32, #tpu.memory_space<vmem>> -> memref<112xi32, #tpu.memory_space<vmem>>
      %dma_wait3A_206 = arith.constant 0 : i32
      %dma_wait3A_207 = arith.constant 0 : i32
      %dma_wait3A_208 = tpu.memref_slice %arg2[%dma_wait3A_206, %dma_wait3A_207] : memref<10112x128xf32, #tpu.memory_space<hbm>> -> memref<10112x128xf32, #tpu.memory_space<hbm>>
      tpu.wait_indirect_dma semaphore(%arg25 : memref<!tpu.dma_semaphore, #tpu.memory_space<semaphore_mem>>) src(%dma_wait3A_208 : memref<10112x128xf32, #tpu.memory_space<hbm>>) dst(%arg16 : memref<112x128xf32, #tpu.memory_space<vmem>>)
      %dma_wait3A_209 = arith.constant 0 : i32
      %dma_wait3A_210 = arith.constant 0 : i32
      %dma_wait3A_211 = arith.constant 0 : i32
      %dma_wait3A_212 = tpu.memref_slice %arg5[%add3A, %dma_wait3A_209, %dma_wait3A_210, %dma_wait3A_211] : memref<32x90x1x112xi32, #tpu.memory_space<hbm>> -> memref<1x1x1x112xi32, #tpu.memory_space<hbm>>
      %dma_wait3A_213 = tpu.memref_squeeze %dma_wait3A_212 : memref<1x1x1x112xi32, #tpu.memory_space<hbm>> -> memref<1x112xi32, #tpu.memory_space<hbm>>
      %dma_wait3A_214 = arith.constant 0 : i32
      %dma_wait3A_215 = arith.constant 0 : i32
      %dma_wait3A_216 = tpu.memref_slice %arg5[%add3A, %dma_wait3A_209, %dma_wait3A_214, %dma_wait3A_215] : memref<32x90x1x112xi32, #tpu.memory_space<hbm>> -> memref<1x1x1x112xi32, #tpu.memory_space<hbm>>
      %dma_wait3A_217 = tpu.memref_squeeze %dma_wait3A_216 : memref<1x1x1x112xi32, #tpu.memory_space<hbm>> -> memref<1x112xi32, #tpu.memory_space<hbm>>
      tpu.wait_dma2 semaphore(%arg22 : memref<!tpu.dma_semaphore, #tpu.memory_space<semaphore_mem>>) src(%dma_wait3A_217 : memref<1x112xi32, #tpu.memory_space<hbm>>) dst(%arg13 : memref<1x112xi32, #tpu.memory_space<vmem>>)
      %dma_start3A_218 = arith.constant 0 : i32
      %dma_start3A_219 = arith.constant 0 : i32
      %dma_start3A_220 = tpu.memref_slice %arg13[%dma_start3A_218, %dma_start3A_219] : memref<1x112xi32, #tpu.memory_space<vmem>> -> memref<1x112xi32, #tpu.memory_space<vmem>>
      %dma_start3A_221 = tpu.memref_squeeze %dma_start3A_220 : memref<1x112xi32, #tpu.memory_space<vmem>> -> memref<112xi32, #tpu.memory_space<vmem>>
      %dma_start3A_222 = arith.constant 0 : i32
      %dma_start3A_223 = arith.constant 0 : i32
      %dma_start3A_224 = tpu.memref_slice %arg7[%dma_start3A_222, %dma_start3A_223] : memref<10112x128xf32, #tpu.memory_space<vmem_shared>> -> memref<10112x128xf32, #tpu.memory_space<vmem_shared>>
      tpu.enqueue_indirect_dma source(%arg16 : memref<112x128xf32, #tpu.memory_space<vmem>>) target(%dma_start3A_224 : memref<10112x128xf32, #tpu.memory_space<vmem_shared>>) offsets(%dma_start3A_221 : memref<112xi32, #tpu.memory_space<vmem>>) semaphore(%arg28 : memref<!tpu.dma_semaphore, #tpu.memory_space<semaphore_mem>>) {add = true}
      %dma_wait3A_225 = arith.constant 0 : i32
      %dma_wait3A_226 = arith.constant 0 : i32
      %dma_wait3A_227 = tpu.memref_slice %arg12[%dma_wait3A_225, %dma_wait3A_226] : memref<1x112xi32, #tpu.memory_space<vmem>> -> memref<1x112xi32, #tpu.memory_space<vmem>>
      %dma_wait3A_228 = tpu.memref_squeeze %dma_wait3A_227 : memref<1x112xi32, #tpu.memory_space<vmem>> -> memref<112xi32, #tpu.memory_space<vmem>>
      %dma_wait3A_229 = arith.constant 0 : i32
      %dma_wait3A_230 = arith.constant 0 : i32
      %dma_wait3A_231 = tpu.memref_slice %arg7[%dma_wait3A_229, %dma_wait3A_230] : memref<10112x128xf32, #tpu.memory_space<vmem_shared>> -> memref<10112x128xf32, #tpu.memory_space<vmem_shared>>
      tpu.wait_indirect_dma semaphore(%arg27 : memref<!tpu.dma_semaphore, #tpu.memory_space<semaphore_mem>>) src(%arg15 : memref<112x128xf32, #tpu.memory_space<vmem>>) dst(%dma_wait3A_231 : memref<10112x128xf32, #tpu.memory_space<vmem_shared>>)
      %add3A_232 = arith.constant 2 : i32
      %add3A_233 = arith.addi %add3A_201, %add3A_232 : i32
      %lt3A_234 = arith.constant 90 : i32
      %lt3A_235 = arith.cmpi slt, %add3A_233, %lt3A_234 : i32
      %convert_element_type3A_236 = arith.extui %lt3A_235 : i1 to i32
      %cond3A_237 = arith.constant 0 : i32
      %cond3A_238 = arith.cmpi ne, %convert_element_type3A_236, %cond3A_237 : i32
      scf.if %cond3A_238 {
        %dma_wait3A_253 = arith.constant 0 : i32
        %dma_wait3A_254 = arith.constant 0 : i32
        %dma_wait3A_255 = arith.constant 0 : i32
        %dma_wait3A_256 = tpu.memref_slice %arg4[%add3A, %dma_wait3A_253, %dma_wait3A_254, %dma_wait3A_255] : memref<32x90x1x112xi32, #tpu.memory_space<hbm>> -> memref<1x1x1x112xi32, #tpu.memory_space<hbm>>
        %dma_wait3A_257 = tpu.memref_squeeze %dma_wait3A_256 : memref<1x1x1x112xi32, #tpu.memory_space<hbm>> -> memref<1x112xi32, #tpu.memory_space<hbm>>
        %dma_wait3A_258 = arith.constant 0 : i32
        %dma_wait3A_259 = arith.constant 0 : i32
        %dma_wait3A_260 = tpu.memref_slice %arg4[%add3A, %dma_wait3A_253, %dma_wait3A_258, %dma_wait3A_259] : memref<32x90x1x112xi32, #tpu.memory_space<hbm>> -> memref<1x1x1x112xi32, #tpu.memory_space<hbm>>
        %dma_wait3A_261 = tpu.memref_squeeze %dma_wait3A_260 : memref<1x1x1x112xi32, #tpu.memory_space<hbm>> -> memref<1x112xi32, #tpu.memory_space<hbm>>
        tpu.wait_dma2 semaphore(%arg18 : memref<!tpu.dma_semaphore, #tpu.memory_space<semaphore_mem>>) src(%dma_wait3A_261 : memref<1x112xi32, #tpu.memory_space<hbm>>) dst(%arg9 : memref<1x112xi32, #tpu.memory_space<vmem>>)
        %dma_start3A_262 = arith.constant 0 : i32
        %dma_start3A_263 = arith.constant 0 : i32
        %dma_start3A_264 = tpu.memref_slice %arg9[%dma_start3A_262, %dma_start3A_263] : memref<1x112xi32, #tpu.memory_space<vmem>> -> memref<1x112xi32, #tpu.memory_space<vmem>>
        %dma_start3A_265 = tpu.memref_squeeze %dma_start3A_264 : memref<1x112xi32, #tpu.memory_space<vmem>> -> memref<112xi32, #tpu.memory_space<vmem>>
        %dma_start3A_266 = arith.constant 0 : i32
        %dma_start3A_267 = arith.constant 0 : i32
        %dma_start3A_268 = tpu.memref_slice %arg2[%dma_start3A_266, %dma_start3A_267] : memref<10112x128xf32, #tpu.memory_space<hbm>> -> memref<10112x128xf32, #tpu.memory_space<hbm>>
        tpu.enqueue_indirect_dma source(%dma_start3A_268 : memref<10112x128xf32, #tpu.memory_space<hbm>>) target(%arg15 : memref<112x128xf32, #tpu.memory_space<vmem>>) offsets(%dma_start3A_265 : memref<112xi32, #tpu.memory_space<vmem>>) semaphore(%arg24 : memref<!tpu.dma_semaphore, #tpu.memory_space<semaphore_mem>>)
      } else {
      }
      %add3A_239 = arith.constant 3 : i32
      %add3A_240 = arith.addi %add3A_201, %add3A_239 : i32
      %lt3A_241 = arith.constant 90 : i32
      %lt3A_242 = arith.cmpi slt, %add3A_240, %lt3A_241 : i32
      %convert_element_type3A_243 = arith.extui %lt3A_242 : i1 to i32
      %cond3A_244 = arith.constant 0 : i32
      %cond3A_245 = arith.cmpi ne, %convert_element_type3A_243, %cond3A_244 : i32
      scf.if %cond3A_245 {
        %add3A_253 = arith.constant 3 : i32
        %add3A_254 = arith.addi %add3A_201, %add3A_253 : i32
        %dma_start3A_255 = arith.constant 0 : i32
        %dma_start3A_256 = arith.constant 0 : i32
        %dma_start3A_257 = tpu.memref_slice %arg4[%add3A, %add3A_254, %dma_start3A_255, %dma_start3A_256] : memref<32x90x1x112xi32, #tpu.memory_space<hbm>> -> memref<1x1x1x112xi32, #tpu.memory_space<hbm>>
        %dma_start3A_258 = tpu.memref_squeeze %dma_start3A_257 : memref<1x1x1x112xi32, #tpu.memory_space<hbm>> -> memref<1x112xi32, #tpu.memory_space<hbm>>
        %dma_start3A_259 = arith.constant 0 : i32
        %dma_start3A_260 = arith.constant 0 : i32
        %dma_start3A_261 = tpu.memref_slice %arg4[%add3A, %add3A_254, %dma_start3A_259, %dma_start3A_260] : memref<32x90x1x112xi32, #tpu.memory_space<hbm>> -> memref<1x1x1x112xi32, #tpu.memory_space<hbm>>
        %dma_start3A_262 = tpu.memref_squeeze %dma_start3A_261 : memref<1x1x1x112xi32, #tpu.memory_space<hbm>> -> memref<1x112xi32, #tpu.memory_space<hbm>>
        tpu.enqueue_dma source(%dma_start3A_262 : memref<1x112xi32, #tpu.memory_space<hbm>>) target(%arg10 : memref<1x112xi32, #tpu.memory_space<vmem>>) target_semaphore(%arg19 : memref<!tpu.dma_semaphore, #tpu.memory_space<semaphore_mem>>)
      } else {
      }
      %add3A_246 = arith.constant 1 : i32
      %add3A_247 = arith.addi %add3A_201, %add3A_246 : i32
      %lt3A_248 = arith.constant 90 : i32
      %lt3A_249 = arith.cmpi slt, %add3A_247, %lt3A_248 : i32
      %convert_element_type3A_250 = arith.extui %lt3A_249 : i1 to i32
      %cond3A_251 = arith.constant 0 : i32
      %cond3A_252 = arith.cmpi ne, %convert_element_type3A_250, %cond3A_251 : i32
      scf.if %cond3A_252 {
        %add3A_253 = arith.constant 1 : i32
        %add3A_254 = arith.addi %add3A_201, %add3A_253 : i32
        %dma_start3A_255 = arith.constant 0 : i32
        %dma_start3A_256 = arith.constant 0 : i32
        %dma_start3A_257 = tpu.memref_slice %arg5[%add3A, %add3A_254, %dma_start3A_255, %dma_start3A_256] : memref<32x90x1x112xi32, #tpu.memory_space<hbm>> -> memref<1x1x1x112xi32, #tpu.memory_space<hbm>>
        %dma_start3A_258 = tpu.memref_squeeze %dma_start3A_257 : memref<1x1x1x112xi32, #tpu.memory_space<hbm>> -> memref<1x112xi32, #tpu.memory_space<hbm>>
        %dma_start3A_259 = arith.constant 0 : i32
        %dma_start3A_260 = arith.constant 0 : i32
        %dma_start3A_261 = tpu.memref_slice %arg5[%add3A, %add3A_254, %dma_start3A_259, %dma_start3A_260] : memref<32x90x1x112xi32, #tpu.memory_space<hbm>> -> memref<1x1x1x112xi32, #tpu.memory_space<hbm>>
        %dma_start3A_262 = tpu.memref_squeeze %dma_start3A_261 : memref<1x1x1x112xi32, #tpu.memory_space<hbm>> -> memref<1x112xi32, #tpu.memory_space<hbm>>
        tpu.enqueue_dma source(%dma_start3A_262 : memref<1x112xi32, #tpu.memory_space<hbm>>) target(%arg11 : memref<1x112xi32, #tpu.memory_space<vmem>>) target_semaphore(%arg20 : memref<!tpu.dma_semaphore, #tpu.memory_space<semaphore_mem>>)
      } else {
      }
    }
    %scan3A_78 = arith.constant 30 : i32
    %dma_wait3A_79 = arith.constant 0 : i32
    %dma_wait3A_80 = arith.constant 0 : i32
    %dma_wait3A_81 = tpu.memref_slice %arg13[%dma_wait3A_79, %dma_wait3A_80] : memref<1x112xi32, #tpu.memory_space<vmem>> -> memref<1x112xi32, #tpu.memory_space<vmem>>
    %dma_wait3A_82 = tpu.memref_squeeze %dma_wait3A_81 : memref<1x112xi32, #tpu.memory_space<vmem>> -> memref<112xi32, #tpu.memory_space<vmem>>
    %dma_wait3A_83 = arith.constant 0 : i32
    %dma_wait3A_84 = arith.constant 0 : i32
    %dma_wait3A_85 = tpu.memref_slice %arg7[%dma_wait3A_83, %dma_wait3A_84] : memref<10112x128xf32, #tpu.memory_space<vmem_shared>> -> memref<10112x128xf32, #tpu.memory_space<vmem_shared>>
    tpu.wait_indirect_dma semaphore(%arg28 : memref<!tpu.dma_semaphore, #tpu.memory_space<semaphore_mem>>) src(%arg16 : memref<112x128xf32, #tpu.memory_space<vmem>>) dst(%dma_wait3A_85 : memref<10112x128xf32, #tpu.memory_space<vmem_shared>>)
    %barrier3A_86 = arith.constant 0 : index
    tpu.barrier barrier_id(%barrier3A_86)
    %mul3A_87 = arith.constant 632 : i32
    %mul3A_88 = arith.muli %arg1, %mul3A_87 : i32
    %mul3A_89 = arith.constant 632 : i32
    %mul3A_90 = arith.muli %arg1, %mul3A_89 : i32
    "tpu.region"() ({
      %run_scoped3A = tpu.sem_alloc : memref<!tpu.dma_semaphore, #tpu.memory_space<semaphore_mem>>
      %dma_start3A_91 = arith.constant 0 : i32
      %dma_start3A_92 = tpu.memref_slice %arg6[%arg0, %mul3A_90, %dma_start3A_91] : memref<2x10112x128xf32, #tpu.memory_space<hbm>> -> memref<1x632x128xf32, #tpu.memory_space<hbm>>
      %dma_start3A_93 = tpu.memref_squeeze %dma_start3A_92 : memref<1x632x128xf32, #tpu.memory_space<hbm>> -> memref<632x128xf32, #tpu.memory_space<hbm>>
      %dma_start3A_94 = arith.constant 0 : i32
      %dma_start3A_95 = tpu.memref_slice %arg7[%mul3A_88, %dma_start3A_94] : memref<10112x128xf32, #tpu.memory_space<vmem_shared>> -> memref<632x128xf32, #tpu.memory_space<vmem_shared>>
      tpu.enqueue_dma source(%dma_start3A_95 : memref<632x128xf32, #tpu.memory_space<vmem_shared>>) target(%dma_start3A_93 : memref<632x128xf32, #tpu.memory_space<hbm>>) target_semaphore(%run_scoped3A : memref<!tpu.dma_semaphore, #tpu.memory_space<semaphore_mem>>)
      %dma_wait3A_96 = arith.constant 0 : i32
      %dma_wait3A_97 = tpu.memref_slice %arg6[%arg0, %mul3A_90, %dma_wait3A_96] : memref<2x10112x128xf32, #tpu.memory_space<hbm>> -> memref<1x632x128xf32, #tpu.memory_space<hbm>>
      %dma_wait3A_98 = tpu.memref_squeeze %dma_wait3A_97 : memref<1x632x128xf32, #tpu.memory_space<hbm>> -> memref<632x128xf32, #tpu.memory_space<hbm>>
      %dma_wait3A_99 = arith.constant 0 : i32
      %dma_wait3A_100 = tpu.memref_slice %arg7[%mul3A_88, %dma_wait3A_99] : memref<10112x128xf32, #tpu.memory_space<vmem_shared>> -> memref<632x128xf32, #tpu.memory_space<vmem_shared>>
      tpu.wait_dma2 semaphore(%run_scoped3A : memref<!tpu.dma_semaphore, #tpu.memory_space<semaphore_mem>>) src(%dma_wait3A_100 : memref<632x128xf32, #tpu.memory_space<vmem_shared>>) dst(%dma_wait3A_98 : memref<632x128xf32, #tpu.memory_space<hbm>>)
      tpu.yield
    }) : () -> ()
    return
  }
}

#map = affine_map<(d0, d1) -> (0, 0)>
#map1 = affine_map<(d0, d1) -> (0, 0, 0, 0)>
#map2 = affine_map<(d0, d1) -> (0, 0, 0)>
module attributes {stable_mosaic.version = 14 : i64} {
  func.func @_sc_agg(%arg0: i32, %arg1: i32, %arg2: memref<10000x128xf32, #tpu.memory_space<hbm>>, %arg3: memref<10112x128xf32, #tpu.memory_space<hbm>>, %arg4: memref<32x90x1x112xi32, #tpu.memory_space<hbm>>, %arg5: memref<32x90x1x112xi32, #tpu.memory_space<hbm>>, %arg6: memref<2x10112x128xf32, #tpu.memory_space<hbm>>, %arg7: memref<10112x128xf32, #tpu.memory_space<vmem_shared>>, %arg8: memref<1x112xi32, #tpu.memory_space<vmem>>, %arg9: memref<1x112xi32, #tpu.memory_space<vmem>>, %arg10: memref<1x112xi32, #tpu.memory_space<vmem>>, %arg11: memref<1x112xi32, #tpu.memory_space<vmem>>, %arg12: memref<1x112xi32, #tpu.memory_space<vmem>>, %arg13: memref<1x112xi32, #tpu.memory_space<vmem>>, %arg14: memref<112x128xf32, #tpu.memory_space<vmem>>, %arg15: memref<112x128xf32, #tpu.memory_space<vmem>>, %arg16: memref<112x128xf32, #tpu.memory_space<vmem>>, %arg17: memref<!tpu.dma_semaphore, #tpu.memory_space<semaphore_mem>>, %arg18: memref<!tpu.dma_semaphore, #tpu.memory_space<semaphore_mem>>, %arg19: memref<!tpu.dma_semaphore, #tpu.memory_space<semaphore_mem>>, %arg20: memref<!tpu.dma_semaphore, #tpu.memory_space<semaphore_mem>>, %arg21: memref<!tpu.dma_semaphore, #tpu.memory_space<semaphore_mem>>, %arg22: memref<!tpu.dma_semaphore, #tpu.memory_space<semaphore_mem>>, %arg23: memref<!tpu.dma_semaphore, #tpu.memory_space<semaphore_mem>>, %arg24: memref<!tpu.dma_semaphore, #tpu.memory_space<semaphore_mem>>, %arg25: memref<!tpu.dma_semaphore, #tpu.memory_space<semaphore_mem>>, %arg26: memref<!tpu.dma_semaphore, #tpu.memory_space<semaphore_mem>>, %arg27: memref<!tpu.dma_semaphore, #tpu.memory_space<semaphore_mem>>, %arg28: memref<!tpu.dma_semaphore, #tpu.memory_space<semaphore_mem>>) attributes {dimension_semantics = [#tpu.dimension_semantics<core_parallel>, #tpu.dimension_semantics<subcore_parallel>], iteration_bounds = array<i64: 2, 16>, scalar_prefetch = 0 : i64, scratch_operands = 22 : i64, tpu.core_type = #tpu.core_type<sc_vector_subcore>, window_params = [{transform_indices = #map}, {transform_indices = #map}, {transform_indices = #map1}, {transform_indices = #map1}, {transform_indices = #map2}]} {
    %mul3A = arith.constant 16 : i32
    %mul3A_0 = arith.muli %arg0, %mul3A : i32
    %add3A = arith.addi %mul3A_0, %arg1 : i32
    %eq3A = arith.constant 1 : i32
    %eq3A_1 = arith.cmpi eq, %arg0, %eq3A : i32
    %convert_element_type3A = arith.extui %eq3A_1 : i1 to i32
    %cond3A = arith.constant 0 : i32
    %cond3A_2 = arith.cmpi ne, %convert_element_type3A, %cond3A : i32
    scf.if %cond3A_2 {
      %mul3A_100 = arith.constant 632 : i32
      %mul3A_101 = arith.muli %arg1, %mul3A_100 : i32
      %mul3A_102 = arith.constant 632 : i32
      %mul3A_103 = arith.muli %arg1, %mul3A_102 : i32
      "tpu.region"() ({
        %run_scoped3A = tpu.sem_alloc : memref<!tpu.dma_semaphore, #tpu.memory_space<semaphore_mem>>
        %dma_start3A_104 = arith.constant 0 : i32
        %dma_start3A_105 = tpu.memref_slice %arg7[%mul3A_103, %dma_start3A_104] : memref<10112x128xf32, #tpu.memory_space<vmem_shared>> -> memref<632x128xf32, #tpu.memory_space<vmem_shared>>
        %dma_start3A_106 = arith.constant 0 : i32
        %dma_start3A_107 = tpu.memref_slice %arg3[%mul3A_101, %dma_start3A_106] : memref<10112x128xf32, #tpu.memory_space<hbm>> -> memref<632x128xf32, #tpu.memory_space<hbm>>
        tpu.enqueue_dma source(%dma_start3A_107 : memref<632x128xf32, #tpu.memory_space<hbm>>) target(%dma_start3A_105 : memref<632x128xf32, #tpu.memory_space<vmem_shared>>) target_semaphore(%run_scoped3A : memref<!tpu.dma_semaphore, #tpu.memory_space<semaphore_mem>>)
        %dma_wait3A_108 = arith.constant 0 : i32
        %dma_wait3A_109 = tpu.memref_slice %arg7[%mul3A_103, %dma_wait3A_108] : memref<10112x128xf32, #tpu.memory_space<vmem_shared>> -> memref<632x128xf32, #tpu.memory_space<vmem_shared>>
        %dma_wait3A_110 = arith.constant 0 : i32
        %dma_wait3A_111 = tpu.memref_slice %arg3[%mul3A_101, %dma_wait3A_110] : memref<10112x128xf32, #tpu.memory_space<hbm>> -> memref<632x128xf32, #tpu.memory_space<hbm>>
        tpu.wait_dma2 semaphore(%run_scoped3A : memref<!tpu.dma_semaphore, #tpu.memory_space<semaphore_mem>>) src(%dma_wait3A_111 : memref<632x128xf32, #tpu.memory_space<hbm>>) dst(%dma_wait3A_109 : memref<632x128xf32, #tpu.memory_space<vmem_shared>>)
        tpu.yield
      }) : () -> ()
    } else {
    }
    %eq3A_3 = arith.constant 0 : i32
    %eq3A_4 = arith.cmpi eq, %arg0, %eq3A_3 : i32
    %lt3A = arith.constant 15 : i32
    %lt3A_5 = arith.cmpi slt, %arg1, %lt3A : i32
    %and3A = arith.andi %eq3A_4, %lt3A_5 : i1
    %convert_element_type3A_6 = arith.extui %and3A : i1 to i32
    %cond3A_7 = arith.constant 0 : i32
    %cond3A_8 = arith.cmpi ne, %convert_element_type3A_6, %cond3A_7 : i32
    scf.if %cond3A_8 {
      %mul3A_100 = arith.constant 632 : i32
      %mul3A_101 = arith.muli %arg1, %mul3A_100 : i32
      %mul3A_102 = arith.constant 632 : i32
      %mul3A_103 = arith.muli %arg1, %mul3A_102 : i32
      "tpu.region"() ({
        %run_scoped3A = tpu.sem_alloc : memref<!tpu.dma_semaphore, #tpu.memory_space<semaphore_mem>>
        %dma_start3A_104 = arith.constant 0 : i32
        %dma_start3A_105 = tpu.memref_slice %arg7[%mul3A_103, %dma_start3A_104] : memref<10112x128xf32, #tpu.memory_space<vmem_shared>> -> memref<632x128xf32, #tpu.memory_space<vmem_shared>>
        %dma_start3A_106 = arith.constant 0 : i32
        %dma_start3A_107 = tpu.memref_slice %arg2[%mul3A_101, %dma_start3A_106] : memref<10000x128xf32, #tpu.memory_space<hbm>> -> memref<632x128xf32, #tpu.memory_space<hbm>>
        tpu.enqueue_dma source(%dma_start3A_107 : memref<632x128xf32, #tpu.memory_space<hbm>>) target(%dma_start3A_105 : memref<632x128xf32, #tpu.memory_space<vmem_shared>>) target_semaphore(%run_scoped3A : memref<!tpu.dma_semaphore, #tpu.memory_space<semaphore_mem>>)
        %dma_wait3A_108 = arith.constant 0 : i32
        %dma_wait3A_109 = tpu.memref_slice %arg7[%mul3A_103, %dma_wait3A_108] : memref<10112x128xf32, #tpu.memory_space<vmem_shared>> -> memref<632x128xf32, #tpu.memory_space<vmem_shared>>
        %dma_wait3A_110 = arith.constant 0 : i32
        %dma_wait3A_111 = tpu.memref_slice %arg2[%mul3A_101, %dma_wait3A_110] : memref<10000x128xf32, #tpu.memory_space<hbm>> -> memref<632x128xf32, #tpu.memory_space<hbm>>
        tpu.wait_dma2 semaphore(%run_scoped3A : memref<!tpu.dma_semaphore, #tpu.memory_space<semaphore_mem>>) src(%dma_wait3A_111 : memref<632x128xf32, #tpu.memory_space<hbm>>) dst(%dma_wait3A_109 : memref<632x128xf32, #tpu.memory_space<vmem_shared>>)
        tpu.yield
      }) : () -> ()
    } else {
    }
    %eq3A_9 = arith.constant 0 : i32
    %eq3A_10 = arith.cmpi eq, %arg0, %eq3A_9 : i32
    %eq3A_11 = arith.constant 15 : i32
    %eq3A_12 = arith.cmpi eq, %arg1, %eq3A_11 : i32
    %and3A_13 = arith.andi %eq3A_10, %eq3A_12 : i1
    %convert_element_type3A_14 = arith.extui %and3A_13 : i1 to i32
    %cond3A_15 = arith.constant 0 : i32
    %cond3A_16 = arith.cmpi ne, %convert_element_type3A_14, %cond3A_15 : i32
    scf.if %cond3A_16 {
      "tpu.region"() ({
        %run_scoped3A = tpu.sem_alloc : memref<!tpu.dma_semaphore, #tpu.memory_space<semaphore_mem>>
        %dma_start3A_100 = arith.constant 9480 : i32
        %dma_start3A_101 = arith.constant 0 : i32
        %dma_start3A_102 = tpu.memref_slice %arg7[%dma_start3A_100, %dma_start3A_101] : memref<10112x128xf32, #tpu.memory_space<vmem_shared>> -> memref<520x128xf32, #tpu.memory_space<vmem_shared>>
        %dma_start3A_103 = arith.constant 9480 : i32
        %dma_start3A_104 = arith.constant 0 : i32
        %dma_start3A_105 = tpu.memref_slice %arg2[%dma_start3A_103, %dma_start3A_104] : memref<10000x128xf32, #tpu.memory_space<hbm>> -> memref<520x128xf32, #tpu.memory_space<hbm>>
        tpu.enqueue_dma source(%dma_start3A_105 : memref<520x128xf32, #tpu.memory_space<hbm>>) target(%dma_start3A_102 : memref<520x128xf32, #tpu.memory_space<vmem_shared>>) target_semaphore(%run_scoped3A : memref<!tpu.dma_semaphore, #tpu.memory_space<semaphore_mem>>)
        %dma_wait3A_106 = arith.constant 9480 : i32
        %dma_wait3A_107 = arith.constant 0 : i32
        %dma_wait3A_108 = tpu.memref_slice %arg7[%dma_wait3A_106, %dma_wait3A_107] : memref<10112x128xf32, #tpu.memory_space<vmem_shared>> -> memref<520x128xf32, #tpu.memory_space<vmem_shared>>
        %dma_wait3A_109 = arith.constant 9480 : i32
        %dma_wait3A_110 = arith.constant 0 : i32
        %dma_wait3A_111 = tpu.memref_slice %arg2[%dma_wait3A_109, %dma_wait3A_110] : memref<10000x128xf32, #tpu.memory_space<hbm>> -> memref<520x128xf32, #tpu.memory_space<hbm>>
        tpu.wait_dma2 semaphore(%run_scoped3A : memref<!tpu.dma_semaphore, #tpu.memory_space<semaphore_mem>>) src(%dma_wait3A_111 : memref<520x128xf32, #tpu.memory_space<hbm>>) dst(%dma_wait3A_108 : memref<520x128xf32, #tpu.memory_space<vmem_shared>>)
        tpu.yield
      }) : () -> ()
    } else {
    }
    %barrier3A = arith.constant 0 : index
    tpu.barrier barrier_id(%barrier3A)
    %dma_start3A = arith.constant 0 : i32
    %dma_start3A_17 = arith.constant 0 : i32
    %dma_start3A_18 = arith.constant 0 : i32
    %dma_start3A_19 = tpu.memref_slice %arg4[%add3A, %dma_start3A, %dma_start3A_17, %dma_start3A_18] : memref<32x90x1x112xi32, #tpu.memory_space<hbm>> -> memref<1x1x1x112xi32, #tpu.memory_space<hbm>>
    %dma_start3A_20 = tpu.memref_squeeze %dma_start3A_19 : memref<1x1x1x112xi32, #tpu.memory_space<hbm>> -> memref<1x112xi32, #tpu.memory_space<hbm>>
    %dma_start3A_21 = arith.constant 0 : i32
    %dma_start3A_22 = arith.constant 0 : i32
    %dma_start3A_23 = tpu.memref_slice %arg4[%add3A, %dma_start3A, %dma_start3A_21, %dma_start3A_22] : memref<32x90x1x112xi32, #tpu.memory_space<hbm>> -> memref<1x1x1x112xi32, #tpu.memory_space<hbm>>
    %dma_start3A_24 = tpu.memref_squeeze %dma_start3A_23 : memref<1x1x1x112xi32, #tpu.memory_space<hbm>> -> memref<1x112xi32, #tpu.memory_space<hbm>>
    tpu.enqueue_dma source(%dma_start3A_24 : memref<1x112xi32, #tpu.memory_space<hbm>>) target(%arg8 : memref<1x112xi32, #tpu.memory_space<vmem>>) target_semaphore(%arg17 : memref<!tpu.dma_semaphore, #tpu.memory_space<semaphore_mem>>)
    %dma_start3A_25 = arith.constant 1 : i32
    %dma_start3A_26 = arith.constant 0 : i32
    %dma_start3A_27 = arith.constant 0 : i32
    %dma_start3A_28 = tpu.memref_slice %arg4[%add3A, %dma_start3A_25, %dma_start3A_26, %dma_start3A_27] : memref<32x90x1x112xi32, #tpu.memory_space<hbm>> -> memref<1x1x1x112xi32, #tpu.memory_space<hbm>>
    %dma_start3A_29 = tpu.memref_squeeze %dma_start3A_28 : memref<1x1x1x112xi32, #tpu.memory_space<hbm>> -> memref<1x112xi32, #tpu.memory_space<hbm>>
    %dma_start3A_30 = arith.constant 0 : i32
    %dma_start3A_31 = arith.constant 0 : i32
    %dma_start3A_32 = tpu.memref_slice %arg4[%add3A, %dma_start3A_25, %dma_start3A_30, %dma_start3A_31] : memref<32x90x1x112xi32, #tpu.memory_space<hbm>> -> memref<1x1x1x112xi32, #tpu.memory_space<hbm>>
    %dma_start3A_33 = tpu.memref_squeeze %dma_start3A_32 : memref<1x1x1x112xi32, #tpu.memory_space<hbm>> -> memref<1x112xi32, #tpu.memory_space<hbm>>
    tpu.enqueue_dma source(%dma_start3A_33 : memref<1x112xi32, #tpu.memory_space<hbm>>) target(%arg9 : memref<1x112xi32, #tpu.memory_space<vmem>>) target_semaphore(%arg18 : memref<!tpu.dma_semaphore, #tpu.memory_space<semaphore_mem>>)
    %dma_start3A_34 = arith.constant 0 : i32
    %dma_start3A_35 = arith.constant 0 : i32
    %dma_start3A_36 = arith.constant 0 : i32
    %dma_start3A_37 = tpu.memref_slice %arg5[%add3A, %dma_start3A_34, %dma_start3A_35, %dma_start3A_36] : memref<32x90x1x112xi32, #tpu.memory_space<hbm>> -> memref<1x1x1x112xi32, #tpu.memory_space<hbm>>
    %dma_start3A_38 = tpu.memref_squeeze %dma_start3A_37 : memref<1x1x1x112xi32, #tpu.memory_space<hbm>> -> memref<1x112xi32, #tpu.memory_space<hbm>>
    %dma_start3A_39 = arith.constant 0 : i32
    %dma_start3A_40 = arith.constant 0 : i32
    %dma_start3A_41 = tpu.memref_slice %arg5[%add3A, %dma_start3A_34, %dma_start3A_39, %dma_start3A_40] : memref<32x90x1x112xi32, #tpu.memory_space<hbm>> -> memref<1x1x1x112xi32, #tpu.memory_space<hbm>>
    %dma_start3A_42 = tpu.memref_squeeze %dma_start3A_41 : memref<1x1x1x112xi32, #tpu.memory_space<hbm>> -> memref<1x112xi32, #tpu.memory_space<hbm>>
    tpu.enqueue_dma source(%dma_start3A_42 : memref<1x112xi32, #tpu.memory_space<hbm>>) target(%arg11 : memref<1x112xi32, #tpu.memory_space<vmem>>) target_semaphore(%arg20 : memref<!tpu.dma_semaphore, #tpu.memory_space<semaphore_mem>>)
    %dma_wait3A = arith.constant 0 : i32
    %dma_wait3A_43 = arith.constant 0 : i32
    %dma_wait3A_44 = arith.constant 0 : i32
    %dma_wait3A_45 = tpu.memref_slice %arg4[%add3A, %dma_wait3A, %dma_wait3A_43, %dma_wait3A_44] : memref<32x90x1x112xi32, #tpu.memory_space<hbm>> -> memref<1x1x1x112xi32, #tpu.memory_space<hbm>>
    %dma_wait3A_46 = tpu.memref_squeeze %dma_wait3A_45 : memref<1x1x1x112xi32, #tpu.memory_space<hbm>> -> memref<1x112xi32, #tpu.memory_space<hbm>>
    %dma_wait3A_47 = arith.constant 0 : i32
    %dma_wait3A_48 = arith.constant 0 : i32
    %dma_wait3A_49 = tpu.memref_slice %arg4[%add3A, %dma_wait3A, %dma_wait3A_47, %dma_wait3A_48] : memref<32x90x1x112xi32, #tpu.memory_space<hbm>> -> memref<1x1x1x112xi32, #tpu.memory_space<hbm>>
    %dma_wait3A_50 = tpu.memref_squeeze %dma_wait3A_49 : memref<1x1x1x112xi32, #tpu.memory_space<hbm>> -> memref<1x112xi32, #tpu.memory_space<hbm>>
    tpu.wait_dma2 semaphore(%arg17 : memref<!tpu.dma_semaphore, #tpu.memory_space<semaphore_mem>>) src(%dma_wait3A_50 : memref<1x112xi32, #tpu.memory_space<hbm>>) dst(%arg8 : memref<1x112xi32, #tpu.memory_space<vmem>>)
    %dma_start3A_51 = arith.constant 0 : i32
    %dma_start3A_52 = arith.constant 0 : i32
    %dma_start3A_53 = tpu.memref_slice %arg8[%dma_start3A_51, %dma_start3A_52] : memref<1x112xi32, #tpu.memory_space<vmem>> -> memref<1x112xi32, #tpu.memory_space<vmem>>
    %dma_start3A_54 = tpu.memref_squeeze %dma_start3A_53 : memref<1x112xi32, #tpu.memory_space<vmem>> -> memref<112xi32, #tpu.memory_space<vmem>>
    %dma_start3A_55 = arith.constant 0 : i32
    %dma_start3A_56 = arith.constant 0 : i32
    %dma_start3A_57 = tpu.memref_slice %arg2[%dma_start3A_55, %dma_start3A_56] : memref<10000x128xf32, #tpu.memory_space<hbm>> -> memref<10000x128xf32, #tpu.memory_space<hbm>>
    tpu.enqueue_indirect_dma source(%dma_start3A_57 : memref<10000x128xf32, #tpu.memory_space<hbm>>) target(%arg14 : memref<112x128xf32, #tpu.memory_space<vmem>>) offsets(%dma_start3A_54 : memref<112xi32, #tpu.memory_space<vmem>>) semaphore(%arg23 : memref<!tpu.dma_semaphore, #tpu.memory_space<semaphore_mem>>)
    %dma_wait3A_58 = arith.constant 0 : i32
    %dma_wait3A_59 = arith.constant 0 : i32
    %dma_wait3A_60 = arith.constant 0 : i32
    %dma_wait3A_61 = tpu.memref_slice %arg4[%add3A, %dma_wait3A_58, %dma_wait3A_59, %dma_wait3A_60] : memref<32x90x1x112xi32, #tpu.memory_space<hbm>> -> memref<1x1x1x112xi32, #tpu.memory_space<hbm>>
    %dma_wait3A_62 = tpu.memref_squeeze %dma_wait3A_61 : memref<1x1x1x112xi32, #tpu.memory_space<hbm>> -> memref<1x112xi32, #tpu.memory_space<hbm>>
    %dma_wait3A_63 = arith.constant 0 : i32
    %dma_wait3A_64 = arith.constant 0 : i32
    %dma_wait3A_65 = tpu.memref_slice %arg4[%add3A, %dma_wait3A_58, %dma_wait3A_63, %dma_wait3A_64] : memref<32x90x1x112xi32, #tpu.memory_space<hbm>> -> memref<1x1x1x112xi32, #tpu.memory_space<hbm>>
    %dma_wait3A_66 = tpu.memref_squeeze %dma_wait3A_65 : memref<1x1x1x112xi32, #tpu.memory_space<hbm>> -> memref<1x112xi32, #tpu.memory_space<hbm>>
    tpu.wait_dma2 semaphore(%arg18 : memref<!tpu.dma_semaphore, #tpu.memory_space<semaphore_mem>>) src(%dma_wait3A_66 : memref<1x112xi32, #tpu.memory_space<hbm>>) dst(%arg9 : memref<1x112xi32, #tpu.memory_space<vmem>>)
    %dma_start3A_67 = arith.constant 0 : i32
    %dma_start3A_68 = arith.constant 0 : i32
    %dma_start3A_69 = tpu.memref_slice %arg9[%dma_start3A_67, %dma_start3A_68] : memref<1x112xi32, #tpu.memory_space<vmem>> -> memref<1x112xi32, #tpu.memory_space<vmem>>
    %dma_start3A_70 = tpu.memref_squeeze %dma_start3A_69 : memref<1x112xi32, #tpu.memory_space<vmem>> -> memref<112xi32, #tpu.memory_space<vmem>>
    %dma_start3A_71 = arith.constant 0 : i32
    %dma_start3A_72 = arith.constant 0 : i32
    %dma_start3A_73 = tpu.memref_slice %arg2[%dma_start3A_71, %dma_start3A_72] : memref<10000x128xf32, #tpu.memory_space<hbm>> -> memref<10000x128xf32, #tpu.memory_space<hbm>>
    tpu.enqueue_indirect_dma source(%dma_start3A_73 : memref<10000x128xf32, #tpu.memory_space<hbm>>) target(%arg15 : memref<112x128xf32, #tpu.memory_space<vmem>>) offsets(%dma_start3A_70 : memref<112xi32, #tpu.memory_space<vmem>>) semaphore(%arg24 : memref<!tpu.dma_semaphore, #tpu.memory_space<semaphore_mem>>)
    %dma_start3A_74 = arith.constant 2 : i32
    %dma_start3A_75 = arith.constant 0 : i32
    %dma_start3A_76 = arith.constant 0 : i32
    %dma_start3A_77 = tpu.memref_slice %arg4[%add3A, %dma_start3A_74, %dma_start3A_75, %dma_start3A_76] : memref<32x90x1x112xi32, #tpu.memory_space<hbm>> -> memref<1x1x1x112xi32, #tpu.memory_space<hbm>>
    %dma_start3A_78 = tpu.memref_squeeze %dma_start3A_77 : memref<1x1x1x112xi32, #tpu.memory_space<hbm>> -> memref<1x112xi32, #tpu.memory_space<hbm>>
    %dma_start3A_79 = arith.constant 0 : i32
    %dma_start3A_80 = arith.constant 0 : i32
    %dma_start3A_81 = tpu.memref_slice %arg4[%add3A, %dma_start3A_74, %dma_start3A_79, %dma_start3A_80] : memref<32x90x1x112xi32, #tpu.memory_space<hbm>> -> memref<1x1x1x112xi32, #tpu.memory_space<hbm>>
    %dma_start3A_82 = tpu.memref_squeeze %dma_start3A_81 : memref<1x1x1x112xi32, #tpu.memory_space<hbm>> -> memref<1x112xi32, #tpu.memory_space<hbm>>
    tpu.enqueue_dma source(%dma_start3A_82 : memref<1x112xi32, #tpu.memory_space<hbm>>) target(%arg10 : memref<1x112xi32, #tpu.memory_space<vmem>>) target_semaphore(%arg19 : memref<!tpu.dma_semaphore, #tpu.memory_space<semaphore_mem>>)
    %scan3A = arith.constant 0 : i32
    %scan3A_83 = arith.constant 0 : i32
    %scan3A_84 = arith.constant 30 : i32
    %scan3A_85 = arith.addi %scan3A_83, %scan3A_84 : i32
    %scan3A_86 = arith.constant 1 : i32
    scf.for %scan3A_100 = %scan3A_83 to %scan3A_85 step %scan3A_86  : i32 {
      %mul3A_101 = arith.constant 3 : i32
      %mul3A_102 = arith.muli %mul3A_101, %scan3A_100 : i32
      %add3A_103 = arith.constant 0 : i32
      %add3A_104 = arith.addi %mul3A_102, %add3A_103 : i32
      %dma_wait3A_105 = arith.constant 0 : i32
      %dma_wait3A_106 = arith.constant 0 : i32
      %dma_wait3A_107 = tpu.memref_slice %arg8[%dma_wait3A_105, %dma_wait3A_106] : memref<1x112xi32, #tpu.memory_space<vmem>> -> memref<1x112xi32, #tpu.memory_space<vmem>>
      %dma_wait3A_108 = tpu.memref_squeeze %dma_wait3A_107 : memref<1x112xi32, #tpu.memory_space<vmem>> -> memref<112xi32, #tpu.memory_space<vmem>>
      %dma_wait3A_109 = arith.constant 0 : i32
      %dma_wait3A_110 = arith.constant 0 : i32
      %dma_wait3A_111 = tpu.memref_slice %arg2[%dma_wait3A_109, %dma_wait3A_110] : memref<10000x128xf32, #tpu.memory_space<hbm>> -> memref<10000x128xf32, #tpu.memory_space<hbm>>
      tpu.wait_indirect_dma semaphore(%arg23 : memref<!tpu.dma_semaphore, #tpu.memory_space<semaphore_mem>>) src(%dma_wait3A_111 : memref<10000x128xf32, #tpu.memory_space<hbm>>) dst(%arg14 : memref<112x128xf32, #tpu.memory_space<vmem>>)
      %dma_wait3A_112 = arith.constant 0 : i32
      %dma_wait3A_113 = arith.constant 0 : i32
      %dma_wait3A_114 = arith.constant 0 : i32
      %dma_wait3A_115 = tpu.memref_slice %arg5[%add3A, %dma_wait3A_112, %dma_wait3A_113, %dma_wait3A_114] : memref<32x90x1x112xi32, #tpu.memory_space<hbm>> -> memref<1x1x1x112xi32, #tpu.memory_space<hbm>>
      %dma_wait3A_116 = tpu.memref_squeeze %dma_wait3A_115 : memref<1x1x1x112xi32, #tpu.memory_space<hbm>> -> memref<1x112xi32, #tpu.memory_space<hbm>>
      %dma_wait3A_117 = arith.constant 0 : i32
      %dma_wait3A_118 = arith.constant 0 : i32
      %dma_wait3A_119 = tpu.memref_slice %arg5[%add3A, %dma_wait3A_112, %dma_wait3A_117, %dma_wait3A_118] : memref<32x90x1x112xi32, #tpu.memory_space<hbm>> -> memref<1x1x1x112xi32, #tpu.memory_space<hbm>>
      %dma_wait3A_120 = tpu.memref_squeeze %dma_wait3A_119 : memref<1x1x1x112xi32, #tpu.memory_space<hbm>> -> memref<1x112xi32, #tpu.memory_space<hbm>>
      tpu.wait_dma2 semaphore(%arg20 : memref<!tpu.dma_semaphore, #tpu.memory_space<semaphore_mem>>) src(%dma_wait3A_120 : memref<1x112xi32, #tpu.memory_space<hbm>>) dst(%arg11 : memref<1x112xi32, #tpu.memory_space<vmem>>)
      %dma_start3A_121 = arith.constant 0 : i32
      %dma_start3A_122 = arith.constant 0 : i32
      %dma_start3A_123 = tpu.memref_slice %arg11[%dma_start3A_121, %dma_start3A_122] : memref<1x112xi32, #tpu.memory_space<vmem>> -> memref<1x112xi32, #tpu.memory_space<vmem>>
      %dma_start3A_124 = tpu.memref_squeeze %dma_start3A_123 : memref<1x112xi32, #tpu.memory_space<vmem>> -> memref<112xi32, #tpu.memory_space<vmem>>
      %dma_start3A_125 = arith.constant 0 : i32
      %dma_start3A_126 = arith.constant 0 : i32
      %dma_start3A_127 = tpu.memref_slice %arg7[%dma_start3A_125, %dma_start3A_126] : memref<10112x128xf32, #tpu.memory_space<vmem_shared>> -> memref<10112x128xf32, #tpu.memory_space<vmem_shared>>
      tpu.enqueue_indirect_dma source(%arg14 : memref<112x128xf32, #tpu.memory_space<vmem>>) target(%dma_start3A_127 : memref<10112x128xf32, #tpu.memory_space<vmem_shared>>) offsets(%dma_start3A_124 : memref<112xi32, #tpu.memory_space<vmem>>) semaphore(%arg26 : memref<!tpu.dma_semaphore, #tpu.memory_space<semaphore_mem>>) {add = true}
      %gt3A = arith.constant 0 : i32
      %gt3A_128 = arith.cmpi sgt, %scan3A_100, %gt3A : i32
      %convert_element_type3A_129 = arith.extui %gt3A_128 : i1 to i32
      %cond3A_130 = arith.constant 0 : i32
      %cond3A_131 = arith.cmpi ne, %convert_element_type3A_129, %cond3A_130 : i32
      scf.if %cond3A_131 {
        %dma_wait3A_263 = arith.constant 0 : i32
        %dma_wait3A_264 = arith.constant 0 : i32
        %dma_wait3A_265 = tpu.memref_slice %arg13[%dma_wait3A_263, %dma_wait3A_264] : memref<1x112xi32, #tpu.memory_space<vmem>> -> memref<1x112xi32, #tpu.memory_space<vmem>>
        %dma_wait3A_266 = tpu.memref_squeeze %dma_wait3A_265 : memref<1x112xi32, #tpu.memory_space<vmem>> -> memref<112xi32, #tpu.memory_space<vmem>>
        %dma_wait3A_267 = arith.constant 0 : i32
        %dma_wait3A_268 = arith.constant 0 : i32
        %dma_wait3A_269 = tpu.memref_slice %arg7[%dma_wait3A_267, %dma_wait3A_268] : memref<10112x128xf32, #tpu.memory_space<vmem_shared>> -> memref<10112x128xf32, #tpu.memory_space<vmem_shared>>
        tpu.wait_indirect_dma semaphore(%arg28 : memref<!tpu.dma_semaphore, #tpu.memory_space<semaphore_mem>>) src(%arg16 : memref<112x128xf32, #tpu.memory_space<vmem>>) dst(%dma_wait3A_269 : memref<10112x128xf32, #tpu.memory_space<vmem_shared>>)
      } else {
      }
      %add3A_132 = arith.constant 2 : i32
      %add3A_133 = arith.addi %add3A_104, %add3A_132 : i32
      %lt3A_134 = arith.constant 90 : i32
      %lt3A_135 = arith.cmpi slt, %add3A_133, %lt3A_134 : i32
      %convert_element_type3A_136 = arith.extui %lt3A_135 : i1 to i32
      %cond3A_137 = arith.constant 0 : i32
      %cond3A_138 = arith.cmpi ne, %convert_element_type3A_136, %cond3A_137 : i32
      scf.if %cond3A_138 {
        %dma_wait3A_263 = arith.constant 0 : i32
        %dma_wait3A_264 = arith.constant 0 : i32
        %dma_wait3A_265 = arith.constant 0 : i32
        %dma_wait3A_266 = tpu.memref_slice %arg4[%add3A, %dma_wait3A_263, %dma_wait3A_264, %dma_wait3A_265] : memref<32x90x1x112xi32, #tpu.memory_space<hbm>> -> memref<1x1x1x112xi32, #tpu.memory_space<hbm>>
        %dma_wait3A_267 = tpu.memref_squeeze %dma_wait3A_266 : memref<1x1x1x112xi32, #tpu.memory_space<hbm>> -> memref<1x112xi32, #tpu.memory_space<hbm>>
        %dma_wait3A_268 = arith.constant 0 : i32
        %dma_wait3A_269 = arith.constant 0 : i32
        %dma_wait3A_270 = tpu.memref_slice %arg4[%add3A, %dma_wait3A_263, %dma_wait3A_268, %dma_wait3A_269] : memref<32x90x1x112xi32, #tpu.memory_space<hbm>> -> memref<1x1x1x112xi32, #tpu.memory_space<hbm>>
        %dma_wait3A_271 = tpu.memref_squeeze %dma_wait3A_270 : memref<1x1x1x112xi32, #tpu.memory_space<hbm>> -> memref<1x112xi32, #tpu.memory_space<hbm>>
        tpu.wait_dma2 semaphore(%arg19 : memref<!tpu.dma_semaphore, #tpu.memory_space<semaphore_mem>>) src(%dma_wait3A_271 : memref<1x112xi32, #tpu.memory_space<hbm>>) dst(%arg10 : memref<1x112xi32, #tpu.memory_space<vmem>>)
        %dma_start3A_272 = arith.constant 0 : i32
        %dma_start3A_273 = arith.constant 0 : i32
        %dma_start3A_274 = tpu.memref_slice %arg10[%dma_start3A_272, %dma_start3A_273] : memref<1x112xi32, #tpu.memory_space<vmem>> -> memref<1x112xi32, #tpu.memory_space<vmem>>
        %dma_start3A_275 = tpu.memref_squeeze %dma_start3A_274 : memref<1x112xi32, #tpu.memory_space<vmem>> -> memref<112xi32, #tpu.memory_space<vmem>>
        %dma_start3A_276 = arith.constant 0 : i32
        %dma_start3A_277 = arith.constant 0 : i32
        %dma_start3A_278 = tpu.memref_slice %arg2[%dma_start3A_276, %dma_start3A_277] : memref<10000x128xf32, #tpu.memory_space<hbm>> -> memref<10000x128xf32, #tpu.memory_space<hbm>>
        tpu.enqueue_indirect_dma source(%dma_start3A_278 : memref<10000x128xf32, #tpu.memory_space<hbm>>) target(%arg16 : memref<112x128xf32, #tpu.memory_space<vmem>>) offsets(%dma_start3A_275 : memref<112xi32, #tpu.memory_space<vmem>>) semaphore(%arg25 : memref<!tpu.dma_semaphore, #tpu.memory_space<semaphore_mem>>)
      } else {
      }
      %add3A_139 = arith.constant 3 : i32
      %add3A_140 = arith.addi %add3A_104, %add3A_139 : i32
      %lt3A_141 = arith.constant 90 : i32
      %lt3A_142 = arith.cmpi slt, %add3A_140, %lt3A_141 : i32
      %convert_element_type3A_143 = arith.extui %lt3A_142 : i1 to i32
      %cond3A_144 = arith.constant 0 : i32
      %cond3A_145 = arith.cmpi ne, %convert_element_type3A_143, %cond3A_144 : i32
      scf.if %cond3A_145 {
        %add3A_263 = arith.constant 3 : i32
        %add3A_264 = arith.addi %add3A_104, %add3A_263 : i32
        %dma_start3A_265 = arith.constant 0 : i32
        %dma_start3A_266 = arith.constant 0 : i32
        %dma_start3A_267 = tpu.memref_slice %arg4[%add3A, %add3A_264, %dma_start3A_265, %dma_start3A_266] : memref<32x90x1x112xi32, #tpu.memory_space<hbm>> -> memref<1x1x1x112xi32, #tpu.memory_space<hbm>>
        %dma_start3A_268 = tpu.memref_squeeze %dma_start3A_267 : memref<1x1x1x112xi32, #tpu.memory_space<hbm>> -> memref<1x112xi32, #tpu.memory_space<hbm>>
        %dma_start3A_269 = arith.constant 0 : i32
        %dma_start3A_270 = arith.constant 0 : i32
        %dma_start3A_271 = tpu.memref_slice %arg4[%add3A, %add3A_264, %dma_start3A_269, %dma_start3A_270] : memref<32x90x1x112xi32, #tpu.memory_space<hbm>> -> memref<1x1x1x112xi32, #tpu.memory_space<hbm>>
        %dma_start3A_272 = tpu.memref_squeeze %dma_start3A_271 : memref<1x1x1x112xi32, #tpu.memory_space<hbm>> -> memref<1x112xi32, #tpu.memory_space<hbm>>
        tpu.enqueue_dma source(%dma_start3A_272 : memref<1x112xi32, #tpu.memory_space<hbm>>) target(%arg8 : memref<1x112xi32, #tpu.memory_space<vmem>>) target_semaphore(%arg17 : memref<!tpu.dma_semaphore, #tpu.memory_space<semaphore_mem>>)
      } else {
      }
      %add3A_146 = arith.constant 1 : i32
      %add3A_147 = arith.addi %add3A_104, %add3A_146 : i32
      %lt3A_148 = arith.constant 90 : i32
      %lt3A_149 = arith.cmpi slt, %add3A_147, %lt3A_148 : i32
      %convert_element_type3A_150 = arith.extui %lt3A_149 : i1 to i32
      %cond3A_151 = arith.constant 0 : i32
      %cond3A_152 = arith.cmpi ne, %convert_element_type3A_150, %cond3A_151 : i32
      scf.if %cond3A_152 {
        %add3A_263 = arith.constant 1 : i32
        %add3A_264 = arith.addi %add3A_104, %add3A_263 : i32
        %dma_start3A_265 = arith.constant 0 : i32
        %dma_start3A_266 = arith.constant 0 : i32
        %dma_start3A_267 = tpu.memref_slice %arg5[%add3A, %add3A_264, %dma_start3A_265, %dma_start3A_266] : memref<32x90x1x112xi32, #tpu.memory_space<hbm>> -> memref<1x1x1x112xi32, #tpu.memory_space<hbm>>
        %dma_start3A_268 = tpu.memref_squeeze %dma_start3A_267 : memref<1x1x1x112xi32, #tpu.memory_space<hbm>> -> memref<1x112xi32, #tpu.memory_space<hbm>>
        %dma_start3A_269 = arith.constant 0 : i32
        %dma_start3A_270 = arith.constant 0 : i32
        %dma_start3A_271 = tpu.memref_slice %arg5[%add3A, %add3A_264, %dma_start3A_269, %dma_start3A_270] : memref<32x90x1x112xi32, #tpu.memory_space<hbm>> -> memref<1x1x1x112xi32, #tpu.memory_space<hbm>>
        %dma_start3A_272 = tpu.memref_squeeze %dma_start3A_271 : memref<1x1x1x112xi32, #tpu.memory_space<hbm>> -> memref<1x112xi32, #tpu.memory_space<hbm>>
        tpu.enqueue_dma source(%dma_start3A_272 : memref<1x112xi32, #tpu.memory_space<hbm>>) target(%arg12 : memref<1x112xi32, #tpu.memory_space<vmem>>) target_semaphore(%arg21 : memref<!tpu.dma_semaphore, #tpu.memory_space<semaphore_mem>>)
      } else {
      }
      %mul3A_153 = arith.constant 3 : i32
      %mul3A_154 = arith.muli %mul3A_153, %scan3A_100 : i32
      %add3A_155 = arith.constant 1 : i32
      %add3A_156 = arith.addi %mul3A_154, %add3A_155 : i32
      %dma_wait3A_157 = arith.constant 0 : i32
      %dma_wait3A_158 = arith.constant 0 : i32
      %dma_wait3A_159 = tpu.memref_slice %arg9[%dma_wait3A_157, %dma_wait3A_158] : memref<1x112xi32, #tpu.memory_space<vmem>> -> memref<1x112xi32, #tpu.memory_space<vmem>>
      %dma_wait3A_160 = tpu.memref_squeeze %dma_wait3A_159 : memref<1x112xi32, #tpu.memory_space<vmem>> -> memref<112xi32, #tpu.memory_space<vmem>>
      %dma_wait3A_161 = arith.constant 0 : i32
      %dma_wait3A_162 = arith.constant 0 : i32
      %dma_wait3A_163 = tpu.memref_slice %arg2[%dma_wait3A_161, %dma_wait3A_162] : memref<10000x128xf32, #tpu.memory_space<hbm>> -> memref<10000x128xf32, #tpu.memory_space<hbm>>
      tpu.wait_indirect_dma semaphore(%arg24 : memref<!tpu.dma_semaphore, #tpu.memory_space<semaphore_mem>>) src(%dma_wait3A_163 : memref<10000x128xf32, #tpu.memory_space<hbm>>) dst(%arg15 : memref<112x128xf32, #tpu.memory_space<vmem>>)
      %dma_wait3A_164 = arith.constant 0 : i32
      %dma_wait3A_165 = arith.constant 0 : i32
      %dma_wait3A_166 = arith.constant 0 : i32
      %dma_wait3A_167 = tpu.memref_slice %arg5[%add3A, %dma_wait3A_164, %dma_wait3A_165, %dma_wait3A_166] : memref<32x90x1x112xi32, #tpu.memory_space<hbm>> -> memref<1x1x1x112xi32, #tpu.memory_space<hbm>>
      %dma_wait3A_168 = tpu.memref_squeeze %dma_wait3A_167 : memref<1x1x1x112xi32, #tpu.memory_space<hbm>> -> memref<1x112xi32, #tpu.memory_space<hbm>>
      %dma_wait3A_169 = arith.constant 0 : i32
      %dma_wait3A_170 = arith.constant 0 : i32
      %dma_wait3A_171 = tpu.memref_slice %arg5[%add3A, %dma_wait3A_164, %dma_wait3A_169, %dma_wait3A_170] : memref<32x90x1x112xi32, #tpu.memory_space<hbm>> -> memref<1x1x1x112xi32, #tpu.memory_space<hbm>>
      %dma_wait3A_172 = tpu.memref_squeeze %dma_wait3A_171 : memref<1x1x1x112xi32, #tpu.memory_space<hbm>> -> memref<1x112xi32, #tpu.memory_space<hbm>>
      tpu.wait_dma2 semaphore(%arg21 : memref<!tpu.dma_semaphore, #tpu.memory_space<semaphore_mem>>) src(%dma_wait3A_172 : memref<1x112xi32, #tpu.memory_space<hbm>>) dst(%arg12 : memref<1x112xi32, #tpu.memory_space<vmem>>)
      %dma_start3A_173 = arith.constant 0 : i32
      %dma_start3A_174 = arith.constant 0 : i32
      %dma_start3A_175 = tpu.memref_slice %arg12[%dma_start3A_173, %dma_start3A_174] : memref<1x112xi32, #tpu.memory_space<vmem>> -> memref<1x112xi32, #tpu.memory_space<vmem>>
      %dma_start3A_176 = tpu.memref_squeeze %dma_start3A_175 : memref<1x112xi32, #tpu.memory_space<vmem>> -> memref<112xi32, #tpu.memory_space<vmem>>
      %dma_start3A_177 = arith.constant 0 : i32
      %dma_start3A_178 = arith.constant 0 : i32
      %dma_start3A_179 = tpu.memref_slice %arg7[%dma_start3A_177, %dma_start3A_178] : memref<10112x128xf32, #tpu.memory_space<vmem_shared>> -> memref<10112x128xf32, #tpu.memory_space<vmem_shared>>
      tpu.enqueue_indirect_dma source(%arg15 : memref<112x128xf32, #tpu.memory_space<vmem>>) target(%dma_start3A_179 : memref<10112x128xf32, #tpu.memory_space<vmem_shared>>) offsets(%dma_start3A_176 : memref<112xi32, #tpu.memory_space<vmem>>) semaphore(%arg27 : memref<!tpu.dma_semaphore, #tpu.memory_space<semaphore_mem>>) {add = true}
      %dma_wait3A_180 = arith.constant 0 : i32
      %dma_wait3A_181 = arith.constant 0 : i32
      %dma_wait3A_182 = tpu.memref_slice %arg11[%dma_wait3A_180, %dma_wait3A_181] : memref<1x112xi32, #tpu.memory_space<vmem>> -> memref<1x112xi32, #tpu.memory_space<vmem>>
      %dma_wait3A_183 = tpu.memref_squeeze %dma_wait3A_182 : memref<1x112xi32, #tpu.memory_space<vmem>> -> memref<112xi32, #tpu.memory_space<vmem>>
      %dma_wait3A_184 = arith.constant 0 : i32
      %dma_wait3A_185 = arith.constant 0 : i32
      %dma_wait3A_186 = tpu.memref_slice %arg7[%dma_wait3A_184, %dma_wait3A_185] : memref<10112x128xf32, #tpu.memory_space<vmem_shared>> -> memref<10112x128xf32, #tpu.memory_space<vmem_shared>>
      tpu.wait_indirect_dma semaphore(%arg26 : memref<!tpu.dma_semaphore, #tpu.memory_space<semaphore_mem>>) src(%arg14 : memref<112x128xf32, #tpu.memory_space<vmem>>) dst(%dma_wait3A_186 : memref<10112x128xf32, #tpu.memory_space<vmem_shared>>)
      %add3A_187 = arith.constant 2 : i32
      %add3A_188 = arith.addi %add3A_156, %add3A_187 : i32
      %lt3A_189 = arith.constant 90 : i32
      %lt3A_190 = arith.cmpi slt, %add3A_188, %lt3A_189 : i32
      %convert_element_type3A_191 = arith.extui %lt3A_190 : i1 to i32
      %cond3A_192 = arith.constant 0 : i32
      %cond3A_193 = arith.cmpi ne, %convert_element_type3A_191, %cond3A_192 : i32
      scf.if %cond3A_193 {
        %dma_wait3A_263 = arith.constant 0 : i32
        %dma_wait3A_264 = arith.constant 0 : i32
        %dma_wait3A_265 = arith.constant 0 : i32
        %dma_wait3A_266 = tpu.memref_slice %arg4[%add3A, %dma_wait3A_263, %dma_wait3A_264, %dma_wait3A_265] : memref<32x90x1x112xi32, #tpu.memory_space<hbm>> -> memref<1x1x1x112xi32, #tpu.memory_space<hbm>>
        %dma_wait3A_267 = tpu.memref_squeeze %dma_wait3A_266 : memref<1x1x1x112xi32, #tpu.memory_space<hbm>> -> memref<1x112xi32, #tpu.memory_space<hbm>>
        %dma_wait3A_268 = arith.constant 0 : i32
        %dma_wait3A_269 = arith.constant 0 : i32
        %dma_wait3A_270 = tpu.memref_slice %arg4[%add3A, %dma_wait3A_263, %dma_wait3A_268, %dma_wait3A_269] : memref<32x90x1x112xi32, #tpu.memory_space<hbm>> -> memref<1x1x1x112xi32, #tpu.memory_space<hbm>>
        %dma_wait3A_271 = tpu.memref_squeeze %dma_wait3A_270 : memref<1x1x1x112xi32, #tpu.memory_space<hbm>> -> memref<1x112xi32, #tpu.memory_space<hbm>>
        tpu.wait_dma2 semaphore(%arg17 : memref<!tpu.dma_semaphore, #tpu.memory_space<semaphore_mem>>) src(%dma_wait3A_271 : memref<1x112xi32, #tpu.memory_space<hbm>>) dst(%arg8 : memref<1x112xi32, #tpu.memory_space<vmem>>)
        %dma_start3A_272 = arith.constant 0 : i32
        %dma_start3A_273 = arith.constant 0 : i32
        %dma_start3A_274 = tpu.memref_slice %arg8[%dma_start3A_272, %dma_start3A_273] : memref<1x112xi32, #tpu.memory_space<vmem>> -> memref<1x112xi32, #tpu.memory_space<vmem>>
        %dma_start3A_275 = tpu.memref_squeeze %dma_start3A_274 : memref<1x112xi32, #tpu.memory_space<vmem>> -> memref<112xi32, #tpu.memory_space<vmem>>
        %dma_start3A_276 = arith.constant 0 : i32
        %dma_start3A_277 = arith.constant 0 : i32
        %dma_start3A_278 = tpu.memref_slice %arg2[%dma_start3A_276, %dma_start3A_277] : memref<10000x128xf32, #tpu.memory_space<hbm>> -> memref<10000x128xf32, #tpu.memory_space<hbm>>
        tpu.enqueue_indirect_dma source(%dma_start3A_278 : memref<10000x128xf32, #tpu.memory_space<hbm>>) target(%arg14 : memref<112x128xf32, #tpu.memory_space<vmem>>) offsets(%dma_start3A_275 : memref<112xi32, #tpu.memory_space<vmem>>) semaphore(%arg23 : memref<!tpu.dma_semaphore, #tpu.memory_space<semaphore_mem>>)
      } else {
      }
      %add3A_194 = arith.constant 3 : i32
      %add3A_195 = arith.addi %add3A_156, %add3A_194 : i32
      %lt3A_196 = arith.constant 90 : i32
      %lt3A_197 = arith.cmpi slt, %add3A_195, %lt3A_196 : i32
      %convert_element_type3A_198 = arith.extui %lt3A_197 : i1 to i32
      %cond3A_199 = arith.constant 0 : i32
      %cond3A_200 = arith.cmpi ne, %convert_element_type3A_198, %cond3A_199 : i32
      scf.if %cond3A_200 {
        %add3A_263 = arith.constant 3 : i32
        %add3A_264 = arith.addi %add3A_156, %add3A_263 : i32
        %dma_start3A_265 = arith.constant 0 : i32
        %dma_start3A_266 = arith.constant 0 : i32
        %dma_start3A_267 = tpu.memref_slice %arg4[%add3A, %add3A_264, %dma_start3A_265, %dma_start3A_266] : memref<32x90x1x112xi32, #tpu.memory_space<hbm>> -> memref<1x1x1x112xi32, #tpu.memory_space<hbm>>
        %dma_start3A_268 = tpu.memref_squeeze %dma_start3A_267 : memref<1x1x1x112xi32, #tpu.memory_space<hbm>> -> memref<1x112xi32, #tpu.memory_space<hbm>>
        %dma_start3A_269 = arith.constant 0 : i32
        %dma_start3A_270 = arith.constant 0 : i32
        %dma_start3A_271 = tpu.memref_slice %arg4[%add3A, %add3A_264, %dma_start3A_269, %dma_start3A_270] : memref<32x90x1x112xi32, #tpu.memory_space<hbm>> -> memref<1x1x1x112xi32, #tpu.memory_space<hbm>>
        %dma_start3A_272 = tpu.memref_squeeze %dma_start3A_271 : memref<1x1x1x112xi32, #tpu.memory_space<hbm>> -> memref<1x112xi32, #tpu.memory_space<hbm>>
        tpu.enqueue_dma source(%dma_start3A_272 : memref<1x112xi32, #tpu.memory_space<hbm>>) target(%arg9 : memref<1x112xi32, #tpu.memory_space<vmem>>) target_semaphore(%arg18 : memref<!tpu.dma_semaphore, #tpu.memory_space<semaphore_mem>>)
      } else {
      }
      %add3A_201 = arith.constant 1 : i32
      %add3A_202 = arith.addi %add3A_156, %add3A_201 : i32
      %lt3A_203 = arith.constant 90 : i32
      %lt3A_204 = arith.cmpi slt, %add3A_202, %lt3A_203 : i32
      %convert_element_type3A_205 = arith.extui %lt3A_204 : i1 to i32
      %cond3A_206 = arith.constant 0 : i32
      %cond3A_207 = arith.cmpi ne, %convert_element_type3A_205, %cond3A_206 : i32
      scf.if %cond3A_207 {
        %add3A_263 = arith.constant 1 : i32
        %add3A_264 = arith.addi %add3A_156, %add3A_263 : i32
        %dma_start3A_265 = arith.constant 0 : i32
        %dma_start3A_266 = arith.constant 0 : i32
        %dma_start3A_267 = tpu.memref_slice %arg5[%add3A, %add3A_264, %dma_start3A_265, %dma_start3A_266] : memref<32x90x1x112xi32, #tpu.memory_space<hbm>> -> memref<1x1x1x112xi32, #tpu.memory_space<hbm>>
        %dma_start3A_268 = tpu.memref_squeeze %dma_start3A_267 : memref<1x1x1x112xi32, #tpu.memory_space<hbm>> -> memref<1x112xi32, #tpu.memory_space<hbm>>
        %dma_start3A_269 = arith.constant 0 : i32
        %dma_start3A_270 = arith.constant 0 : i32
        %dma_start3A_271 = tpu.memref_slice %arg5[%add3A, %add3A_264, %dma_start3A_269, %dma_start3A_270] : memref<32x90x1x112xi32, #tpu.memory_space<hbm>> -> memref<1x1x1x112xi32, #tpu.memory_space<hbm>>
        %dma_start3A_272 = tpu.memref_squeeze %dma_start3A_271 : memref<1x1x1x112xi32, #tpu.memory_space<hbm>> -> memref<1x112xi32, #tpu.memory_space<hbm>>
        tpu.enqueue_dma source(%dma_start3A_272 : memref<1x112xi32, #tpu.memory_space<hbm>>) target(%arg13 : memref<1x112xi32, #tpu.memory_space<vmem>>) target_semaphore(%arg22 : memref<!tpu.dma_semaphore, #tpu.memory_space<semaphore_mem>>)
      } else {
      }
      %mul3A_208 = arith.constant 3 : i32
      %mul3A_209 = arith.muli %mul3A_208, %scan3A_100 : i32
      %add3A_210 = arith.constant 2 : i32
      %add3A_211 = arith.addi %mul3A_209, %add3A_210 : i32
      %dma_wait3A_212 = arith.constant 0 : i32
      %dma_wait3A_213 = arith.constant 0 : i32
      %dma_wait3A_214 = tpu.memref_slice %arg10[%dma_wait3A_212, %dma_wait3A_213] : memref<1x112xi32, #tpu.memory_space<vmem>> -> memref<1x112xi32, #tpu.memory_space<vmem>>
      %dma_wait3A_215 = tpu.memref_squeeze %dma_wait3A_214 : memref<1x112xi32, #tpu.memory_space<vmem>> -> memref<112xi32, #tpu.memory_space<vmem>>
      %dma_wait3A_216 = arith.constant 0 : i32
      %dma_wait3A_217 = arith.constant 0 : i32
      %dma_wait3A_218 = tpu.memref_slice %arg2[%dma_wait3A_216, %dma_wait3A_217] : memref<10000x128xf32, #tpu.memory_space<hbm>> -> memref<10000x128xf32, #tpu.memory_space<hbm>>
      tpu.wait_indirect_dma semaphore(%arg25 : memref<!tpu.dma_semaphore, #tpu.memory_space<semaphore_mem>>) src(%dma_wait3A_218 : memref<10000x128xf32, #tpu.memory_space<hbm>>) dst(%arg16 : memref<112x128xf32, #tpu.memory_space<vmem>>)
      %dma_wait3A_219 = arith.constant 0 : i32
      %dma_wait3A_220 = arith.constant 0 : i32
      %dma_wait3A_221 = arith.constant 0 : i32
      %dma_wait3A_222 = tpu.memref_slice %arg5[%add3A, %dma_wait3A_219, %dma_wait3A_220, %dma_wait3A_221] : memref<32x90x1x112xi32, #tpu.memory_space<hbm>> -> memref<1x1x1x112xi32, #tpu.memory_space<hbm>>
      %dma_wait3A_223 = tpu.memref_squeeze %dma_wait3A_222 : memref<1x1x1x112xi32, #tpu.memory_space<hbm>> -> memref<1x112xi32, #tpu.memory_space<hbm>>
      %dma_wait3A_224 = arith.constant 0 : i32
      %dma_wait3A_225 = arith.constant 0 : i32
      %dma_wait3A_226 = tpu.memref_slice %arg5[%add3A, %dma_wait3A_219, %dma_wait3A_224, %dma_wait3A_225] : memref<32x90x1x112xi32, #tpu.memory_space<hbm>> -> memref<1x1x1x112xi32, #tpu.memory_space<hbm>>
      %dma_wait3A_227 = tpu.memref_squeeze %dma_wait3A_226 : memref<1x1x1x112xi32, #tpu.memory_space<hbm>> -> memref<1x112xi32, #tpu.memory_space<hbm>>
      tpu.wait_dma2 semaphore(%arg22 : memref<!tpu.dma_semaphore, #tpu.memory_space<semaphore_mem>>) src(%dma_wait3A_227 : memref<1x112xi32, #tpu.memory_space<hbm>>) dst(%arg13 : memref<1x112xi32, #tpu.memory_space<vmem>>)
      %dma_start3A_228 = arith.constant 0 : i32
      %dma_start3A_229 = arith.constant 0 : i32
      %dma_start3A_230 = tpu.memref_slice %arg13[%dma_start3A_228, %dma_start3A_229] : memref<1x112xi32, #tpu.memory_space<vmem>> -> memref<1x112xi32, #tpu.memory_space<vmem>>
      %dma_start3A_231 = tpu.memref_squeeze %dma_start3A_230 : memref<1x112xi32, #tpu.memory_space<vmem>> -> memref<112xi32, #tpu.memory_space<vmem>>
      %dma_start3A_232 = arith.constant 0 : i32
      %dma_start3A_233 = arith.constant 0 : i32
      %dma_start3A_234 = tpu.memref_slice %arg7[%dma_start3A_232, %dma_start3A_233] : memref<10112x128xf32, #tpu.memory_space<vmem_shared>> -> memref<10112x128xf32, #tpu.memory_space<vmem_shared>>
      tpu.enqueue_indirect_dma source(%arg16 : memref<112x128xf32, #tpu.memory_space<vmem>>) target(%dma_start3A_234 : memref<10112x128xf32, #tpu.memory_space<vmem_shared>>) offsets(%dma_start3A_231 : memref<112xi32, #tpu.memory_space<vmem>>) semaphore(%arg28 : memref<!tpu.dma_semaphore, #tpu.memory_space<semaphore_mem>>) {add = true}
      %dma_wait3A_235 = arith.constant 0 : i32
      %dma_wait3A_236 = arith.constant 0 : i32
      %dma_wait3A_237 = tpu.memref_slice %arg12[%dma_wait3A_235, %dma_wait3A_236] : memref<1x112xi32, #tpu.memory_space<vmem>> -> memref<1x112xi32, #tpu.memory_space<vmem>>
      %dma_wait3A_238 = tpu.memref_squeeze %dma_wait3A_237 : memref<1x112xi32, #tpu.memory_space<vmem>> -> memref<112xi32, #tpu.memory_space<vmem>>
      %dma_wait3A_239 = arith.constant 0 : i32
      %dma_wait3A_240 = arith.constant 0 : i32
      %dma_wait3A_241 = tpu.memref_slice %arg7[%dma_wait3A_239, %dma_wait3A_240] : memref<10112x128xf32, #tpu.memory_space<vmem_shared>> -> memref<10112x128xf32, #tpu.memory_space<vmem_shared>>
      tpu.wait_indirect_dma semaphore(%arg27 : memref<!tpu.dma_semaphore, #tpu.memory_space<semaphore_mem>>) src(%arg15 : memref<112x128xf32, #tpu.memory_space<vmem>>) dst(%dma_wait3A_241 : memref<10112x128xf32, #tpu.memory_space<vmem_shared>>)
      %add3A_242 = arith.constant 2 : i32
      %add3A_243 = arith.addi %add3A_211, %add3A_242 : i32
      %lt3A_244 = arith.constant 90 : i32
      %lt3A_245 = arith.cmpi slt, %add3A_243, %lt3A_244 : i32
      %convert_element_type3A_246 = arith.extui %lt3A_245 : i1 to i32
      %cond3A_247 = arith.constant 0 : i32
      %cond3A_248 = arith.cmpi ne, %convert_element_type3A_246, %cond3A_247 : i32
      scf.if %cond3A_248 {
        %dma_wait3A_263 = arith.constant 0 : i32
        %dma_wait3A_264 = arith.constant 0 : i32
        %dma_wait3A_265 = arith.constant 0 : i32
        %dma_wait3A_266 = tpu.memref_slice %arg4[%add3A, %dma_wait3A_263, %dma_wait3A_264, %dma_wait3A_265] : memref<32x90x1x112xi32, #tpu.memory_space<hbm>> -> memref<1x1x1x112xi32, #tpu.memory_space<hbm>>
        %dma_wait3A_267 = tpu.memref_squeeze %dma_wait3A_266 : memref<1x1x1x112xi32, #tpu.memory_space<hbm>> -> memref<1x112xi32, #tpu.memory_space<hbm>>
        %dma_wait3A_268 = arith.constant 0 : i32
        %dma_wait3A_269 = arith.constant 0 : i32
        %dma_wait3A_270 = tpu.memref_slice %arg4[%add3A, %dma_wait3A_263, %dma_wait3A_268, %dma_wait3A_269] : memref<32x90x1x112xi32, #tpu.memory_space<hbm>> -> memref<1x1x1x112xi32, #tpu.memory_space<hbm>>
        %dma_wait3A_271 = tpu.memref_squeeze %dma_wait3A_270 : memref<1x1x1x112xi32, #tpu.memory_space<hbm>> -> memref<1x112xi32, #tpu.memory_space<hbm>>
        tpu.wait_dma2 semaphore(%arg18 : memref<!tpu.dma_semaphore, #tpu.memory_space<semaphore_mem>>) src(%dma_wait3A_271 : memref<1x112xi32, #tpu.memory_space<hbm>>) dst(%arg9 : memref<1x112xi32, #tpu.memory_space<vmem>>)
        %dma_start3A_272 = arith.constant 0 : i32
        %dma_start3A_273 = arith.constant 0 : i32
        %dma_start3A_274 = tpu.memref_slice %arg9[%dma_start3A_272, %dma_start3A_273] : memref<1x112xi32, #tpu.memory_space<vmem>> -> memref<1x112xi32, #tpu.memory_space<vmem>>
        %dma_start3A_275 = tpu.memref_squeeze %dma_start3A_274 : memref<1x112xi32, #tpu.memory_space<vmem>> -> memref<112xi32, #tpu.memory_space<vmem>>
        %dma_start3A_276 = arith.constant 0 : i32
        %dma_start3A_277 = arith.constant 0 : i32
        %dma_start3A_278 = tpu.memref_slice %arg2[%dma_start3A_276, %dma_start3A_277] : memref<10000x128xf32, #tpu.memory_space<hbm>> -> memref<10000x128xf32, #tpu.memory_space<hbm>>
        tpu.enqueue_indirect_dma source(%dma_start3A_278 : memref<10000x128xf32, #tpu.memory_space<hbm>>) target(%arg15 : memref<112x128xf32, #tpu.memory_space<vmem>>) offsets(%dma_start3A_275 : memref<112xi32, #tpu.memory_space<vmem>>) semaphore(%arg24 : memref<!tpu.dma_semaphore, #tpu.memory_space<semaphore_mem>>)
      } else {
      }
      %add3A_249 = arith.constant 3 : i32
      %add3A_250 = arith.addi %add3A_211, %add3A_249 : i32
      %lt3A_251 = arith.constant 90 : i32
      %lt3A_252 = arith.cmpi slt, %add3A_250, %lt3A_251 : i32
      %convert_element_type3A_253 = arith.extui %lt3A_252 : i1 to i32
      %cond3A_254 = arith.constant 0 : i32
      %cond3A_255 = arith.cmpi ne, %convert_element_type3A_253, %cond3A_254 : i32
      scf.if %cond3A_255 {
        %add3A_263 = arith.constant 3 : i32
        %add3A_264 = arith.addi %add3A_211, %add3A_263 : i32
        %dma_start3A_265 = arith.constant 0 : i32
        %dma_start3A_266 = arith.constant 0 : i32
        %dma_start3A_267 = tpu.memref_slice %arg4[%add3A, %add3A_264, %dma_start3A_265, %dma_start3A_266] : memref<32x90x1x112xi32, #tpu.memory_space<hbm>> -> memref<1x1x1x112xi32, #tpu.memory_space<hbm>>
        %dma_start3A_268 = tpu.memref_squeeze %dma_start3A_267 : memref<1x1x1x112xi32, #tpu.memory_space<hbm>> -> memref<1x112xi32, #tpu.memory_space<hbm>>
        %dma_start3A_269 = arith.constant 0 : i32
        %dma_start3A_270 = arith.constant 0 : i32
        %dma_start3A_271 = tpu.memref_slice %arg4[%add3A, %add3A_264, %dma_start3A_269, %dma_start3A_270] : memref<32x90x1x112xi32, #tpu.memory_space<hbm>> -> memref<1x1x1x112xi32, #tpu.memory_space<hbm>>
        %dma_start3A_272 = tpu.memref_squeeze %dma_start3A_271 : memref<1x1x1x112xi32, #tpu.memory_space<hbm>> -> memref<1x112xi32, #tpu.memory_space<hbm>>
        tpu.enqueue_dma source(%dma_start3A_272 : memref<1x112xi32, #tpu.memory_space<hbm>>) target(%arg10 : memref<1x112xi32, #tpu.memory_space<vmem>>) target_semaphore(%arg19 : memref<!tpu.dma_semaphore, #tpu.memory_space<semaphore_mem>>)
      } else {
      }
      %add3A_256 = arith.constant 1 : i32
      %add3A_257 = arith.addi %add3A_211, %add3A_256 : i32
      %lt3A_258 = arith.constant 90 : i32
      %lt3A_259 = arith.cmpi slt, %add3A_257, %lt3A_258 : i32
      %convert_element_type3A_260 = arith.extui %lt3A_259 : i1 to i32
      %cond3A_261 = arith.constant 0 : i32
      %cond3A_262 = arith.cmpi ne, %convert_element_type3A_260, %cond3A_261 : i32
      scf.if %cond3A_262 {
        %add3A_263 = arith.constant 1 : i32
        %add3A_264 = arith.addi %add3A_211, %add3A_263 : i32
        %dma_start3A_265 = arith.constant 0 : i32
        %dma_start3A_266 = arith.constant 0 : i32
        %dma_start3A_267 = tpu.memref_slice %arg5[%add3A, %add3A_264, %dma_start3A_265, %dma_start3A_266] : memref<32x90x1x112xi32, #tpu.memory_space<hbm>> -> memref<1x1x1x112xi32, #tpu.memory_space<hbm>>
        %dma_start3A_268 = tpu.memref_squeeze %dma_start3A_267 : memref<1x1x1x112xi32, #tpu.memory_space<hbm>> -> memref<1x112xi32, #tpu.memory_space<hbm>>
        %dma_start3A_269 = arith.constant 0 : i32
        %dma_start3A_270 = arith.constant 0 : i32
        %dma_start3A_271 = tpu.memref_slice %arg5[%add3A, %add3A_264, %dma_start3A_269, %dma_start3A_270] : memref<32x90x1x112xi32, #tpu.memory_space<hbm>> -> memref<1x1x1x112xi32, #tpu.memory_space<hbm>>
        %dma_start3A_272 = tpu.memref_squeeze %dma_start3A_271 : memref<1x1x1x112xi32, #tpu.memory_space<hbm>> -> memref<1x112xi32, #tpu.memory_space<hbm>>
        tpu.enqueue_dma source(%dma_start3A_272 : memref<1x112xi32, #tpu.memory_space<hbm>>) target(%arg11 : memref<1x112xi32, #tpu.memory_space<vmem>>) target_semaphore(%arg20 : memref<!tpu.dma_semaphore, #tpu.memory_space<semaphore_mem>>)
      } else {
      }
    }
    %scan3A_87 = arith.constant 30 : i32
    %dma_wait3A_88 = arith.constant 0 : i32
    %dma_wait3A_89 = arith.constant 0 : i32
    %dma_wait3A_90 = tpu.memref_slice %arg13[%dma_wait3A_88, %dma_wait3A_89] : memref<1x112xi32, #tpu.memory_space<vmem>> -> memref<1x112xi32, #tpu.memory_space<vmem>>
    %dma_wait3A_91 = tpu.memref_squeeze %dma_wait3A_90 : memref<1x112xi32, #tpu.memory_space<vmem>> -> memref<112xi32, #tpu.memory_space<vmem>>
    %dma_wait3A_92 = arith.constant 0 : i32
    %dma_wait3A_93 = arith.constant 0 : i32
    %dma_wait3A_94 = tpu.memref_slice %arg7[%dma_wait3A_92, %dma_wait3A_93] : memref<10112x128xf32, #tpu.memory_space<vmem_shared>> -> memref<10112x128xf32, #tpu.memory_space<vmem_shared>>
    tpu.wait_indirect_dma semaphore(%arg28 : memref<!tpu.dma_semaphore, #tpu.memory_space<semaphore_mem>>) src(%arg16 : memref<112x128xf32, #tpu.memory_space<vmem>>) dst(%dma_wait3A_94 : memref<10112x128xf32, #tpu.memory_space<vmem_shared>>)
    %barrier3A_95 = arith.constant 0 : index
    tpu.barrier barrier_id(%barrier3A_95)
    %mul3A_96 = arith.constant 632 : i32
    %mul3A_97 = arith.muli %arg1, %mul3A_96 : i32
    %mul3A_98 = arith.constant 632 : i32
    %mul3A_99 = arith.muli %arg1, %mul3A_98 : i32
    "tpu.region"() ({
      %run_scoped3A = tpu.sem_alloc : memref<!tpu.dma_semaphore, #tpu.memory_space<semaphore_mem>>
      %dma_start3A_100 = arith.constant 0 : i32
      %dma_start3A_101 = tpu.memref_slice %arg6[%arg0, %mul3A_99, %dma_start3A_100] : memref<2x10112x128xf32, #tpu.memory_space<hbm>> -> memref<1x632x128xf32, #tpu.memory_space<hbm>>
      %dma_start3A_102 = tpu.memref_squeeze %dma_start3A_101 : memref<1x632x128xf32, #tpu.memory_space<hbm>> -> memref<632x128xf32, #tpu.memory_space<hbm>>
      %dma_start3A_103 = arith.constant 0 : i32
      %dma_start3A_104 = tpu.memref_slice %arg7[%mul3A_97, %dma_start3A_103] : memref<10112x128xf32, #tpu.memory_space<vmem_shared>> -> memref<632x128xf32, #tpu.memory_space<vmem_shared>>
      tpu.enqueue_dma source(%dma_start3A_104 : memref<632x128xf32, #tpu.memory_space<vmem_shared>>) target(%dma_start3A_102 : memref<632x128xf32, #tpu.memory_space<hbm>>) target_semaphore(%run_scoped3A : memref<!tpu.dma_semaphore, #tpu.memory_space<semaphore_mem>>)
      %dma_wait3A_105 = arith.constant 0 : i32
      %dma_wait3A_106 = tpu.memref_slice %arg6[%arg0, %mul3A_99, %dma_wait3A_105] : memref<2x10112x128xf32, #tpu.memory_space<hbm>> -> memref<1x632x128xf32, #tpu.memory_space<hbm>>
      %dma_wait3A_107 = tpu.memref_squeeze %dma_wait3A_106 : memref<1x632x128xf32, #tpu.memory_space<hbm>> -> memref<632x128xf32, #tpu.memory_space<hbm>>
      %dma_wait3A_108 = arith.constant 0 : i32
      %dma_wait3A_109 = tpu.memref_slice %arg7[%mul3A_97, %dma_wait3A_108] : memref<10112x128xf32, #tpu.memory_space<vmem_shared>> -> memref<632x128xf32, #tpu.memory_space<vmem_shared>>
      tpu.wait_dma2 semaphore(%run_scoped3A : memref<!tpu.dma_semaphore, #tpu.memory_space<semaphore_mem>>) src(%dma_wait3A_109 : memref<632x128xf32, #tpu.memory_space<vmem_shared>>) dst(%dma_wait3A_107 : memref<632x128xf32, #tpu.memory_space<hbm>>)
      tpu.yield
    }) : () -> ()
    return
  }
}

#map = affine_map<(d0, d1) -> (0, 0)>
#map1 = affine_map<(d0, d1) -> (0, 0, 0, 0)>
#map2 = affine_map<(d0, d1) -> (0, 0, 0)>
module attributes {stable_mosaic.version = 14 : i64} {
  func.func @_sc_agg(%arg0: i32, %arg1: i32, %arg2: memref<10112x128xf32, #tpu.memory_space<hbm>>, %arg3: memref<10112x128xf32, #tpu.memory_space<hbm>>, %arg4: memref<32x90x1x112xi32, #tpu.memory_space<hbm>>, %arg5: memref<32x90x1x112xi32, #tpu.memory_space<hbm>>, %arg6: memref<2x10112x128xf32, #tpu.memory_space<hbm>>, %arg7: memref<10112x128xf32, #tpu.memory_space<vmem_shared>>, %arg8: memref<1x112xi32, #tpu.memory_space<vmem>>, %arg9: memref<1x112xi32, #tpu.memory_space<vmem>>, %arg10: memref<1x112xi32, #tpu.memory_space<vmem>>, %arg11: memref<1x112xi32, #tpu.memory_space<vmem>>, %arg12: memref<1x112xi32, #tpu.memory_space<vmem>>, %arg13: memref<1x112xi32, #tpu.memory_space<vmem>>, %arg14: memref<112x128xf32, #tpu.memory_space<vmem>>, %arg15: memref<112x128xf32, #tpu.memory_space<vmem>>, %arg16: memref<112x128xf32, #tpu.memory_space<vmem>>, %arg17: memref<!tpu.dma_semaphore, #tpu.memory_space<semaphore_mem>>, %arg18: memref<!tpu.dma_semaphore, #tpu.memory_space<semaphore_mem>>, %arg19: memref<!tpu.dma_semaphore, #tpu.memory_space<semaphore_mem>>, %arg20: memref<!tpu.dma_semaphore, #tpu.memory_space<semaphore_mem>>, %arg21: memref<!tpu.dma_semaphore, #tpu.memory_space<semaphore_mem>>, %arg22: memref<!tpu.dma_semaphore, #tpu.memory_space<semaphore_mem>>, %arg23: memref<!tpu.dma_semaphore, #tpu.memory_space<semaphore_mem>>, %arg24: memref<!tpu.dma_semaphore, #tpu.memory_space<semaphore_mem>>, %arg25: memref<!tpu.dma_semaphore, #tpu.memory_space<semaphore_mem>>, %arg26: memref<!tpu.dma_semaphore, #tpu.memory_space<semaphore_mem>>, %arg27: memref<!tpu.dma_semaphore, #tpu.memory_space<semaphore_mem>>, %arg28: memref<!tpu.dma_semaphore, #tpu.memory_space<semaphore_mem>>) attributes {dimension_semantics = [#tpu.dimension_semantics<core_parallel>, #tpu.dimension_semantics<subcore_parallel>], iteration_bounds = array<i64: 2, 16>, scalar_prefetch = 0 : i64, scratch_operands = 22 : i64, tpu.core_type = #tpu.core_type<sc_vector_subcore>, window_params = [{transform_indices = #map}, {transform_indices = #map}, {transform_indices = #map1}, {transform_indices = #map1}, {transform_indices = #map2}]} {
    %mul3A = arith.constant 16 : i32
    %mul3A_0 = arith.muli %arg0, %mul3A : i32
    %add3A = arith.addi %mul3A_0, %arg1 : i32
    %eq3A = arith.constant 1 : i32
    %eq3A_1 = arith.cmpi eq, %arg0, %eq3A : i32
    %convert_element_type3A = arith.extui %eq3A_1 : i1 to i32
    %cond3A = arith.constant 0 : i32
    %cond3A_2 = arith.cmpi ne, %convert_element_type3A, %cond3A : i32
    scf.if %cond3A_2 {
      %mul3A_91 = arith.constant 632 : i32
      %mul3A_92 = arith.muli %arg1, %mul3A_91 : i32
      %mul3A_93 = arith.constant 632 : i32
      %mul3A_94 = arith.muli %arg1, %mul3A_93 : i32
      "tpu.region"() ({
        %run_scoped3A = tpu.sem_alloc : memref<!tpu.dma_semaphore, #tpu.memory_space<semaphore_mem>>
        %dma_start3A_95 = arith.constant 0 : i32
        %dma_start3A_96 = tpu.memref_slice %arg7[%mul3A_94, %dma_start3A_95] : memref<10112x128xf32, #tpu.memory_space<vmem_shared>> -> memref<632x128xf32, #tpu.memory_space<vmem_shared>>
        %dma_start3A_97 = arith.constant 0 : i32
        %dma_start3A_98 = tpu.memref_slice %arg3[%mul3A_92, %dma_start3A_97] : memref<10112x128xf32, #tpu.memory_space<hbm>> -> memref<632x128xf32, #tpu.memory_space<hbm>>
        tpu.enqueue_dma source(%dma_start3A_98 : memref<632x128xf32, #tpu.memory_space<hbm>>) target(%dma_start3A_96 : memref<632x128xf32, #tpu.memory_space<vmem_shared>>) target_semaphore(%run_scoped3A : memref<!tpu.dma_semaphore, #tpu.memory_space<semaphore_mem>>)
        %dma_wait3A_99 = arith.constant 0 : i32
        %dma_wait3A_100 = tpu.memref_slice %arg7[%mul3A_94, %dma_wait3A_99] : memref<10112x128xf32, #tpu.memory_space<vmem_shared>> -> memref<632x128xf32, #tpu.memory_space<vmem_shared>>
        %dma_wait3A_101 = arith.constant 0 : i32
        %dma_wait3A_102 = tpu.memref_slice %arg3[%mul3A_92, %dma_wait3A_101] : memref<10112x128xf32, #tpu.memory_space<hbm>> -> memref<632x128xf32, #tpu.memory_space<hbm>>
        tpu.wait_dma2 semaphore(%run_scoped3A : memref<!tpu.dma_semaphore, #tpu.memory_space<semaphore_mem>>) src(%dma_wait3A_102 : memref<632x128xf32, #tpu.memory_space<hbm>>) dst(%dma_wait3A_100 : memref<632x128xf32, #tpu.memory_space<vmem_shared>>)
        tpu.yield
      }) : () -> ()
    } else {
    }
    %eq3A_3 = arith.constant 0 : i32
    %eq3A_4 = arith.cmpi eq, %arg0, %eq3A_3 : i32
    %convert_element_type3A_5 = arith.extui %eq3A_4 : i1 to i32
    %cond3A_6 = arith.constant 0 : i32
    %cond3A_7 = arith.cmpi ne, %convert_element_type3A_5, %cond3A_6 : i32
    scf.if %cond3A_7 {
      %mul3A_91 = arith.constant 632 : i32
      %mul3A_92 = arith.muli %arg1, %mul3A_91 : i32
      %mul3A_93 = arith.constant 632 : i32
      %mul3A_94 = arith.muli %arg1, %mul3A_93 : i32
      "tpu.region"() ({
        %run_scoped3A = tpu.sem_alloc : memref<!tpu.dma_semaphore, #tpu.memory_space<semaphore_mem>>
        %dma_start3A_95 = arith.constant 0 : i32
        %dma_start3A_96 = tpu.memref_slice %arg7[%mul3A_94, %dma_start3A_95] : memref<10112x128xf32, #tpu.memory_space<vmem_shared>> -> memref<632x128xf32, #tpu.memory_space<vmem_shared>>
        %dma_start3A_97 = arith.constant 0 : i32
        %dma_start3A_98 = tpu.memref_slice %arg2[%mul3A_92, %dma_start3A_97] : memref<10112x128xf32, #tpu.memory_space<hbm>> -> memref<632x128xf32, #tpu.memory_space<hbm>>
        tpu.enqueue_dma source(%dma_start3A_98 : memref<632x128xf32, #tpu.memory_space<hbm>>) target(%dma_start3A_96 : memref<632x128xf32, #tpu.memory_space<vmem_shared>>) target_semaphore(%run_scoped3A : memref<!tpu.dma_semaphore, #tpu.memory_space<semaphore_mem>>)
        %dma_wait3A_99 = arith.constant 0 : i32
        %dma_wait3A_100 = tpu.memref_slice %arg7[%mul3A_94, %dma_wait3A_99] : memref<10112x128xf32, #tpu.memory_space<vmem_shared>> -> memref<632x128xf32, #tpu.memory_space<vmem_shared>>
        %dma_wait3A_101 = arith.constant 0 : i32
        %dma_wait3A_102 = tpu.memref_slice %arg2[%mul3A_92, %dma_wait3A_101] : memref<10112x128xf32, #tpu.memory_space<hbm>> -> memref<632x128xf32, #tpu.memory_space<hbm>>
        tpu.wait_dma2 semaphore(%run_scoped3A : memref<!tpu.dma_semaphore, #tpu.memory_space<semaphore_mem>>) src(%dma_wait3A_102 : memref<632x128xf32, #tpu.memory_space<hbm>>) dst(%dma_wait3A_100 : memref<632x128xf32, #tpu.memory_space<vmem_shared>>)
        tpu.yield
      }) : () -> ()
    } else {
    }
    %barrier3A = arith.constant 0 : index
    tpu.barrier barrier_id(%barrier3A)
    %dma_start3A = arith.constant 0 : i32
    %dma_start3A_8 = arith.constant 0 : i32
    %dma_start3A_9 = arith.constant 0 : i32
    %dma_start3A_10 = tpu.memref_slice %arg4[%add3A, %dma_start3A, %dma_start3A_8, %dma_start3A_9] : memref<32x90x1x112xi32, #tpu.memory_space<hbm>> -> memref<1x1x1x112xi32, #tpu.memory_space<hbm>>
    %dma_start3A_11 = tpu.memref_squeeze %dma_start3A_10 : memref<1x1x1x112xi32, #tpu.memory_space<hbm>> -> memref<1x112xi32, #tpu.memory_space<hbm>>
    %dma_start3A_12 = arith.constant 0 : i32
    %dma_start3A_13 = arith.constant 0 : i32
    %dma_start3A_14 = tpu.memref_slice %arg4[%add3A, %dma_start3A, %dma_start3A_12, %dma_start3A_13] : memref<32x90x1x112xi32, #tpu.memory_space<hbm>> -> memref<1x1x1x112xi32, #tpu.memory_space<hbm>>
    %dma_start3A_15 = tpu.memref_squeeze %dma_start3A_14 : memref<1x1x1x112xi32, #tpu.memory_space<hbm>> -> memref<1x112xi32, #tpu.memory_space<hbm>>
    tpu.enqueue_dma source(%dma_start3A_15 : memref<1x112xi32, #tpu.memory_space<hbm>>) target(%arg8 : memref<1x112xi32, #tpu.memory_space<vmem>>) target_semaphore(%arg17 : memref<!tpu.dma_semaphore, #tpu.memory_space<semaphore_mem>>)
    %dma_start3A_16 = arith.constant 1 : i32
    %dma_start3A_17 = arith.constant 0 : i32
    %dma_start3A_18 = arith.constant 0 : i32
    %dma_start3A_19 = tpu.memref_slice %arg4[%add3A, %dma_start3A_16, %dma_start3A_17, %dma_start3A_18] : memref<32x90x1x112xi32, #tpu.memory_space<hbm>> -> memref<1x1x1x112xi32, #tpu.memory_space<hbm>>
    %dma_start3A_20 = tpu.memref_squeeze %dma_start3A_19 : memref<1x1x1x112xi32, #tpu.memory_space<hbm>> -> memref<1x112xi32, #tpu.memory_space<hbm>>
    %dma_start3A_21 = arith.constant 0 : i32
    %dma_start3A_22 = arith.constant 0 : i32
    %dma_start3A_23 = tpu.memref_slice %arg4[%add3A, %dma_start3A_16, %dma_start3A_21, %dma_start3A_22] : memref<32x90x1x112xi32, #tpu.memory_space<hbm>> -> memref<1x1x1x112xi32, #tpu.memory_space<hbm>>
    %dma_start3A_24 = tpu.memref_squeeze %dma_start3A_23 : memref<1x1x1x112xi32, #tpu.memory_space<hbm>> -> memref<1x112xi32, #tpu.memory_space<hbm>>
    tpu.enqueue_dma source(%dma_start3A_24 : memref<1x112xi32, #tpu.memory_space<hbm>>) target(%arg9 : memref<1x112xi32, #tpu.memory_space<vmem>>) target_semaphore(%arg18 : memref<!tpu.dma_semaphore, #tpu.memory_space<semaphore_mem>>)
    %dma_start3A_25 = arith.constant 0 : i32
    %dma_start3A_26 = arith.constant 0 : i32
    %dma_start3A_27 = arith.constant 0 : i32
    %dma_start3A_28 = tpu.memref_slice %arg5[%add3A, %dma_start3A_25, %dma_start3A_26, %dma_start3A_27] : memref<32x90x1x112xi32, #tpu.memory_space<hbm>> -> memref<1x1x1x112xi32, #tpu.memory_space<hbm>>
    %dma_start3A_29 = tpu.memref_squeeze %dma_start3A_28 : memref<1x1x1x112xi32, #tpu.memory_space<hbm>> -> memref<1x112xi32, #tpu.memory_space<hbm>>
    %dma_start3A_30 = arith.constant 0 : i32
    %dma_start3A_31 = arith.constant 0 : i32
    %dma_start3A_32 = tpu.memref_slice %arg5[%add3A, %dma_start3A_25, %dma_start3A_30, %dma_start3A_31] : memref<32x90x1x112xi32, #tpu.memory_space<hbm>> -> memref<1x1x1x112xi32, #tpu.memory_space<hbm>>
    %dma_start3A_33 = tpu.memref_squeeze %dma_start3A_32 : memref<1x1x1x112xi32, #tpu.memory_space<hbm>> -> memref<1x112xi32, #tpu.memory_space<hbm>>
    tpu.enqueue_dma source(%dma_start3A_33 : memref<1x112xi32, #tpu.memory_space<hbm>>) target(%arg11 : memref<1x112xi32, #tpu.memory_space<vmem>>) target_semaphore(%arg20 : memref<!tpu.dma_semaphore, #tpu.memory_space<semaphore_mem>>)
    %dma_wait3A = arith.constant 0 : i32
    %dma_wait3A_34 = arith.constant 0 : i32
    %dma_wait3A_35 = arith.constant 0 : i32
    %dma_wait3A_36 = tpu.memref_slice %arg4[%add3A, %dma_wait3A, %dma_wait3A_34, %dma_wait3A_35] : memref<32x90x1x112xi32, #tpu.memory_space<hbm>> -> memref<1x1x1x112xi32, #tpu.memory_space<hbm>>
    %dma_wait3A_37 = tpu.memref_squeeze %dma_wait3A_36 : memref<1x1x1x112xi32, #tpu.memory_space<hbm>> -> memref<1x112xi32, #tpu.memory_space<hbm>>
    %dma_wait3A_38 = arith.constant 0 : i32
    %dma_wait3A_39 = arith.constant 0 : i32
    %dma_wait3A_40 = tpu.memref_slice %arg4[%add3A, %dma_wait3A, %dma_wait3A_38, %dma_wait3A_39] : memref<32x90x1x112xi32, #tpu.memory_space<hbm>> -> memref<1x1x1x112xi32, #tpu.memory_space<hbm>>
    %dma_wait3A_41 = tpu.memref_squeeze %dma_wait3A_40 : memref<1x1x1x112xi32, #tpu.memory_space<hbm>> -> memref<1x112xi32, #tpu.memory_space<hbm>>
    tpu.wait_dma2 semaphore(%arg17 : memref<!tpu.dma_semaphore, #tpu.memory_space<semaphore_mem>>) src(%dma_wait3A_41 : memref<1x112xi32, #tpu.memory_space<hbm>>) dst(%arg8 : memref<1x112xi32, #tpu.memory_space<vmem>>)
    %dma_start3A_42 = arith.constant 0 : i32
    %dma_start3A_43 = arith.constant 0 : i32
    %dma_start3A_44 = tpu.memref_slice %arg8[%dma_start3A_42, %dma_start3A_43] : memref<1x112xi32, #tpu.memory_space<vmem>> -> memref<1x112xi32, #tpu.memory_space<vmem>>
    %dma_start3A_45 = tpu.memref_squeeze %dma_start3A_44 : memref<1x112xi32, #tpu.memory_space<vmem>> -> memref<112xi32, #tpu.memory_space<vmem>>
    %dma_start3A_46 = arith.constant 0 : i32
    %dma_start3A_47 = arith.constant 0 : i32
    %dma_start3A_48 = tpu.memref_slice %arg2[%dma_start3A_46, %dma_start3A_47] : memref<10112x128xf32, #tpu.memory_space<hbm>> -> memref<10112x128xf32, #tpu.memory_space<hbm>>
    tpu.enqueue_indirect_dma source(%dma_start3A_48 : memref<10112x128xf32, #tpu.memory_space<hbm>>) target(%arg14 : memref<112x128xf32, #tpu.memory_space<vmem>>) offsets(%dma_start3A_45 : memref<112xi32, #tpu.memory_space<vmem>>) semaphore(%arg23 : memref<!tpu.dma_semaphore, #tpu.memory_space<semaphore_mem>>)
    %dma_wait3A_49 = arith.constant 0 : i32
    %dma_wait3A_50 = arith.constant 0 : i32
    %dma_wait3A_51 = arith.constant 0 : i32
    %dma_wait3A_52 = tpu.memref_slice %arg4[%add3A, %dma_wait3A_49, %dma_wait3A_50, %dma_wait3A_51] : memref<32x90x1x112xi32, #tpu.memory_space<hbm>> -> memref<1x1x1x112xi32, #tpu.memory_space<hbm>>
    %dma_wait3A_53 = tpu.memref_squeeze %dma_wait3A_52 : memref<1x1x1x112xi32, #tpu.memory_space<hbm>> -> memref<1x112xi32, #tpu.memory_space<hbm>>
    %dma_wait3A_54 = arith.constant 0 : i32
    %dma_wait3A_55 = arith.constant 0 : i32
    %dma_wait3A_56 = tpu.memref_slice %arg4[%add3A, %dma_wait3A_49, %dma_wait3A_54, %dma_wait3A_55] : memref<32x90x1x112xi32, #tpu.memory_space<hbm>> -> memref<1x1x1x112xi32, #tpu.memory_space<hbm>>
    %dma_wait3A_57 = tpu.memref_squeeze %dma_wait3A_56 : memref<1x1x1x112xi32, #tpu.memory_space<hbm>> -> memref<1x112xi32, #tpu.memory_space<hbm>>
    tpu.wait_dma2 semaphore(%arg18 : memref<!tpu.dma_semaphore, #tpu.memory_space<semaphore_mem>>) src(%dma_wait3A_57 : memref<1x112xi32, #tpu.memory_space<hbm>>) dst(%arg9 : memref<1x112xi32, #tpu.memory_space<vmem>>)
    %dma_start3A_58 = arith.constant 0 : i32
    %dma_start3A_59 = arith.constant 0 : i32
    %dma_start3A_60 = tpu.memref_slice %arg9[%dma_start3A_58, %dma_start3A_59] : memref<1x112xi32, #tpu.memory_space<vmem>> -> memref<1x112xi32, #tpu.memory_space<vmem>>
    %dma_start3A_61 = tpu.memref_squeeze %dma_start3A_60 : memref<1x112xi32, #tpu.memory_space<vmem>> -> memref<112xi32, #tpu.memory_space<vmem>>
    %dma_start3A_62 = arith.constant 0 : i32
    %dma_start3A_63 = arith.constant 0 : i32
    %dma_start3A_64 = tpu.memref_slice %arg2[%dma_start3A_62, %dma_start3A_63] : memref<10112x128xf32, #tpu.memory_space<hbm>> -> memref<10112x128xf32, #tpu.memory_space<hbm>>
    tpu.enqueue_indirect_dma source(%dma_start3A_64 : memref<10112x128xf32, #tpu.memory_space<hbm>>) target(%arg15 : memref<112x128xf32, #tpu.memory_space<vmem>>) offsets(%dma_start3A_61 : memref<112xi32, #tpu.memory_space<vmem>>) semaphore(%arg24 : memref<!tpu.dma_semaphore, #tpu.memory_space<semaphore_mem>>)
    %dma_start3A_65 = arith.constant 2 : i32
    %dma_start3A_66 = arith.constant 0 : i32
    %dma_start3A_67 = arith.constant 0 : i32
    %dma_start3A_68 = tpu.memref_slice %arg4[%add3A, %dma_start3A_65, %dma_start3A_66, %dma_start3A_67] : memref<32x90x1x112xi32, #tpu.memory_space<hbm>> -> memref<1x1x1x112xi32, #tpu.memory_space<hbm>>
    %dma_start3A_69 = tpu.memref_squeeze %dma_start3A_68 : memref<1x1x1x112xi32, #tpu.memory_space<hbm>> -> memref<1x112xi32, #tpu.memory_space<hbm>>
    %dma_start3A_70 = arith.constant 0 : i32
    %dma_start3A_71 = arith.constant 0 : i32
    %dma_start3A_72 = tpu.memref_slice %arg4[%add3A, %dma_start3A_65, %dma_start3A_70, %dma_start3A_71] : memref<32x90x1x112xi32, #tpu.memory_space<hbm>> -> memref<1x1x1x112xi32, #tpu.memory_space<hbm>>
    %dma_start3A_73 = tpu.memref_squeeze %dma_start3A_72 : memref<1x1x1x112xi32, #tpu.memory_space<hbm>> -> memref<1x112xi32, #tpu.memory_space<hbm>>
    tpu.enqueue_dma source(%dma_start3A_73 : memref<1x112xi32, #tpu.memory_space<hbm>>) target(%arg10 : memref<1x112xi32, #tpu.memory_space<vmem>>) target_semaphore(%arg19 : memref<!tpu.dma_semaphore, #tpu.memory_space<semaphore_mem>>)
    %scan3A = arith.constant 0 : i32
    %scan3A_74 = arith.constant 0 : i32
    %scan3A_75 = arith.constant 30 : i32
    %scan3A_76 = arith.addi %scan3A_74, %scan3A_75 : i32
    %scan3A_77 = arith.constant 1 : i32
    scf.for %scan3A_91 = %scan3A_74 to %scan3A_76 step %scan3A_77  : i32 {
      %mul3A_92 = arith.constant 3 : i32
      %mul3A_93 = arith.muli %mul3A_92, %scan3A_91 : i32
      %add3A_94 = arith.constant 0 : i32
      %add3A_95 = arith.addi %mul3A_93, %add3A_94 : i32
      %dma_wait3A_96 = arith.constant 0 : i32
      %dma_wait3A_97 = arith.constant 0 : i32
      %dma_wait3A_98 = tpu.memref_slice %arg8[%dma_wait3A_96, %dma_wait3A_97] : memref<1x112xi32, #tpu.memory_space<vmem>> -> memref<1x112xi32, #tpu.memory_space<vmem>>
      %dma_wait3A_99 = tpu.memref_squeeze %dma_wait3A_98 : memref<1x112xi32, #tpu.memory_space<vmem>> -> memref<112xi32, #tpu.memory_space<vmem>>
      %dma_wait3A_100 = arith.constant 0 : i32
      %dma_wait3A_101 = arith.constant 0 : i32
      %dma_wait3A_102 = tpu.memref_slice %arg2[%dma_wait3A_100, %dma_wait3A_101] : memref<10112x128xf32, #tpu.memory_space<hbm>> -> memref<10112x128xf32, #tpu.memory_space<hbm>>
      tpu.wait_indirect_dma semaphore(%arg23 : memref<!tpu.dma_semaphore, #tpu.memory_space<semaphore_mem>>) src(%dma_wait3A_102 : memref<10112x128xf32, #tpu.memory_space<hbm>>) dst(%arg14 : memref<112x128xf32, #tpu.memory_space<vmem>>)
      %dma_wait3A_103 = arith.constant 0 : i32
      %dma_wait3A_104 = arith.constant 0 : i32
      %dma_wait3A_105 = arith.constant 0 : i32
      %dma_wait3A_106 = tpu.memref_slice %arg5[%add3A, %dma_wait3A_103, %dma_wait3A_104, %dma_wait3A_105] : memref<32x90x1x112xi32, #tpu.memory_space<hbm>> -> memref<1x1x1x112xi32, #tpu.memory_space<hbm>>
      %dma_wait3A_107 = tpu.memref_squeeze %dma_wait3A_106 : memref<1x1x1x112xi32, #tpu.memory_space<hbm>> -> memref<1x112xi32, #tpu.memory_space<hbm>>
      %dma_wait3A_108 = arith.constant 0 : i32
      %dma_wait3A_109 = arith.constant 0 : i32
      %dma_wait3A_110 = tpu.memref_slice %arg5[%add3A, %dma_wait3A_103, %dma_wait3A_108, %dma_wait3A_109] : memref<32x90x1x112xi32, #tpu.memory_space<hbm>> -> memref<1x1x1x112xi32, #tpu.memory_space<hbm>>
      %dma_wait3A_111 = tpu.memref_squeeze %dma_wait3A_110 : memref<1x1x1x112xi32, #tpu.memory_space<hbm>> -> memref<1x112xi32, #tpu.memory_space<hbm>>
      tpu.wait_dma2 semaphore(%arg20 : memref<!tpu.dma_semaphore, #tpu.memory_space<semaphore_mem>>) src(%dma_wait3A_111 : memref<1x112xi32, #tpu.memory_space<hbm>>) dst(%arg11 : memref<1x112xi32, #tpu.memory_space<vmem>>)
      %dma_start3A_112 = arith.constant 0 : i32
      %dma_start3A_113 = arith.constant 0 : i32
      %dma_start3A_114 = tpu.memref_slice %arg11[%dma_start3A_112, %dma_start3A_113] : memref<1x112xi32, #tpu.memory_space<vmem>> -> memref<1x112xi32, #tpu.memory_space<vmem>>
      %dma_start3A_115 = tpu.memref_squeeze %dma_start3A_114 : memref<1x112xi32, #tpu.memory_space<vmem>> -> memref<112xi32, #tpu.memory_space<vmem>>
      %dma_start3A_116 = arith.constant 0 : i32
      %dma_start3A_117 = arith.constant 0 : i32
      %dma_start3A_118 = tpu.memref_slice %arg7[%dma_start3A_116, %dma_start3A_117] : memref<10112x128xf32, #tpu.memory_space<vmem_shared>> -> memref<10112x128xf32, #tpu.memory_space<vmem_shared>>
      tpu.enqueue_indirect_dma source(%arg14 : memref<112x128xf32, #tpu.memory_space<vmem>>) target(%dma_start3A_118 : memref<10112x128xf32, #tpu.memory_space<vmem_shared>>) offsets(%dma_start3A_115 : memref<112xi32, #tpu.memory_space<vmem>>) semaphore(%arg26 : memref<!tpu.dma_semaphore, #tpu.memory_space<semaphore_mem>>) {add = true}
      %gt3A = arith.constant 0 : i32
      %gt3A_119 = arith.cmpi sgt, %scan3A_91, %gt3A : i32
      %convert_element_type3A_120 = arith.extui %gt3A_119 : i1 to i32
      %cond3A_121 = arith.constant 0 : i32
      %cond3A_122 = arith.cmpi ne, %convert_element_type3A_120, %cond3A_121 : i32
      scf.if %cond3A_122 {
        %dma_wait3A_253 = arith.constant 0 : i32
        %dma_wait3A_254 = arith.constant 0 : i32
        %dma_wait3A_255 = tpu.memref_slice %arg13[%dma_wait3A_253, %dma_wait3A_254] : memref<1x112xi32, #tpu.memory_space<vmem>> -> memref<1x112xi32, #tpu.memory_space<vmem>>
        %dma_wait3A_256 = tpu.memref_squeeze %dma_wait3A_255 : memref<1x112xi32, #tpu.memory_space<vmem>> -> memref<112xi32, #tpu.memory_space<vmem>>
        %dma_wait3A_257 = arith.constant 0 : i32
        %dma_wait3A_258 = arith.constant 0 : i32
        %dma_wait3A_259 = tpu.memref_slice %arg7[%dma_wait3A_257, %dma_wait3A_258] : memref<10112x128xf32, #tpu.memory_space<vmem_shared>> -> memref<10112x128xf32, #tpu.memory_space<vmem_shared>>
        tpu.wait_indirect_dma semaphore(%arg28 : memref<!tpu.dma_semaphore, #tpu.memory_space<semaphore_mem>>) src(%arg16 : memref<112x128xf32, #tpu.memory_space<vmem>>) dst(%dma_wait3A_259 : memref<10112x128xf32, #tpu.memory_space<vmem_shared>>)
      } else {
      }
      %add3A_123 = arith.constant 2 : i32
      %add3A_124 = arith.addi %add3A_95, %add3A_123 : i32
      %lt3A = arith.constant 90 : i32
      %lt3A_125 = arith.cmpi slt, %add3A_124, %lt3A : i32
      %convert_element_type3A_126 = arith.extui %lt3A_125 : i1 to i32
      %cond3A_127 = arith.constant 0 : i32
      %cond3A_128 = arith.cmpi ne, %convert_element_type3A_126, %cond3A_127 : i32
      scf.if %cond3A_128 {
        %dma_wait3A_253 = arith.constant 0 : i32
        %dma_wait3A_254 = arith.constant 0 : i32
        %dma_wait3A_255 = arith.constant 0 : i32
        %dma_wait3A_256 = tpu.memref_slice %arg4[%add3A, %dma_wait3A_253, %dma_wait3A_254, %dma_wait3A_255] : memref<32x90x1x112xi32, #tpu.memory_space<hbm>> -> memref<1x1x1x112xi32, #tpu.memory_space<hbm>>
        %dma_wait3A_257 = tpu.memref_squeeze %dma_wait3A_256 : memref<1x1x1x112xi32, #tpu.memory_space<hbm>> -> memref<1x112xi32, #tpu.memory_space<hbm>>
        %dma_wait3A_258 = arith.constant 0 : i32
        %dma_wait3A_259 = arith.constant 0 : i32
        %dma_wait3A_260 = tpu.memref_slice %arg4[%add3A, %dma_wait3A_253, %dma_wait3A_258, %dma_wait3A_259] : memref<32x90x1x112xi32, #tpu.memory_space<hbm>> -> memref<1x1x1x112xi32, #tpu.memory_space<hbm>>
        %dma_wait3A_261 = tpu.memref_squeeze %dma_wait3A_260 : memref<1x1x1x112xi32, #tpu.memory_space<hbm>> -> memref<1x112xi32, #tpu.memory_space<hbm>>
        tpu.wait_dma2 semaphore(%arg19 : memref<!tpu.dma_semaphore, #tpu.memory_space<semaphore_mem>>) src(%dma_wait3A_261 : memref<1x112xi32, #tpu.memory_space<hbm>>) dst(%arg10 : memref<1x112xi32, #tpu.memory_space<vmem>>)
        %dma_start3A_262 = arith.constant 0 : i32
        %dma_start3A_263 = arith.constant 0 : i32
        %dma_start3A_264 = tpu.memref_slice %arg10[%dma_start3A_262, %dma_start3A_263] : memref<1x112xi32, #tpu.memory_space<vmem>> -> memref<1x112xi32, #tpu.memory_space<vmem>>
        %dma_start3A_265 = tpu.memref_squeeze %dma_start3A_264 : memref<1x112xi32, #tpu.memory_space<vmem>> -> memref<112xi32, #tpu.memory_space<vmem>>
        %dma_start3A_266 = arith.constant 0 : i32
        %dma_start3A_267 = arith.constant 0 : i32
        %dma_start3A_268 = tpu.memref_slice %arg2[%dma_start3A_266, %dma_start3A_267] : memref<10112x128xf32, #tpu.memory_space<hbm>> -> memref<10112x128xf32, #tpu.memory_space<hbm>>
        tpu.enqueue_indirect_dma source(%dma_start3A_268 : memref<10112x128xf32, #tpu.memory_space<hbm>>) target(%arg16 : memref<112x128xf32, #tpu.memory_space<vmem>>) offsets(%dma_start3A_265 : memref<112xi32, #tpu.memory_space<vmem>>) semaphore(%arg25 : memref<!tpu.dma_semaphore, #tpu.memory_space<semaphore_mem>>)
      } else {
      }
      %add3A_129 = arith.constant 3 : i32
      %add3A_130 = arith.addi %add3A_95, %add3A_129 : i32
      %lt3A_131 = arith.constant 90 : i32
      %lt3A_132 = arith.cmpi slt, %add3A_130, %lt3A_131 : i32
      %convert_element_type3A_133 = arith.extui %lt3A_132 : i1 to i32
      %cond3A_134 = arith.constant 0 : i32
      %cond3A_135 = arith.cmpi ne, %convert_element_type3A_133, %cond3A_134 : i32
      scf.if %cond3A_135 {
        %add3A_253 = arith.constant 3 : i32
        %add3A_254 = arith.addi %add3A_95, %add3A_253 : i32
        %dma_start3A_255 = arith.constant 0 : i32
        %dma_start3A_256 = arith.constant 0 : i32
        %dma_start3A_257 = tpu.memref_slice %arg4[%add3A, %add3A_254, %dma_start3A_255, %dma_start3A_256] : memref<32x90x1x112xi32, #tpu.memory_space<hbm>> -> memref<1x1x1x112xi32, #tpu.memory_space<hbm>>
        %dma_start3A_258 = tpu.memref_squeeze %dma_start3A_257 : memref<1x1x1x112xi32, #tpu.memory_space<hbm>> -> memref<1x112xi32, #tpu.memory_space<hbm>>
        %dma_start3A_259 = arith.constant 0 : i32
        %dma_start3A_260 = arith.constant 0 : i32
        %dma_start3A_261 = tpu.memref_slice %arg4[%add3A, %add3A_254, %dma_start3A_259, %dma_start3A_260] : memref<32x90x1x112xi32, #tpu.memory_space<hbm>> -> memref<1x1x1x112xi32, #tpu.memory_space<hbm>>
        %dma_start3A_262 = tpu.memref_squeeze %dma_start3A_261 : memref<1x1x1x112xi32, #tpu.memory_space<hbm>> -> memref<1x112xi32, #tpu.memory_space<hbm>>
        tpu.enqueue_dma source(%dma_start3A_262 : memref<1x112xi32, #tpu.memory_space<hbm>>) target(%arg8 : memref<1x112xi32, #tpu.memory_space<vmem>>) target_semaphore(%arg17 : memref<!tpu.dma_semaphore, #tpu.memory_space<semaphore_mem>>)
      } else {
      }
      %add3A_136 = arith.constant 1 : i32
      %add3A_137 = arith.addi %add3A_95, %add3A_136 : i32
      %lt3A_138 = arith.constant 90 : i32
      %lt3A_139 = arith.cmpi slt, %add3A_137, %lt3A_138 : i32
      %convert_element_type3A_140 = arith.extui %lt3A_139 : i1 to i32
      %cond3A_141 = arith.constant 0 : i32
      %cond3A_142 = arith.cmpi ne, %convert_element_type3A_140, %cond3A_141 : i32
      scf.if %cond3A_142 {
        %add3A_253 = arith.constant 1 : i32
        %add3A_254 = arith.addi %add3A_95, %add3A_253 : i32
        %dma_start3A_255 = arith.constant 0 : i32
        %dma_start3A_256 = arith.constant 0 : i32
        %dma_start3A_257 = tpu.memref_slice %arg5[%add3A, %add3A_254, %dma_start3A_255, %dma_start3A_256] : memref<32x90x1x112xi32, #tpu.memory_space<hbm>> -> memref<1x1x1x112xi32, #tpu.memory_space<hbm>>
        %dma_start3A_258 = tpu.memref_squeeze %dma_start3A_257 : memref<1x1x1x112xi32, #tpu.memory_space<hbm>> -> memref<1x112xi32, #tpu.memory_space<hbm>>
        %dma_start3A_259 = arith.constant 0 : i32
        %dma_start3A_260 = arith.constant 0 : i32
        %dma_start3A_261 = tpu.memref_slice %arg5[%add3A, %add3A_254, %dma_start3A_259, %dma_start3A_260] : memref<32x90x1x112xi32, #tpu.memory_space<hbm>> -> memref<1x1x1x112xi32, #tpu.memory_space<hbm>>
        %dma_start3A_262 = tpu.memref_squeeze %dma_start3A_261 : memref<1x1x1x112xi32, #tpu.memory_space<hbm>> -> memref<1x112xi32, #tpu.memory_space<hbm>>
        tpu.enqueue_dma source(%dma_start3A_262 : memref<1x112xi32, #tpu.memory_space<hbm>>) target(%arg12 : memref<1x112xi32, #tpu.memory_space<vmem>>) target_semaphore(%arg21 : memref<!tpu.dma_semaphore, #tpu.memory_space<semaphore_mem>>)
      } else {
      }
      %mul3A_143 = arith.constant 3 : i32
      %mul3A_144 = arith.muli %mul3A_143, %scan3A_91 : i32
      %add3A_145 = arith.constant 1 : i32
      %add3A_146 = arith.addi %mul3A_144, %add3A_145 : i32
      %dma_wait3A_147 = arith.constant 0 : i32
      %dma_wait3A_148 = arith.constant 0 : i32
      %dma_wait3A_149 = tpu.memref_slice %arg9[%dma_wait3A_147, %dma_wait3A_148] : memref<1x112xi32, #tpu.memory_space<vmem>> -> memref<1x112xi32, #tpu.memory_space<vmem>>
      %dma_wait3A_150 = tpu.memref_squeeze %dma_wait3A_149 : memref<1x112xi32, #tpu.memory_space<vmem>> -> memref<112xi32, #tpu.memory_space<vmem>>
      %dma_wait3A_151 = arith.constant 0 : i32
      %dma_wait3A_152 = arith.constant 0 : i32
      %dma_wait3A_153 = tpu.memref_slice %arg2[%dma_wait3A_151, %dma_wait3A_152] : memref<10112x128xf32, #tpu.memory_space<hbm>> -> memref<10112x128xf32, #tpu.memory_space<hbm>>
      tpu.wait_indirect_dma semaphore(%arg24 : memref<!tpu.dma_semaphore, #tpu.memory_space<semaphore_mem>>) src(%dma_wait3A_153 : memref<10112x128xf32, #tpu.memory_space<hbm>>) dst(%arg15 : memref<112x128xf32, #tpu.memory_space<vmem>>)
      %dma_wait3A_154 = arith.constant 0 : i32
      %dma_wait3A_155 = arith.constant 0 : i32
      %dma_wait3A_156 = arith.constant 0 : i32
      %dma_wait3A_157 = tpu.memref_slice %arg5[%add3A, %dma_wait3A_154, %dma_wait3A_155, %dma_wait3A_156] : memref<32x90x1x112xi32, #tpu.memory_space<hbm>> -> memref<1x1x1x112xi32, #tpu.memory_space<hbm>>
      %dma_wait3A_158 = tpu.memref_squeeze %dma_wait3A_157 : memref<1x1x1x112xi32, #tpu.memory_space<hbm>> -> memref<1x112xi32, #tpu.memory_space<hbm>>
      %dma_wait3A_159 = arith.constant 0 : i32
      %dma_wait3A_160 = arith.constant 0 : i32
      %dma_wait3A_161 = tpu.memref_slice %arg5[%add3A, %dma_wait3A_154, %dma_wait3A_159, %dma_wait3A_160] : memref<32x90x1x112xi32, #tpu.memory_space<hbm>> -> memref<1x1x1x112xi32, #tpu.memory_space<hbm>>
      %dma_wait3A_162 = tpu.memref_squeeze %dma_wait3A_161 : memref<1x1x1x112xi32, #tpu.memory_space<hbm>> -> memref<1x112xi32, #tpu.memory_space<hbm>>
      tpu.wait_dma2 semaphore(%arg21 : memref<!tpu.dma_semaphore, #tpu.memory_space<semaphore_mem>>) src(%dma_wait3A_162 : memref<1x112xi32, #tpu.memory_space<hbm>>) dst(%arg12 : memref<1x112xi32, #tpu.memory_space<vmem>>)
      %dma_start3A_163 = arith.constant 0 : i32
      %dma_start3A_164 = arith.constant 0 : i32
      %dma_start3A_165 = tpu.memref_slice %arg12[%dma_start3A_163, %dma_start3A_164] : memref<1x112xi32, #tpu.memory_space<vmem>> -> memref<1x112xi32, #tpu.memory_space<vmem>>
      %dma_start3A_166 = tpu.memref_squeeze %dma_start3A_165 : memref<1x112xi32, #tpu.memory_space<vmem>> -> memref<112xi32, #tpu.memory_space<vmem>>
      %dma_start3A_167 = arith.constant 0 : i32
      %dma_start3A_168 = arith.constant 0 : i32
      %dma_start3A_169 = tpu.memref_slice %arg7[%dma_start3A_167, %dma_start3A_168] : memref<10112x128xf32, #tpu.memory_space<vmem_shared>> -> memref<10112x128xf32, #tpu.memory_space<vmem_shared>>
      tpu.enqueue_indirect_dma source(%arg15 : memref<112x128xf32, #tpu.memory_space<vmem>>) target(%dma_start3A_169 : memref<10112x128xf32, #tpu.memory_space<vmem_shared>>) offsets(%dma_start3A_166 : memref<112xi32, #tpu.memory_space<vmem>>) semaphore(%arg27 : memref<!tpu.dma_semaphore, #tpu.memory_space<semaphore_mem>>) {add = true}
      %dma_wait3A_170 = arith.constant 0 : i32
      %dma_wait3A_171 = arith.constant 0 : i32
      %dma_wait3A_172 = tpu.memref_slice %arg11[%dma_wait3A_170, %dma_wait3A_171] : memref<1x112xi32, #tpu.memory_space<vmem>> -> memref<1x112xi32, #tpu.memory_space<vmem>>
      %dma_wait3A_173 = tpu.memref_squeeze %dma_wait3A_172 : memref<1x112xi32, #tpu.memory_space<vmem>> -> memref<112xi32, #tpu.memory_space<vmem>>
      %dma_wait3A_174 = arith.constant 0 : i32
      %dma_wait3A_175 = arith.constant 0 : i32
      %dma_wait3A_176 = tpu.memref_slice %arg7[%dma_wait3A_174, %dma_wait3A_175] : memref<10112x128xf32, #tpu.memory_space<vmem_shared>> -> memref<10112x128xf32, #tpu.memory_space<vmem_shared>>
      tpu.wait_indirect_dma semaphore(%arg26 : memref<!tpu.dma_semaphore, #tpu.memory_space<semaphore_mem>>) src(%arg14 : memref<112x128xf32, #tpu.memory_space<vmem>>) dst(%dma_wait3A_176 : memref<10112x128xf32, #tpu.memory_space<vmem_shared>>)
      %add3A_177 = arith.constant 2 : i32
      %add3A_178 = arith.addi %add3A_146, %add3A_177 : i32
      %lt3A_179 = arith.constant 90 : i32
      %lt3A_180 = arith.cmpi slt, %add3A_178, %lt3A_179 : i32
      %convert_element_type3A_181 = arith.extui %lt3A_180 : i1 to i32
      %cond3A_182 = arith.constant 0 : i32
      %cond3A_183 = arith.cmpi ne, %convert_element_type3A_181, %cond3A_182 : i32
      scf.if %cond3A_183 {
        %dma_wait3A_253 = arith.constant 0 : i32
        %dma_wait3A_254 = arith.constant 0 : i32
        %dma_wait3A_255 = arith.constant 0 : i32
        %dma_wait3A_256 = tpu.memref_slice %arg4[%add3A, %dma_wait3A_253, %dma_wait3A_254, %dma_wait3A_255] : memref<32x90x1x112xi32, #tpu.memory_space<hbm>> -> memref<1x1x1x112xi32, #tpu.memory_space<hbm>>
        %dma_wait3A_257 = tpu.memref_squeeze %dma_wait3A_256 : memref<1x1x1x112xi32, #tpu.memory_space<hbm>> -> memref<1x112xi32, #tpu.memory_space<hbm>>
        %dma_wait3A_258 = arith.constant 0 : i32
        %dma_wait3A_259 = arith.constant 0 : i32
        %dma_wait3A_260 = tpu.memref_slice %arg4[%add3A, %dma_wait3A_253, %dma_wait3A_258, %dma_wait3A_259] : memref<32x90x1x112xi32, #tpu.memory_space<hbm>> -> memref<1x1x1x112xi32, #tpu.memory_space<hbm>>
        %dma_wait3A_261 = tpu.memref_squeeze %dma_wait3A_260 : memref<1x1x1x112xi32, #tpu.memory_space<hbm>> -> memref<1x112xi32, #tpu.memory_space<hbm>>
        tpu.wait_dma2 semaphore(%arg17 : memref<!tpu.dma_semaphore, #tpu.memory_space<semaphore_mem>>) src(%dma_wait3A_261 : memref<1x112xi32, #tpu.memory_space<hbm>>) dst(%arg8 : memref<1x112xi32, #tpu.memory_space<vmem>>)
        %dma_start3A_262 = arith.constant 0 : i32
        %dma_start3A_263 = arith.constant 0 : i32
        %dma_start3A_264 = tpu.memref_slice %arg8[%dma_start3A_262, %dma_start3A_263] : memref<1x112xi32, #tpu.memory_space<vmem>> -> memref<1x112xi32, #tpu.memory_space<vmem>>
        %dma_start3A_265 = tpu.memref_squeeze %dma_start3A_264 : memref<1x112xi32, #tpu.memory_space<vmem>> -> memref<112xi32, #tpu.memory_space<vmem>>
        %dma_start3A_266 = arith.constant 0 : i32
        %dma_start3A_267 = arith.constant 0 : i32
        %dma_start3A_268 = tpu.memref_slice %arg2[%dma_start3A_266, %dma_start3A_267] : memref<10112x128xf32, #tpu.memory_space<hbm>> -> memref<10112x128xf32, #tpu.memory_space<hbm>>
        tpu.enqueue_indirect_dma source(%dma_start3A_268 : memref<10112x128xf32, #tpu.memory_space<hbm>>) target(%arg14 : memref<112x128xf32, #tpu.memory_space<vmem>>) offsets(%dma_start3A_265 : memref<112xi32, #tpu.memory_space<vmem>>) semaphore(%arg23 : memref<!tpu.dma_semaphore, #tpu.memory_space<semaphore_mem>>)
      } else {
      }
      %add3A_184 = arith.constant 3 : i32
      %add3A_185 = arith.addi %add3A_146, %add3A_184 : i32
      %lt3A_186 = arith.constant 90 : i32
      %lt3A_187 = arith.cmpi slt, %add3A_185, %lt3A_186 : i32
      %convert_element_type3A_188 = arith.extui %lt3A_187 : i1 to i32
      %cond3A_189 = arith.constant 0 : i32
      %cond3A_190 = arith.cmpi ne, %convert_element_type3A_188, %cond3A_189 : i32
      scf.if %cond3A_190 {
        %add3A_253 = arith.constant 3 : i32
        %add3A_254 = arith.addi %add3A_146, %add3A_253 : i32
        %dma_start3A_255 = arith.constant 0 : i32
        %dma_start3A_256 = arith.constant 0 : i32
        %dma_start3A_257 = tpu.memref_slice %arg4[%add3A, %add3A_254, %dma_start3A_255, %dma_start3A_256] : memref<32x90x1x112xi32, #tpu.memory_space<hbm>> -> memref<1x1x1x112xi32, #tpu.memory_space<hbm>>
        %dma_start3A_258 = tpu.memref_squeeze %dma_start3A_257 : memref<1x1x1x112xi32, #tpu.memory_space<hbm>> -> memref<1x112xi32, #tpu.memory_space<hbm>>
        %dma_start3A_259 = arith.constant 0 : i32
        %dma_start3A_260 = arith.constant 0 : i32
        %dma_start3A_261 = tpu.memref_slice %arg4[%add3A, %add3A_254, %dma_start3A_259, %dma_start3A_260] : memref<32x90x1x112xi32, #tpu.memory_space<hbm>> -> memref<1x1x1x112xi32, #tpu.memory_space<hbm>>
        %dma_start3A_262 = tpu.memref_squeeze %dma_start3A_261 : memref<1x1x1x112xi32, #tpu.memory_space<hbm>> -> memref<1x112xi32, #tpu.memory_space<hbm>>
        tpu.enqueue_dma source(%dma_start3A_262 : memref<1x112xi32, #tpu.memory_space<hbm>>) target(%arg9 : memref<1x112xi32, #tpu.memory_space<vmem>>) target_semaphore(%arg18 : memref<!tpu.dma_semaphore, #tpu.memory_space<semaphore_mem>>)
      } else {
      }
      %add3A_191 = arith.constant 1 : i32
      %add3A_192 = arith.addi %add3A_146, %add3A_191 : i32
      %lt3A_193 = arith.constant 90 : i32
      %lt3A_194 = arith.cmpi slt, %add3A_192, %lt3A_193 : i32
      %convert_element_type3A_195 = arith.extui %lt3A_194 : i1 to i32
      %cond3A_196 = arith.constant 0 : i32
      %cond3A_197 = arith.cmpi ne, %convert_element_type3A_195, %cond3A_196 : i32
      scf.if %cond3A_197 {
        %add3A_253 = arith.constant 1 : i32
        %add3A_254 = arith.addi %add3A_146, %add3A_253 : i32
        %dma_start3A_255 = arith.constant 0 : i32
        %dma_start3A_256 = arith.constant 0 : i32
        %dma_start3A_257 = tpu.memref_slice %arg5[%add3A, %add3A_254, %dma_start3A_255, %dma_start3A_256] : memref<32x90x1x112xi32, #tpu.memory_space<hbm>> -> memref<1x1x1x112xi32, #tpu.memory_space<hbm>>
        %dma_start3A_258 = tpu.memref_squeeze %dma_start3A_257 : memref<1x1x1x112xi32, #tpu.memory_space<hbm>> -> memref<1x112xi32, #tpu.memory_space<hbm>>
        %dma_start3A_259 = arith.constant 0 : i32
        %dma_start3A_260 = arith.constant 0 : i32
        %dma_start3A_261 = tpu.memref_slice %arg5[%add3A, %add3A_254, %dma_start3A_259, %dma_start3A_260] : memref<32x90x1x112xi32, #tpu.memory_space<hbm>> -> memref<1x1x1x112xi32, #tpu.memory_space<hbm>>
        %dma_start3A_262 = tpu.memref_squeeze %dma_start3A_261 : memref<1x1x1x112xi32, #tpu.memory_space<hbm>> -> memref<1x112xi32, #tpu.memory_space<hbm>>
        tpu.enqueue_dma source(%dma_start3A_262 : memref<1x112xi32, #tpu.memory_space<hbm>>) target(%arg13 : memref<1x112xi32, #tpu.memory_space<vmem>>) target_semaphore(%arg22 : memref<!tpu.dma_semaphore, #tpu.memory_space<semaphore_mem>>)
      } else {
      }
      %mul3A_198 = arith.constant 3 : i32
      %mul3A_199 = arith.muli %mul3A_198, %scan3A_91 : i32
      %add3A_200 = arith.constant 2 : i32
      %add3A_201 = arith.addi %mul3A_199, %add3A_200 : i32
      %dma_wait3A_202 = arith.constant 0 : i32
      %dma_wait3A_203 = arith.constant 0 : i32
      %dma_wait3A_204 = tpu.memref_slice %arg10[%dma_wait3A_202, %dma_wait3A_203] : memref<1x112xi32, #tpu.memory_space<vmem>> -> memref<1x112xi32, #tpu.memory_space<vmem>>
      %dma_wait3A_205 = tpu.memref_squeeze %dma_wait3A_204 : memref<1x112xi32, #tpu.memory_space<vmem>> -> memref<112xi32, #tpu.memory_space<vmem>>
      %dma_wait3A_206 = arith.constant 0 : i32
      %dma_wait3A_207 = arith.constant 0 : i32
      %dma_wait3A_208 = tpu.memref_slice %arg2[%dma_wait3A_206, %dma_wait3A_207] : memref<10112x128xf32, #tpu.memory_space<hbm>> -> memref<10112x128xf32, #tpu.memory_space<hbm>>
      tpu.wait_indirect_dma semaphore(%arg25 : memref<!tpu.dma_semaphore, #tpu.memory_space<semaphore_mem>>) src(%dma_wait3A_208 : memref<10112x128xf32, #tpu.memory_space<hbm>>) dst(%arg16 : memref<112x128xf32, #tpu.memory_space<vmem>>)
      %dma_wait3A_209 = arith.constant 0 : i32
      %dma_wait3A_210 = arith.constant 0 : i32
      %dma_wait3A_211 = arith.constant 0 : i32
      %dma_wait3A_212 = tpu.memref_slice %arg5[%add3A, %dma_wait3A_209, %dma_wait3A_210, %dma_wait3A_211] : memref<32x90x1x112xi32, #tpu.memory_space<hbm>> -> memref<1x1x1x112xi32, #tpu.memory_space<hbm>>
      %dma_wait3A_213 = tpu.memref_squeeze %dma_wait3A_212 : memref<1x1x1x112xi32, #tpu.memory_space<hbm>> -> memref<1x112xi32, #tpu.memory_space<hbm>>
      %dma_wait3A_214 = arith.constant 0 : i32
      %dma_wait3A_215 = arith.constant 0 : i32
      %dma_wait3A_216 = tpu.memref_slice %arg5[%add3A, %dma_wait3A_209, %dma_wait3A_214, %dma_wait3A_215] : memref<32x90x1x112xi32, #tpu.memory_space<hbm>> -> memref<1x1x1x112xi32, #tpu.memory_space<hbm>>
      %dma_wait3A_217 = tpu.memref_squeeze %dma_wait3A_216 : memref<1x1x1x112xi32, #tpu.memory_space<hbm>> -> memref<1x112xi32, #tpu.memory_space<hbm>>
      tpu.wait_dma2 semaphore(%arg22 : memref<!tpu.dma_semaphore, #tpu.memory_space<semaphore_mem>>) src(%dma_wait3A_217 : memref<1x112xi32, #tpu.memory_space<hbm>>) dst(%arg13 : memref<1x112xi32, #tpu.memory_space<vmem>>)
      %dma_start3A_218 = arith.constant 0 : i32
      %dma_start3A_219 = arith.constant 0 : i32
      %dma_start3A_220 = tpu.memref_slice %arg13[%dma_start3A_218, %dma_start3A_219] : memref<1x112xi32, #tpu.memory_space<vmem>> -> memref<1x112xi32, #tpu.memory_space<vmem>>
      %dma_start3A_221 = tpu.memref_squeeze %dma_start3A_220 : memref<1x112xi32, #tpu.memory_space<vmem>> -> memref<112xi32, #tpu.memory_space<vmem>>
      %dma_start3A_222 = arith.constant 0 : i32
      %dma_start3A_223 = arith.constant 0 : i32
      %dma_start3A_224 = tpu.memref_slice %arg7[%dma_start3A_222, %dma_start3A_223] : memref<10112x128xf32, #tpu.memory_space<vmem_shared>> -> memref<10112x128xf32, #tpu.memory_space<vmem_shared>>
      tpu.enqueue_indirect_dma source(%arg16 : memref<112x128xf32, #tpu.memory_space<vmem>>) target(%dma_start3A_224 : memref<10112x128xf32, #tpu.memory_space<vmem_shared>>) offsets(%dma_start3A_221 : memref<112xi32, #tpu.memory_space<vmem>>) semaphore(%arg28 : memref<!tpu.dma_semaphore, #tpu.memory_space<semaphore_mem>>) {add = true}
      %dma_wait3A_225 = arith.constant 0 : i32
      %dma_wait3A_226 = arith.constant 0 : i32
      %dma_wait3A_227 = tpu.memref_slice %arg12[%dma_wait3A_225, %dma_wait3A_226] : memref<1x112xi32, #tpu.memory_space<vmem>> -> memref<1x112xi32, #tpu.memory_space<vmem>>
      %dma_wait3A_228 = tpu.memref_squeeze %dma_wait3A_227 : memref<1x112xi32, #tpu.memory_space<vmem>> -> memref<112xi32, #tpu.memory_space<vmem>>
      %dma_wait3A_229 = arith.constant 0 : i32
      %dma_wait3A_230 = arith.constant 0 : i32
      %dma_wait3A_231 = tpu.memref_slice %arg7[%dma_wait3A_229, %dma_wait3A_230] : memref<10112x128xf32, #tpu.memory_space<vmem_shared>> -> memref<10112x128xf32, #tpu.memory_space<vmem_shared>>
      tpu.wait_indirect_dma semaphore(%arg27 : memref<!tpu.dma_semaphore, #tpu.memory_space<semaphore_mem>>) src(%arg15 : memref<112x128xf32, #tpu.memory_space<vmem>>) dst(%dma_wait3A_231 : memref<10112x128xf32, #tpu.memory_space<vmem_shared>>)
      %add3A_232 = arith.constant 2 : i32
      %add3A_233 = arith.addi %add3A_201, %add3A_232 : i32
      %lt3A_234 = arith.constant 90 : i32
      %lt3A_235 = arith.cmpi slt, %add3A_233, %lt3A_234 : i32
      %convert_element_type3A_236 = arith.extui %lt3A_235 : i1 to i32
      %cond3A_237 = arith.constant 0 : i32
      %cond3A_238 = arith.cmpi ne, %convert_element_type3A_236, %cond3A_237 : i32
      scf.if %cond3A_238 {
        %dma_wait3A_253 = arith.constant 0 : i32
        %dma_wait3A_254 = arith.constant 0 : i32
        %dma_wait3A_255 = arith.constant 0 : i32
        %dma_wait3A_256 = tpu.memref_slice %arg4[%add3A, %dma_wait3A_253, %dma_wait3A_254, %dma_wait3A_255] : memref<32x90x1x112xi32, #tpu.memory_space<hbm>> -> memref<1x1x1x112xi32, #tpu.memory_space<hbm>>
        %dma_wait3A_257 = tpu.memref_squeeze %dma_wait3A_256 : memref<1x1x1x112xi32, #tpu.memory_space<hbm>> -> memref<1x112xi32, #tpu.memory_space<hbm>>
        %dma_wait3A_258 = arith.constant 0 : i32
        %dma_wait3A_259 = arith.constant 0 : i32
        %dma_wait3A_260 = tpu.memref_slice %arg4[%add3A, %dma_wait3A_253, %dma_wait3A_258, %dma_wait3A_259] : memref<32x90x1x112xi32, #tpu.memory_space<hbm>> -> memref<1x1x1x112xi32, #tpu.memory_space<hbm>>
        %dma_wait3A_261 = tpu.memref_squeeze %dma_wait3A_260 : memref<1x1x1x112xi32, #tpu.memory_space<hbm>> -> memref<1x112xi32, #tpu.memory_space<hbm>>
        tpu.wait_dma2 semaphore(%arg18 : memref<!tpu.dma_semaphore, #tpu.memory_space<semaphore_mem>>) src(%dma_wait3A_261 : memref<1x112xi32, #tpu.memory_space<hbm>>) dst(%arg9 : memref<1x112xi32, #tpu.memory_space<vmem>>)
        %dma_start3A_262 = arith.constant 0 : i32
        %dma_start3A_263 = arith.constant 0 : i32
        %dma_start3A_264 = tpu.memref_slice %arg9[%dma_start3A_262, %dma_start3A_263] : memref<1x112xi32, #tpu.memory_space<vmem>> -> memref<1x112xi32, #tpu.memory_space<vmem>>
        %dma_start3A_265 = tpu.memref_squeeze %dma_start3A_264 : memref<1x112xi32, #tpu.memory_space<vmem>> -> memref<112xi32, #tpu.memory_space<vmem>>
        %dma_start3A_266 = arith.constant 0 : i32
        %dma_start3A_267 = arith.constant 0 : i32
        %dma_start3A_268 = tpu.memref_slice %arg2[%dma_start3A_266, %dma_start3A_267] : memref<10112x128xf32, #tpu.memory_space<hbm>> -> memref<10112x128xf32, #tpu.memory_space<hbm>>
        tpu.enqueue_indirect_dma source(%dma_start3A_268 : memref<10112x128xf32, #tpu.memory_space<hbm>>) target(%arg15 : memref<112x128xf32, #tpu.memory_space<vmem>>) offsets(%dma_start3A_265 : memref<112xi32, #tpu.memory_space<vmem>>) semaphore(%arg24 : memref<!tpu.dma_semaphore, #tpu.memory_space<semaphore_mem>>)
      } else {
      }
      %add3A_239 = arith.constant 3 : i32
      %add3A_240 = arith.addi %add3A_201, %add3A_239 : i32
      %lt3A_241 = arith.constant 90 : i32
      %lt3A_242 = arith.cmpi slt, %add3A_240, %lt3A_241 : i32
      %convert_element_type3A_243 = arith.extui %lt3A_242 : i1 to i32
      %cond3A_244 = arith.constant 0 : i32
      %cond3A_245 = arith.cmpi ne, %convert_element_type3A_243, %cond3A_244 : i32
      scf.if %cond3A_245 {
        %add3A_253 = arith.constant 3 : i32
        %add3A_254 = arith.addi %add3A_201, %add3A_253 : i32
        %dma_start3A_255 = arith.constant 0 : i32
        %dma_start3A_256 = arith.constant 0 : i32
        %dma_start3A_257 = tpu.memref_slice %arg4[%add3A, %add3A_254, %dma_start3A_255, %dma_start3A_256] : memref<32x90x1x112xi32, #tpu.memory_space<hbm>> -> memref<1x1x1x112xi32, #tpu.memory_space<hbm>>
        %dma_start3A_258 = tpu.memref_squeeze %dma_start3A_257 : memref<1x1x1x112xi32, #tpu.memory_space<hbm>> -> memref<1x112xi32, #tpu.memory_space<hbm>>
        %dma_start3A_259 = arith.constant 0 : i32
        %dma_start3A_260 = arith.constant 0 : i32
        %dma_start3A_261 = tpu.memref_slice %arg4[%add3A, %add3A_254, %dma_start3A_259, %dma_start3A_260] : memref<32x90x1x112xi32, #tpu.memory_space<hbm>> -> memref<1x1x1x112xi32, #tpu.memory_space<hbm>>
        %dma_start3A_262 = tpu.memref_squeeze %dma_start3A_261 : memref<1x1x1x112xi32, #tpu.memory_space<hbm>> -> memref<1x112xi32, #tpu.memory_space<hbm>>
        tpu.enqueue_dma source(%dma_start3A_262 : memref<1x112xi32, #tpu.memory_space<hbm>>) target(%arg10 : memref<1x112xi32, #tpu.memory_space<vmem>>) target_semaphore(%arg19 : memref<!tpu.dma_semaphore, #tpu.memory_space<semaphore_mem>>)
      } else {
      }
      %add3A_246 = arith.constant 1 : i32
      %add3A_247 = arith.addi %add3A_201, %add3A_246 : i32
      %lt3A_248 = arith.constant 90 : i32
      %lt3A_249 = arith.cmpi slt, %add3A_247, %lt3A_248 : i32
      %convert_element_type3A_250 = arith.extui %lt3A_249 : i1 to i32
      %cond3A_251 = arith.constant 0 : i32
      %cond3A_252 = arith.cmpi ne, %convert_element_type3A_250, %cond3A_251 : i32
      scf.if %cond3A_252 {
        %add3A_253 = arith.constant 1 : i32
        %add3A_254 = arith.addi %add3A_201, %add3A_253 : i32
        %dma_start3A_255 = arith.constant 0 : i32
        %dma_start3A_256 = arith.constant 0 : i32
        %dma_start3A_257 = tpu.memref_slice %arg5[%add3A, %add3A_254, %dma_start3A_255, %dma_start3A_256] : memref<32x90x1x112xi32, #tpu.memory_space<hbm>> -> memref<1x1x1x112xi32, #tpu.memory_space<hbm>>
        %dma_start3A_258 = tpu.memref_squeeze %dma_start3A_257 : memref<1x1x1x112xi32, #tpu.memory_space<hbm>> -> memref<1x112xi32, #tpu.memory_space<hbm>>
        %dma_start3A_259 = arith.constant 0 : i32
        %dma_start3A_260 = arith.constant 0 : i32
        %dma_start3A_261 = tpu.memref_slice %arg5[%add3A, %add3A_254, %dma_start3A_259, %dma_start3A_260] : memref<32x90x1x112xi32, #tpu.memory_space<hbm>> -> memref<1x1x1x112xi32, #tpu.memory_space<hbm>>
        %dma_start3A_262 = tpu.memref_squeeze %dma_start3A_261 : memref<1x1x1x112xi32, #tpu.memory_space<hbm>> -> memref<1x112xi32, #tpu.memory_space<hbm>>
        tpu.enqueue_dma source(%dma_start3A_262 : memref<1x112xi32, #tpu.memory_space<hbm>>) target(%arg11 : memref<1x112xi32, #tpu.memory_space<vmem>>) target_semaphore(%arg20 : memref<!tpu.dma_semaphore, #tpu.memory_space<semaphore_mem>>)
      } else {
      }
    }
    %scan3A_78 = arith.constant 30 : i32
    %dma_wait3A_79 = arith.constant 0 : i32
    %dma_wait3A_80 = arith.constant 0 : i32
    %dma_wait3A_81 = tpu.memref_slice %arg13[%dma_wait3A_79, %dma_wait3A_80] : memref<1x112xi32, #tpu.memory_space<vmem>> -> memref<1x112xi32, #tpu.memory_space<vmem>>
    %dma_wait3A_82 = tpu.memref_squeeze %dma_wait3A_81 : memref<1x112xi32, #tpu.memory_space<vmem>> -> memref<112xi32, #tpu.memory_space<vmem>>
    %dma_wait3A_83 = arith.constant 0 : i32
    %dma_wait3A_84 = arith.constant 0 : i32
    %dma_wait3A_85 = tpu.memref_slice %arg7[%dma_wait3A_83, %dma_wait3A_84] : memref<10112x128xf32, #tpu.memory_space<vmem_shared>> -> memref<10112x128xf32, #tpu.memory_space<vmem_shared>>
    tpu.wait_indirect_dma semaphore(%arg28 : memref<!tpu.dma_semaphore, #tpu.memory_space<semaphore_mem>>) src(%arg16 : memref<112x128xf32, #tpu.memory_space<vmem>>) dst(%dma_wait3A_85 : memref<10112x128xf32, #tpu.memory_space<vmem_shared>>)
    %barrier3A_86 = arith.constant 0 : index
    tpu.barrier barrier_id(%barrier3A_86)
    %mul3A_87 = arith.constant 632 : i32
    %mul3A_88 = arith.muli %arg1, %mul3A_87 : i32
    %mul3A_89 = arith.constant 632 : i32
    %mul3A_90 = arith.muli %arg1, %mul3A_89 : i32
    "tpu.region"() ({
      %run_scoped3A = tpu.sem_alloc : memref<!tpu.dma_semaphore, #tpu.memory_space<semaphore_mem>>
      %dma_start3A_91 = arith.constant 0 : i32
      %dma_start3A_92 = tpu.memref_slice %arg6[%arg0, %mul3A_90, %dma_start3A_91] : memref<2x10112x128xf32, #tpu.memory_space<hbm>> -> memref<1x632x128xf32, #tpu.memory_space<hbm>>
      %dma_start3A_93 = tpu.memref_squeeze %dma_start3A_92 : memref<1x632x128xf32, #tpu.memory_space<hbm>> -> memref<632x128xf32, #tpu.memory_space<hbm>>
      %dma_start3A_94 = arith.constant 0 : i32
      %dma_start3A_95 = tpu.memref_slice %arg7[%mul3A_88, %dma_start3A_94] : memref<10112x128xf32, #tpu.memory_space<vmem_shared>> -> memref<632x128xf32, #tpu.memory_space<vmem_shared>>
      tpu.enqueue_dma source(%dma_start3A_95 : memref<632x128xf32, #tpu.memory_space<vmem_shared>>) target(%dma_start3A_93 : memref<632x128xf32, #tpu.memory_space<hbm>>) target_semaphore(%run_scoped3A : memref<!tpu.dma_semaphore, #tpu.memory_space<semaphore_mem>>)
      %dma_wait3A_96 = arith.constant 0 : i32
      %dma_wait3A_97 = tpu.memref_slice %arg6[%arg0, %mul3A_90, %dma_wait3A_96] : memref<2x10112x128xf32, #tpu.memory_space<hbm>> -> memref<1x632x128xf32, #tpu.memory_space<hbm>>
      %dma_wait3A_98 = tpu.memref_squeeze %dma_wait3A_97 : memref<1x632x128xf32, #tpu.memory_space<hbm>> -> memref<632x128xf32, #tpu.memory_space<hbm>>
      %dma_wait3A_99 = arith.constant 0 : i32
      %dma_wait3A_100 = tpu.memref_slice %arg7[%mul3A_88, %dma_wait3A_99] : memref<10112x128xf32, #tpu.memory_space<vmem_shared>> -> memref<632x128xf32, #tpu.memory_space<vmem_shared>>
      tpu.wait_dma2 semaphore(%run_scoped3A : memref<!tpu.dma_semaphore, #tpu.memory_space<semaphore_mem>>) src(%dma_wait3A_100 : memref<632x128xf32, #tpu.memory_space<vmem_shared>>) dst(%dma_wait3A_98 : memref<632x128xf32, #tpu.memory_space<hbm>>)
      tpu.yield
    }) : () -> ()
    return
  }
}

module attributes {stable_mosaic.version = 14 : i64} {
  func.func @_mm_body(%arg0: i32, %arg1: memref<2x1264x128xf32, #tpu.memory_space<vmem>>, %arg2: memref<128x128xf32, #tpu.memory_space<vmem>>, %arg3: memref<1x128xf32, #tpu.memory_space<vmem>>, %arg4: memref<1264x128xf32, #tpu.memory_space<vmem>>) attributes {dimension_semantics = [#tpu.dimension_semantics<arbitrary>], iteration_bounds = array<i64: 8>, scalar_prefetch = 0 : i64, scratch_operands = 0 : i64, tpu.core_type = #tpu.core_type<tc>, window_params = [{transform_indices = @transform_0, window_bounds = array<i64: 2, 1264, 128>}, {pipeline_mode = #tpu.pipeline_mode<synchronous>, transform_indices = @transform_1, window_bounds = array<i64: 128, 128>}, {pipeline_mode = #tpu.pipeline_mode<synchronous>, transform_indices = @transform_2, window_bounds = array<i64: 1, 128>}, {transform_indices = @transform_3, window_bounds = array<i64: 1264, 128>}]} {
    %get3A = arith.constant 0 : index
    %get3A_0 = arith.constant 0 : index
    %get3A_1 = arith.constant 0 : index
    %get3A_2 = vector.load %arg1[%get3A, %get3A_0, %get3A_1] : memref<2x1264x128xf32, #tpu.memory_space<vmem>>, vector<1x1264x128xf32>
    %get3A_3 = vector.shape_cast %get3A_2 : vector<1x1264x128xf32> to vector<1264x128xf32>
    %get3A_4 = arith.constant 1 : index
    %get3A_5 = arith.constant 0 : index
    %get3A_6 = arith.constant 0 : index
    %get3A_7 = vector.load %arg1[%get3A_4, %get3A_5, %get3A_6] : memref<2x1264x128xf32, #tpu.memory_space<vmem>>, vector<1x1264x128xf32>
    %get3A_8 = vector.shape_cast %get3A_7 : vector<1x1264x128xf32> to vector<1264x128xf32>
    %add3A = arith.addf %get3A_3, %get3A_8 : vector<1264x128xf32>
    %get3A_9 = arith.constant 0 : index
    %get3A_10 = arith.constant 0 : index
    %get3A_11 = vector.load %arg2[%get3A_9, %get3A_10] : memref<128x128xf32, #tpu.memory_space<vmem>>, vector<128x128xf32>
    %dot_general3A = arith.constant dense<0.000000e+00> : vector<1264x128xf32>
    %dot_general3A_12 = tpu.matmul %add3A, %get3A_11, %dot_general3A {dimension_numbers = #tpu.dot_dimension_numbers<[1], [0], [0], [1], [0, 0, 1, 1], [], []>, transpose_lhs_hint = false} : vector<1264x128xf32>, vector<128x128xf32>, vector<1264x128xf32> -> vector<1264x128xf32>
    %get3A_13 = arith.constant 0 : index
    %get3A_14 = arith.constant 0 : index
    %get3A_15 = vector.load %arg3[%get3A_13, %get3A_14] : memref<1x128xf32, #tpu.memory_space<vmem>>, vector<1x128xf32>
    %add3A_16 = vector.broadcast %get3A_15 : vector<1x128xf32> to vector<1264x128xf32>
    %add3A_17 = arith.addf %dot_general3A_12, %add3A_16 : vector<1264x128xf32>
    %swap3A = arith.constant 0 : index
    %swap3A_18 = arith.constant 0 : index
    %swap3A_19 = vector.load %arg4[%swap3A, %swap3A_18] : memref<1264x128xf32, #tpu.memory_space<vmem>>, vector<1264x128xf32>
    tpu.vector_store %arg4[%swap3A, %swap3A_18], %add3A_17 {strides = array<i32>} : memref<1264x128xf32, #tpu.memory_space<vmem>>, vector<1264x128xf32>,
    return
  }
  func.func @transform_0(%arg0: i32) -> (i32, i32, i32) {
    %c0_i32 = arith.constant 0 : i32
    %c0_i32_0 = arith.constant 0 : i32
    %c0_i32_1 = arith.constant 0 : i32
    return %c0_i32, %arg0, %c0_i32_0 : i32, i32, i32
  }
  func.func @transform_1(%arg0: i32) -> (i32, i32) {
    %c0_i32 = arith.constant 0 : i32
    %c0_i32_0 = arith.constant 0 : i32
    %c0_i32_1 = arith.constant 0 : i32
    return %c0_i32, %c0_i32_0 : i32, i32
  }
  func.func @transform_2(%arg0: i32) -> (i32, i32) {
    %c0_i32 = arith.constant 0 : i32
    %c0_i32_0 = arith.constant 0 : i32
    %c0_i32_1 = arith.constant 0 : i32
    return %c0_i32, %c0_i32_0 : i32, i32
  }
  func.func @transform_3(%arg0: i32) -> (i32, i32) {
    %c0_i32 = arith.constant 0 : i32
    %c0_i32_0 = arith.constant 0 : i32
    return %arg0, %c0_i32 : i32, i32
  }
}

module attributes {stable_mosaic.version = 14 : i64} {
  func.func @_mm_body(%arg0: i32, %arg1: memref<2x1000x128xf32, #tpu.memory_space<vmem>>, %arg2: memref<128x128xf32, #tpu.memory_space<vmem>>, %arg3: memref<1x128xf32, #tpu.memory_space<vmem>>, %arg4: memref<1000x128xf32, #tpu.memory_space<vmem>>) attributes {dimension_semantics = [#tpu.dimension_semantics<arbitrary>], iteration_bounds = array<i64: 10>, scalar_prefetch = 0 : i64, scratch_operands = 0 : i64, tpu.core_type = #tpu.core_type<tc>, window_params = [{transform_indices = @transform_0, window_bounds = array<i64: 2, 1000, 128>}, {pipeline_mode = #tpu.pipeline_mode<synchronous>, transform_indices = @transform_1, window_bounds = array<i64: 128, 128>}, {pipeline_mode = #tpu.pipeline_mode<synchronous>, transform_indices = @transform_2, window_bounds = array<i64: 1, 128>}, {transform_indices = @transform_3, window_bounds = array<i64: 1000, 128>}]} {
    %get3A = arith.constant 0 : index
    %get3A_0 = arith.constant 0 : index
    %get3A_1 = arith.constant 0 : index
    %get3A_2 = vector.load %arg1[%get3A, %get3A_0, %get3A_1] : memref<2x1000x128xf32, #tpu.memory_space<vmem>>, vector<1x1000x128xf32>
    %get3A_3 = vector.shape_cast %get3A_2 : vector<1x1000x128xf32> to vector<1000x128xf32>
    %get3A_4 = arith.constant 1 : index
    %get3A_5 = arith.constant 0 : index
    %get3A_6 = arith.constant 0 : index
    %get3A_7 = vector.load %arg1[%get3A_4, %get3A_5, %get3A_6] : memref<2x1000x128xf32, #tpu.memory_space<vmem>>, vector<1x1000x128xf32>
    %get3A_8 = vector.shape_cast %get3A_7 : vector<1x1000x128xf32> to vector<1000x128xf32>
    %add3A = arith.addf %get3A_3, %get3A_8 : vector<1000x128xf32>
    %get3A_9 = arith.constant 0 : index
    %get3A_10 = arith.constant 0 : index
    %get3A_11 = vector.load %arg2[%get3A_9, %get3A_10] : memref<128x128xf32, #tpu.memory_space<vmem>>, vector<128x128xf32>
    %dot_general3A = arith.constant dense<0.000000e+00> : vector<1000x128xf32>
    %dot_general3A_12 = tpu.matmul %add3A, %get3A_11, %dot_general3A {dimension_numbers = #tpu.dot_dimension_numbers<[1], [0], [0], [1], [0, 0, 1, 1], [], []>, transpose_lhs_hint = false} : vector<1000x128xf32>, vector<128x128xf32>, vector<1000x128xf32> -> vector<1000x128xf32>
    %get3A_13 = arith.constant 0 : index
    %get3A_14 = arith.constant 0 : index
    %get3A_15 = vector.load %arg3[%get3A_13, %get3A_14] : memref<1x128xf32, #tpu.memory_space<vmem>>, vector<1x128xf32>
    %add3A_16 = vector.broadcast %get3A_15 : vector<1x128xf32> to vector<1000x128xf32>
    %add3A_17 = arith.addf %dot_general3A_12, %add3A_16 : vector<1000x128xf32>
    %swap3A = arith.constant 0 : index
    %swap3A_18 = arith.constant 0 : index
    %swap3A_19 = vector.load %arg4[%swap3A, %swap3A_18] : memref<1000x128xf32, #tpu.memory_space<vmem>>, vector<1000x128xf32>
    tpu.vector_store %arg4[%swap3A, %swap3A_18], %add3A_17 {strides = array<i32>} : memref<1000x128xf32, #tpu.memory_space<vmem>>, vector<1000x128xf32>,
    return
  }
  func.func @transform_0(%arg0: i32) -> (i32, i32, i32) {
    %c0_i32 = arith.constant 0 : i32
    %c0_i32_0 = arith.constant 0 : i32
    %c0_i32_1 = arith.constant 0 : i32
    return %c0_i32, %arg0, %c0_i32_0 : i32, i32, i32
  }
  func.func @transform_1(%arg0: i32) -> (i32, i32) {
    %c0_i32 = arith.constant 0 : i32
    %c0_i32_0 = arith.constant 0 : i32
    %c0_i32_1 = arith.constant 0 : i32
    return %c0_i32, %c0_i32_0 : i32, i32
  }
  func.func @transform_2(%arg0: i32) -> (i32, i32) {
    %c0_i32 = arith.constant 0 : i32
    %c0_i32_0 = arith.constant 0 : i32
    %c0_i32_1 = arith.constant 0 : i32
    return %c0_i32, %c0_i32_0 : i32, i32
  }
  func.func @transform_3(%arg0: i32) -> (i32, i32) {
    %c0_i32 = arith.constant 0 : i32
    %c0_i32_0 = arith.constant 0 : i32
    return %arg0, %c0_i32 : i32, i32
  }
}

</mosaic_0001>

<sc_bundles>
// kernel: kernel.11.cloned.1.call-start
scs
__scs_entry_jumppad:
0x0: {  	(pc) =	sbr.rel $0x88, $3  }
0x1: {  	(tag) =	ssettag $0x0;
	lr =	simm.s32 $0x1  }
0x2: {  	[smem:$0x3F99] =	sst lr;
	_ =	strace $0xD0000000  }
0x3: {  	_ = 	snop  }
0x4: {  	_ = 	snop  }
0x5: {  	_ = 	snop  }
0x6: {  	_ = 	snop  }
0x7: {  	_ = 	snop  }
__scs_overlays_trampoline_lowered:
0x8: {  	[smem:$0x3FA8] =	sst s0  }
0x9: {  	[smem:$0x3FA9] =	sst s1  }
0xa: {  	[smem:$0x3FAA] =	sst s2  }
0xb: {  	[smem:$0x3FAB] =	sst s3  }
0xc: {  	[smem:$0x3FAC] =	sst s4  }
0xd: {  	[smem:$0x3FAD] =	sst s5  }
0xe: {  	[smem:$0x3FAE] =	sst s6  }
0xf: {  	[smem:$0x3FAF] =	sst s7  }
0x10: {  	[smem:$0x3FB0] =	sst s8  }
0x11: {  	[smem:$0x3FB1] =	sst s9;
	s0 =	simm.s32 @!p0 $0x0  }
0x12: {  	s1 =	sld [smem:$0x3F97];
	s0 =	simm.s32 @p0 $0x1  }
0x13: {  	[smem:$0x3FB2] =	sst s0;
	s0 =	simm.s32 @!p1 $0x0  }
0x14: {  	s2 =	sld [smem:$0x3F96];
	s0 =	simm.s32 @p1 $0x1  }
0x15: {  	[smem:$0x3FB3] =	sst s0;
	s0 =	simm.s32 @!p2 $0x0  }
0x16: {  	s3 =	sld [smem:$0x3FDB];
	s0 =	simm.s32 @p2 $0x1  }
0x17: {  	s4 =	simm.s32 $0x1BF5;
	[smem:$0x3FB5] =	sst s0  }
0x18: {  	s0 =	sld [smem:$0x3F98];
	_ =	swait.ge [sflag:s4], $0x0  }
0x19: {  	s7 =	sld [smem:$0x3F99]  }
0x1a: {  	s8 =	sadd.s32 $0xFFFFE003, lr  }
0x1b: {  	s9 =	sadd.s32 $0xFFFFFEF7, lr;
	s5 =	simm.s32 $0xFFFFFFFF;
	p2 =	slt.u32 s8, $0xFFFFF086  }
0x1c: {  	p1 =	slt.u32 s9, $0xF7A;
	s5 =	simm.s32 @!p2 $0x0  }
0x1d: {  	s5 =	simm.s32 @p1 $0x1;
	p0 =	seq.s32 s7, s2  }
0x1e: {  	s7 =	smul.u32 @!p0 $0xF7A, s2;
	p2 =	seq.s32 @!p0 s5, $0x0  }
0x1f: {  	s9 =	smul.u32 $0xF7A, s1;
	s8 =	simm.s32 @!p0 $0x1BF5;
	p2 =	por !p2, p0  }
0x20: {  	[sflag:s8] =	ssyncset.s32 @!p0 $0xFFFFF086;
	s6 =	sadd.s32 @!p0 s3, s7;
	s7 =	simm.s32 @!p0 $0x108  }
0x21: {  	s3 =	sadd.s32 s3, s9;
	s6 =	sadd.s32 @!p0 $0x88, s6;
	s7 =	simm.s32 @p2 $0x1082  }
0x22: {  	[simem:s7], [sflag:s8] =	dma.local @!p0 [hbm:s6], $0xF7A  }
0x23: {  	s9 =	sor.u32 $0xD0000000, s2;
	s6 =	simm.s32 $0x108;
	_ =	swait.ge @!p0 [sflag:s8], $0x0  }
0x24: {  	s3 =	sadd.s32 $0x88, s3;
	s6 =	simm.s32 @!p1 $0x1082;
	[sflag:s4] =	ssyncset.s32 $0xFFFFF086  }
0x25: {  	[simem:s6], [sflag:s4] =	dma.local [hbm:s3], $0xF7A  }
0x26: {  	[smem:$0x3F99] =	sst s1;
	(tag) =	ssettag s2;
	_ =	strace s9  }
0x27: {  	s1 =	sld [smem:$0x3FA9]  }
0x28: {  	s2 =	sld [smem:$0x3FAA]  }
0x29: {  	s4 =	sld [smem:$0x3FAC]  }
0x2a: {  	p0 =	seq.s32 s5, $0x0;
	s5 =	sld [smem:$0x3FAD]  }
0x2b: {  	s6 =	sld [smem:$0x3FAE]  }
0x2c: {  	s7 =	sld [smem:$0x3FAF]  }
0x2d: {  	s3 =	simm.s32 $0x108;
	s8 =	sld [smem:$0x3FB0]  }
0x2e: {  	s3 =	simm.s32 @!p0 $0x1082;
	s9 =	sld [smem:$0x3FB1]  }
0x2f: {  	lr =	sadd.s32 s0, s3;
	s0 =	sld [smem:$0x3FA8]  }
0x30: {  	s3 =	sld [smem:$0x3FAB]  }
0x31: {  	[smem:$0x3FB4] =	sst s10  }
0x32: {  	s10 =	sld [smem:$0x3FB2];
	_ =	sdelay $0x3  }
0x33: {  	p0 =	seq.s32 s10, $0x1;
	s10 =	sld [smem:$0x3FB4];
	_ =	sdelay $0x3  }
0x34: {  	[smem:$0x3FB4] =	sst s10  }
0x35: {  	s10 =	sld [smem:$0x3FB3];
	_ =	sdelay $0x3  }
0x36: {  	p1 =	seq.s32 s10, $0x1;
	s10 =	sld [smem:$0x3FB4];
	_ =	sdelay $0x3  }
0x37: {  	[smem:$0x3FB4] =	sst s10  }
0x38: {  	s10 =	sld [smem:$0x3FB5]  }
0x39: {  	_ = 	snop;
	(pc) =	sbr.ind lr, $3  }
0x3a: {  	_ = 	snop  }
0x3b: {  	_ = 	snop  }
0x3c: {  	p2 =	seq.s32 s10, $0x1;
	s10 =	sld [smem:$0x3FB4]  }
0x3d: {  	_ =	shalt  }
0x3e: {  	_ =	shalt  }
0x3f: {  	_ =	shalt  }
0x40: {  	_ =	shalt  }
0x41: {  	_ =	shalt  }
0x42: {  	_ =	shalt  }
0x43: {  	_ =	shalt  }
0x44: {  	_ =	shalt  }
0x45: {  	_ =	shalt  }
0x46: {  	_ =	shalt  }
0x47: {  	_ =	shalt  }
0x48: {  	_ =	shalt  }
0x49: {  	_ =	shalt  }
0x4a: {  	_ =	shalt  }
0x4b: {  	_ =	shalt  }
0x4c: {  	_ =	shalt  }
0x4d: {  	_ =	shalt  }
0x4e: {  	_ =	shalt  }
0x4f: {  	_ =	shalt  }
0x50: {  	_ =	shalt  }
0x51: {  	_ =	shalt  }
0x52: {  	_ =	shalt  }
0x53: {  	_ =	shalt  }
0x54: {  	_ =	shalt  }
0x55: {  	_ =	shalt  }
0x56: {  	_ =	shalt  }
0x57: {  	_ =	shalt  }
0x58: {  	_ =	shalt  }
0x59: {  	_ =	shalt  }
0x5a: {  	_ =	shalt  }
0x5b: {  	_ =	shalt  }
0x5c: {  	_ =	shalt  }
0x5d: {  	_ =	shalt  }
0x5e: {  	_ =	shalt  }
0x5f: {  	_ =	shalt  }
0x60: {  	_ =	shalt  }
0x61: {  	_ =	shalt  }
0x62: {  	_ =	shalt  }
0x63: {  	_ =	shalt  }
0x64: {  	_ =	shalt  }
0x65: {  	_ =	shalt  }
0x66: {  	_ =	shalt  }
0x67: {  	_ =	shalt  }
0x68: {  	_ =	shalt  }
0x69: {  	_ =	shalt  }
0x6a: {  	_ =	shalt  }
0x6b: {  	_ =	shalt  }
0x6c: {  	_ =	shalt  }
0x6d: {  	_ =	shalt  }
0x6e: {  	_ =	shalt  }
0x6f: {  	_ =	shalt  }
0x70: {  	_ =	shalt  }
0x71: {  	_ =	shalt  }
0x72: {  	_ =	shalt  }
0x73: {  	_ =	shalt  }
0x74: {  	_ =	shalt  }
0x75: {  	_ =	shalt  }
0x76: {  	_ =	shalt  }
0x77: {  	_ =	shalt  }
0x78: {  	_ =	shalt  }
0x79: {  	_ =	shalt  }
0x7a: {  	_ =	shalt  }
0x7b: {  	_ =	shalt  }
0x7c: {  	_ =	shalt  }
0x7d: {  	_ =	shalt  }
0x7e: {  	_ =	shalt  }
0x7f: {  	_ =	shalt  }
0x80: {  	_ =	shalt  }
0x81: {  	_ =	shalt  }
0x82: {  	_ =	shalt  }
0x83: {  	_ =	shalt  }
0x84: {  	_ =	shalt  }
0x85: {  	_ =	shalt  }
0x86: {  	_ =	shalt  }
0x87: {  	_ =	shalt  }
.Lfunc_end0:
.L_simem_size_0:
called_computation.1_lowered:
.L_overlay_start_0:
0x88: {  	s2 =	sld [smem:$0x3FD9]  }
0x89: {  	s3 =	sld [smem:$0x3FFE];
	_ =	sdelay $0x1  }
0x8a: {  	s1 =	srdreg.scid  }
0x8b: {  	s0 =	sand.u32 $0x1, s1  }
0x8c: {  	s17 =	sshll.u32 s0, $0xA;
	s2 =	sadd.s32 s3, s2  }
0x8d: {  	s2 =	sadd.s32 s2, s17  }
0x8e: {  	[smem:$0x3FC0] =	sst s2  }
0x8f: {  	_ = 	snop  }
0x90: {  	s2 =	sld [smem:$0x3FD0];
	(tm) =	ssettm $0x1  }
0x91: {  	s18 =	sld [smem:$0x3FFB];
	_ =	sdelay $0x3  }
0x92: {  	_ =	strace s18  }
0x93: {  	s3 =	sld [smem:$0x3FFC];
	_ =	sdelay $0x3  }
0x94: {  	_ =	strace s3  }
0x95: {  	s3 =	sld [smem:$0x3FFD];
	_ =	sdelay $0x3  }
0x96: {  	_ =	strace s3  }
0x97: {  	_ =	strace $0x8FFFFFFF  }
0x98: {  	s19 =	sld [smem:$0x3FDB];
	_ =	sdelay $0x1  }
0x99: {  	s4 =	simm.s32 $_scs_section_size  }
0x9a: {  	s5 =	simm.s32 $_size__tile_overlayer_lowered;
	s6 =	simm.s32 $_tile_overlayer_lowered  }
0x9b: {  	s22 =	simm.s32 $0x1BFF;
	s21 =	sshll.u32 s6, $0x1;
	s3 =	sadd.s32 s4, s19  }
0x9c: {  	s7 =	simm.s32 $0x0;
	s20 =	sshll.u32 s5, $0x1;
	s5 =	sadd.s32 s21, s3  }
0x9d: {  	[timem:s7], [sflag:s22] =	dma.local [hbm:s5], s20  }
0x9e: {  	_ =	swait.ge [sflag:s22], s20  }
0x9f: {  	s4 =	ssub.s32 $0x0, s20;
	[sflag:s22] =	ssyncset.done $0x0  }
0xa0: {  	[sflag:s22] =	ssyncadd.s32 s4;
	_ =	sdelay $0x1  }
0xa1: {  	s23 =	simm.s32 $0x1B8B  }
0xa2: {  	_ =	swait.ge [sflag:s23], $0x1  }
0xa3: {  	[sflag:s23] =	ssyncset.done $0x0  }
0xa4: {  	s25 =	simm.s32 $0x1B8E;
	s24 =	sld [smem:$0x3FFE];
	[sflag:s23] =	ssyncadd.s32 $0xFFFFFFFF  }
0xa5: {  	s26 =	simm.s32 $execute0_lowered;
	[smem:$0x3FD2] =	sst s25  }
0xa6: {  	s5 =	sshll.u32 s26, $0x1;
	_ =	strace $0x80000049;
	[dreg:$0x1] =	wrdreg $0xFFFFFFFF  }
0xa7: {  	s28 =	simm.s32 $_size_execute0_lowered;
	s3 =	sadd.s32 s3, s5;
	[dreg:$0x0] =	wrdreg $0x0  }
0xa8: {  	s5 =	sshll.u32 s28, $0x1;
	[dreg:$0x2] =	wrdreg s3  }
0xa9: {  	[dreg:$0x3] =	wrdreg s5  }
0xaa: {  	[dreg:$0x4] =	wrdreg $0xC0  }
0xab: {  	_ =	task [dreg:s7], $0x5FFFF  }
0xac: {  	[dreg:$0x1] =	wrdreg $0xFFFFFFFF  }
0xad: {  	[dreg:$0x0] =	wrdreg $0x60  }
0xae: {  	[dreg:$0x2] =	wrdreg s24  }
0xaf: {  	[dreg:$0x3] =	wrdreg s2  }
0xb0: {  	[dreg:$0x4] =	wrdreg $0x0  }
0xb1: {  	[dreg:$0x5] =	wrdreg $0x9  }
0xb2: {  	_ =	task.clear_ibuf [dreg:s7], $0x6FFFF;
	_ =	strace $0x90000049  }
0xb3: {  	s29 =	simm.s32 $0x9;
	_ =	strace $0x8000004B  }
0xb4: {  	_ =	swait.ge [sflag:s29], $0x1  }
0xb5: {  	[sflag:s29] =	ssyncadd.s32 $0xFFFFFFFF  }
0xb6: {  	_ =	strace $0x9000004B  }
0xb7: {  	_ =	sfence  }
0xb8: {  	s30 =	sld [smem:$0x0];
	_ =	sdelay $0x2  }
0xb9: {  	s31 =	sshll.u32 s1, $0xD;
	s1 =	sshrl.u32 s1, $0x2  }
0xba: {  	s3 =	sand.u32 $0x4000, s31;
	s1 =	sadd.s32 s1, s30  }
0xbb: {  	s0 =	sor.u32 s3, s0;
	s1 =	sshll.u32 s1, $0x11  }
0xbc: {  	s0 =	sor.u32 s1, s0  }
0xbd: {  	s0 =	sadd.s32 $0x8F2B, s0  }
0xbe: {  	[sflag:s0] =	ssyncadd.remote.s32 $0x1  }
0xbf: {  	_ =	sfence.sel $0xFFFF  }
0xc0: {  	[dreg:$0x0] =	wrdreg $0xFFFFFFFF;
	(pc) =	sbr.abs _section_cstart, $3  }
0xc1: {  	[dreg:$0x1] =	wrdreg $0xFFFFFFFF  }
0xc2: {  	_ =	task.clear_ibuf [dreg:s7], $0x2FFFF;
	_ =	strace $0x9FFFFFFF  }
0xc3: {  	(tm) =	ssettm $0x7FFFFFFF  }
tec
execute0_lowered:
.L_overlay_start_1:
0x0: {  	(tag) =	ssettag $0x1  }
0x1: {  	s0 =	rddreg [dreg:$0x0]  }
0x2: {  	s1 =	rddreg [dreg:$0x1]  }
0x3: {  	s2 =	rddreg [dreg:$0x2]  }
0x4: {  	s3 =	srdreg.scid;
	s4 =	simm.s32 $0x0;
	s13 =	stileid.u32  }
0x5: {  	s29 =	simm.s32 $0x2;
	s30 =	simm.s32 $0x17700;
	s7 =	smul.u32 $0x13C00, s13  }
0x6: {  	s31 =	simm.s32 $0x13D00;
	s3 =	sand.u32 $0x1, s3;
	s11 =	smul.u32 $0x4F000, s13  }
0x7: {  	[smem:$0x7FF] =	sst s4;
	s5 =	sadd.s32 $0x34A00, s0;
	s18 =	smul.u32 $0x2780, s13  }
0x8: {  	s8 =	sadd.s32 $0xD200, s0;
	s12 =	smul.u32 $0x2D00, s13;
	s21 =	sshll.u32 s13, $0x6  }
0x9: {  	s6 =	smul.u32 $0x13C000, s3;
	_ =	strace $0x8000004A;
	s9 =	sshll.u32 s3, $0x4  }
0xa: {  	s10 =	ssub.s32 $0x2, s3;
	p0 =	seq.s32 s3, $0x1;
	s3 =	smul.u32 $0x2D000, s3  }
0xb: {  	s9 =	sor.u32 s13, s9;
	s17 =	sshrl.u32 s10, $0x1;
	s11 =	sshrl.u32 s11, $0x2  }
0xc: {  	s13 =	simm.s32 $0x13E80;
	s7 =	sadd.s32 s7, s6;
	s6 =	sadd.s32 $0x1E00, s0  }
0xd: {  	s9 =	smul.u32 $0x2D00, s9;
	s11 =	sadd.s32 s11, s2;
	s3 =	sadd.s32 s12, s3  }
0xe: {  	s12 =	simm.s32 $0x5;
	s7 =	sshrl.u32 s7, $0x3;
	s22 =	sadd.s32 $0x280, s3  }
0xf: {  	s24 =	sadd.s32 $0x180, s3;
	s25 =	sadd.s32 $0x100, s3;
	s26 =	sadd.s32 $0x200, s3  }
0x10: {  	s3 =	sor.u32 $0x80, s3;
	s0 =	sadd.s32 s7, s0;
	s7 =	ssub.s32 s10, s17  }
0x11: {  	s9 =	sshrl.u32 s9, $0x3;
	s23 =	sshrl.u32 s22, $0x3;
	[dreg:$0xc] =	wrdreg s24  }
0x12: {  	s28 =	sshrl.u32 s26, $0x3;
	s3 =	sshrl.u32 s3, $0x3;
	s24 =	simm.s32 $0x13D80  }
0x13: {  	s26 =	simm.s32 $0x70;
	s10 =	simm.s32 $0x13E00;
	s22 =	simm.s32 $0x6  }
0x14: {  	s14 =	sadd.s32 s1, s9;
	s9 =	sadd.s32 s6, s9;
	s0 =	sadd.s32 $0x5C200, s0  }
0x15: {  	s20 =	smax.u32 s7, $0x1;
	s16 =	sadd.s32 s23, s1;
	[dreg:$0x6] =	wrdreg s9  }
0x16: {  	s7 =	simm.s32 $0xA;
	s23 =	simm.s32 $0x0;
	[dreg:$0x4] =	wrdreg s14  }
0x17: {  	s15 =	sadd.s32 $0x10, s14;
	s19 =	sadd.s32 $0x20, s14;
	[dreg:$0x8] =	wrdreg s0  }
0x18: {  	[dreg:$0x9] =	wrdreg s20;
	s0 =	smov.u32 s5;
	s14 =	sor.u32 $0x1C0D, s21  }
0x19: {  	s20 =	sshrl.u32 s11, $0x3;
	s21 =	simm.s32 $0xD;
	[dreg:$0x5] =	wrdreg s15  }
0x1a: {  	s9 =	simm.s32 $0x1AF00;
	s11 =	simm.s32 $0x8;
	[dreg:$0x7] =	wrdreg s19  }
.Ltmp0:
0x1b: {  	s0 =	smov.u32 @p0 s8;
	s19 =	sadd.s32 s3, s6;
	(pc) =	sbr.rel .LBB2_1-.Ltmp0, $4  }
0x1c: {  	s3 =	simm.s32 $0x4;
	s8 =	simm.s32 $0x3;
	[dreg:$0xb] =	wrdreg s14  }
0x1d: {  	s15 =	simm.s32 $0x9;
	[dreg:$0xd] =	wrdreg s20;
	s0 =	sadd.s32 s0, s18  }
0x1e: {  	s18 =	sadd.s32 s28, s1;
	[dreg:$0xa] =	wrdreg s0;
	s0 =	sshrl.u32 s25, $0x3  }
0x1f: {  	s25 =	simm.s32 $0xB;
	s17 =	sadd.s32 s0, s6;
	s0 =	simm.s32 $0x7  }
.LBB2_4:
0x20: {  	s1 =	simm.s32 $0xC  }
0x21: {  	_ =	swait.ge [sflag:s1], $0x3800  }
0x22: {  	[sflag:s1] =	ssyncset.done $0x0  }
0x23: {  	[sflag:s1] =	ssyncadd.s32 $0xFFFFC800  }
0x24: {  	[bflag:$0x0] =	sbarrier.arrive $0xFFFF  }
0x25: {  	s23 =	rddreg [dreg:$0x8]  }
0x26: {  	s14 =	rddreg [dreg:$0xb]  }
0x27: {  	s21 =	simm.s32 $0xD;
	s20 =	rddreg [dreg:$0xd]  }
0x28: {  	[hbm:s23], [sflag:s14] =	dma.local [spmem:s20], $0x2780  }
0x29: {  	_ =	swait.ge [sflag:s21], $0x2780  }
0x2a: {  	s23 =	rddreg [dreg:$0xe]  }
0x2b: {  	s28 =	rddreg [dreg:$0x9];
	s23 =	sadd.s32 $0x1, s23  }
0x2c: {  	p0 =	sne.s32 s23, s28  }
.Ltmp1:
0x2d: {  	_ = 	snop;
	(pc) =	sbr.rel @!p0 .LBB2_5-.Ltmp1, $3  }
0x2e: {  	_ =	sdelay $0x1  }
0x2f: {  	[sflag:s21] =	ssyncset.done $0x0  }
0x30: {  	[sflag:s21] =	ssyncadd.s32 $0xFFFFD880  }
.LBB2_1:
0x31: {  	[dreg:$0xe] =	wrdreg s23  }
0x32: {  	s1 =	rddreg [dreg:$0xa]  }
0x33: {  	[spmem:s20], [sflag:s14] =	dma.local [hbm:s1], $0x2780  }
0x34: {  	_ =	swait.ge [sflag:s21], $0x2780  }
0x35: {  	[sflag:s21] =	ssyncset.done $0x0  }
0x36: {  	[sflag:s21] =	ssyncadd.s32 $0xFFFFD880  }
0x37: {  	[bflag:$0x0] =	sbarrier.arrive $0xFFFF  }
0x38: {  	s14 =	simm.s32 $0x13C00;
	s21 =	rddreg [dreg:$0x4]  }
0x39: {  	[tilespmem:s14], [sflag:$0x1] =	stream.linear.gather [hbm4b:s21+s4], $0x80, $0x38;
	[tilespmem:$0x1E700] =	vst v63  }
0x3a: {  	s20 =	simm.s32 $0x13C80;
	s23 =	rddreg [dreg:$0x5]  }
0x3b: {  	[tilespmem:s20], [sflag:$0x2] =	stream.linear.gather [hbm4b:s23+s4], $0x80, $0x38;
	[tilespmem:$0x1E700] =	vst v63  }
0x3c: {  	s28 =	rddreg [dreg:$0x6];
	s21 =	simm.s32 $0x1  }
0x3d: {  	[tilespmem:s24], [sflag:$0x4] =	stream.linear.gather [hbm4b:s28+s4], $0x80, $0x38;
	[tilespmem:$0x1E700] =	vst v63  }
0x3e: {  	_ =	swait.ge [sflag:s21], $0x80  }
0x3f: {  	[sflag:s21] =	ssyncset.done $0x0  }
0x40: {  	s23 =	simm.s32 $0x13F00;
	[sflag:s21] =	ssyncadd.s32 $0xFFFFFF80  }
0x41: {  	[tilespmem:s23], [sflag:$0x7] =	stream.indirect.gather [hbm4b:s5+s26], $0x80, s14, s26, $0xb8;
	[tilespmem:$0x1E700] =	vst v63  }
0x42: {  	_ =	swait.ge [sflag:s29], $0x80  }
0x43: {  	[sflag:s29] =	ssyncset.done $0x0  }
0x44: {  	s28 =	rddreg [dreg:$0x7];
	[sflag:s29] =	ssyncadd.s32 $0xFFFFFF80  }
0x45: {  	[tilespmem:s30], [sflag:$0x8] =	stream.indirect.gather [hbm4b:s5+s26], $0x80, s20, s26, $0xb8;
	[tilespmem:$0x1E700] =	vst v63  }
0x46: {  	s21 =	rddreg [dreg:$0xc];
	s20 =	simm.s32 $0x0  }
0x47: {  	[tilespmem:s31], [sflag:$0x3] =	stream.linear.gather [hbm4b:s28+s4], $0x80, $0x38;
	[tilespmem:$0x1E700] =	vst v63  }
.LBB2_2:
0x48: {  	_ =	swait.ge [sflag:s0], $0x3800  }
0x49: {  	[sflag:s0] =	ssyncset.done $0x0  }
0x4a: {  	[sflag:s0] =	ssyncadd.s32 $0xFFFFC800  }
0x4b: {  	_ =	swait.ge [sflag:s3], $0x80  }
0x4c: {  	p0 =	seq.s32 s20, $0x0;
	[sflag:s3] =	ssyncset.done $0x0  }
0x4d: {  	s1 =	simm.s32 $0x13F00;
	s14 =	simm.s32 @!p0 $0xC;
	[sflag:s3] =	ssyncadd.s32 $0xFFFFFF80  }
0x4e: {  	[spmem:s2] =	stream.indirect.scatter.add.f32 [tilespmem:s1], [sflag:$0xA], $0x80, s24, s26, $0xb8;
	[tilespmem:$0x1E700] =	vst v63  }
0x4f: {  	_ =	swait.ge @!p0 [sflag:s14], $0x3800  }
0x50: {  	[sflag:s14] =	ssyncset.done @!p0 $0x0  }
0x51: {  	[sflag:s14] =	ssyncadd.s32 @!p0 $0xFFFFC800  }
0x52: {  	_ =	swait.ge [sflag:s8], $0x80  }
0x53: {  	[sflag:s8] =	ssyncset.done $0x0  }
0x54: {  	p0 =	seq.s32 s20, $0x570;
	[sflag:s8] =	ssyncadd.s32 $0xFFFFFF80  }
0x55: {  	[tilespmem:s9], [sflag:$0x9] =	stream.indirect.gather [hbm4b:s5+s26], $0x80, s31, s26, $0xb8;
	[tilespmem:$0x1E700] =	vst v63  }
0x56: {  	s14 =	sshrl.u32 @!p0 s21, $0x3;
	s1 =	rddreg [dreg:$0x1]  }
0x57: {  	s23 =	simm.s32 @!p0 $0x13C00;
	s14 =	sadd.s32 @!p0 s1, s14;
	s1 =	simm.s32 @!p0 $0x0  }
0x58: {  	[tilespmem:s23], [sflag:$0x1] =	stream.linear.gather @!p0 [hbm4b:s14+s1], $0x80, $0x38;
	[tilespmem:$0x1E700] =	vst v63  }
0x59: {  	s28 =	sadd.s32 s20, s19  }
0x5a: {  	[tilespmem:s10], [sflag:$0x5] =	stream.linear.gather [hbm4b:s28+s4], $0x80, $0x38;
	[tilespmem:$0x1E700] =	vst v63  }
0x5b: {  	_ =	swait.ge [sflag:s11], $0x3800  }
0x5c: {  	[sflag:s11] =	ssyncset.done $0x0  }
0x5d: {  	[sflag:s11] =	ssyncadd.s32 $0xFFFFC800  }
0x5e: {  	_ =	swait.ge [sflag:s12], $0x80  }
0x5f: {  	[sflag:s12] =	ssyncset.done $0x0  }
0x60: {  	[sflag:s12] =	ssyncadd.s32 $0xFFFFFF80  }
0x61: {  	[spmem:s2] =	stream.indirect.scatter.add.f32 [tilespmem:s30], [sflag:$0xB], $0x80, s10, s26, $0xb8;
	[tilespmem:$0x1E700] =	vst v63  }
0x62: {  	_ =	swait.ge [sflag:s7], $0x3800  }
0x63: {  	[sflag:s7] =	ssyncset.done $0x0  }
0x64: {  	s14 =	simm.s32 @!p0 $0x1;
	[sflag:s7] =	ssyncadd.s32 $0xFFFFC800  }
0x65: {  	_ =	swait.ge @!p0 [sflag:s14], $0x80  }
0x66: {  	[sflag:s14] =	ssyncset.done @!p0 $0x0  }
0x67: {  	s28 =	simm.s32 @!p0 $0x13F00;
	[sflag:s14] =	ssyncadd.s32 @!p0 $0xFFFFFF80;
	s14 =	simm.s32 @!p0 $0x70  }
0x68: {  	[tilespmem:s28], [sflag:$0x7] =	stream.indirect.gather @!p0 [hbm4b:s5+s14], $0x80, s23, s14, $0xb8;
	[tilespmem:$0x1E700] =	vst v63  }
0x69: {  	s14 =	sadd.s32 @!p0 s20, s18;
	s23 =	simm.s32 @!p0 $0x13C80  }
0x6a: {  	[tilespmem:s23], [sflag:$0x2] =	stream.linear.gather @!p0 [hbm4b:s14+s1], $0x80, $0x38;
	[tilespmem:$0x1E700] =	vst v63  }
0x6b: {  	s28 =	sadd.s32 s20, s17  }
0x6c: {  	[tilespmem:s13], [sflag:$0x6] =	stream.linear.gather [hbm4b:s28+s4], $0x80, $0x38;
	[tilespmem:$0x1E700] =	vst v63  }
0x6d: {  	_ =	swait.ge [sflag:s15], $0x3800  }
0x6e: {  	[sflag:s15] =	ssyncset.done $0x0  }
0x6f: {  	[sflag:s15] =	ssyncadd.s32 $0xFFFFC800  }
0x70: {  	_ =	swait.ge [sflag:s22], $0x80  }
0x71: {  	[sflag:s22] =	ssyncset.done $0x0  }
.Ltmp2:
0x72: {  	[sflag:s22] =	ssyncadd.s32 $0xFFFFFF80;
	(pc) =	sbr.rel @p0 .LBB2_4-.Ltmp2, $4  }
0x73: {  	[spmem:s2] =	stream.indirect.scatter.add.f32 [tilespmem:s9], [sflag:$0xC], $0x80, s13, s26, $0xb8;
	[tilespmem:$0x1E700] =	vst v63  }
0x74: {  	_ =	swait.ge [sflag:s25], $0x3800  }
0x75: {  	[sflag:s25] =	ssyncset.done $0x0  }
0x76: {  	[sflag:s25] =	ssyncadd.s32 $0xFFFFC800  }
0x77: {  	_ =	swait.ge [sflag:s29], $0x80  }
0x78: {  	[sflag:s29] =	ssyncset.done $0x0  }
0x79: {  	s1 =	simm.s32 $0x13C80;
	[sflag:s29] =	ssyncadd.s32 $0xFFFFFF80  }
0x7a: {  	[tilespmem:s30], [sflag:$0x8] =	stream.indirect.gather [hbm4b:s5+s26], $0x80, s1, s26, $0xb8;
	[tilespmem:$0x1E700] =	vst v63  }
.Ltmp3:
0x7b: {  	_ = 	snop;
	(pc) =	sbr.rel .LBB2_2-.Ltmp3, $4  }
0x7c: {  	s23 =	sadd.s32 s20, s16;
	s28 =	sshrl.u32 s21, $0x3  }
0x7d: {  	[tilespmem:s31], [sflag:$0x3] =	stream.linear.gather [hbm4b:s23+s4], $0x80, $0x38;
	[tilespmem:$0x1E700] =	vst v63  }
0x7e: {  	s21 =	sadd.s32 $0x180, s21;
	s20 =	sadd.s32 $0x30, s20;
	s1 =	sadd.s32 s6, s28  }
0x7f: {  	[tilespmem:s24], [sflag:$0x4] =	stream.linear.gather [hbm4b:s1+s4], $0x80, $0x38;
	[tilespmem:$0x1E700] =	vst v63  }
.LBB2_5:
0x80: {  	_ =	sfence.sel $0x180000  }
0x81: {  	[bflag:$0x0] =	sbarrier.arrive $0xFFFF  }
0x82: {  	_ =	strace $0x9000004A  }
0x83: {  	s0 =	stileid.u32;
	[bflag:$0x2] =	sbarrier.arrive $0xFFFF  }
0x84: {  	p0 =	sne.s32 s0, $0x0;
	s0 =	rddreg [dreg:$0x3]  }
0x85: {  	s0 =	sadd.s32 @!p0 $0x100000, s0  }
0x86: {  	[sflag:s0] =	ssyncadd.tile.s32 @!p0 $0x1;
	_ =	shalt  }
.Lfunc_end2:
_tile_overlayer_lowered:
.L_overlay_start_2:
0x87: {  	(tag) =	ssettag $0x2  }
0x88: {  	s0 =	rddreg [dreg:$0x0];
	s2 =	stileid.u32  }
0x89: {  	s1 =	rddreg [dreg:$0x1];
	p0 =	sne.s32 s2, $0x0  }
0x8a: {  	s3 =	rddreg [dreg:$0x2];
	[bflag:$0x3] =	sbarrier.arrive $0xFFFF;
	s2 =	simm.s32 @!p0 $0x1C0D  }
0x8b: {  	[timem:s3], [sflag:s2] =	dma.local @!p0 [hbm:s0], s1  }
0x8c: {  	s0 =	simm.s32 @!p0 $0xD  }
0x8d: {  	_ =	swait.ge @!p0 [sflag:s0], s1  }
0x8e: {  	s1 =	ssub.s32 @!p0 $0x0, s1;
	[sflag:s0] =	ssyncset.done @!p0 $0x0  }
0x8f: {  	[sflag:s0] =	ssyncadd.s32 @!p0 s1  }
0x90: {  	[bflag:$0x3] =	sbarrier.arrive $0xFFFF  }
0x91: {  	_ =	shalt  }

// kernel: kernel.14.cloned.1.call-start
scs
__scs_entry_jumppad:
0x0: {  	(pc) =	sbr.rel $0x88, $3  }
0x1: {  	(tag) =	ssettag $0x0;
	lr =	simm.s32 $0x1  }
0x2: {  	[smem:$0x3F99] =	sst lr;
	_ =	strace $0xD0000000  }
0x3: {  	_ = 	snop  }
0x4: {  	_ = 	snop  }
0x5: {  	_ = 	snop  }
0x6: {  	_ = 	snop  }
0x7: {  	_ = 	snop  }
__scs_overlays_trampoline_lowered:
0x8: {  	[smem:$0x3FA8] =	sst s0  }
0x9: {  	[smem:$0x3FA9] =	sst s1  }
0xa: {  	[smem:$0x3FAA] =	sst s2  }
0xb: {  	[smem:$0x3FAB] =	sst s3  }
0xc: {  	[smem:$0x3FAC] =	sst s4  }
0xd: {  	[smem:$0x3FAD] =	sst s5  }
0xe: {  	[smem:$0x3FAE] =	sst s6  }
0xf: {  	[smem:$0x3FAF] =	sst s7  }
0x10: {  	[smem:$0x3FB0] =	sst s8  }
0x11: {  	[smem:$0x3FB1] =	sst s9;
	s0 =	simm.s32 @!p0 $0x0  }
0x12: {  	s1 =	sld [smem:$0x3F97];
	s0 =	simm.s32 @p0 $0x1  }
0x13: {  	[smem:$0x3FB2] =	sst s0;
	s0 =	simm.s32 @!p1 $0x0  }
0x14: {  	s2 =	sld [smem:$0x3F96];
	s0 =	simm.s32 @p1 $0x1  }
0x15: {  	[smem:$0x3FB3] =	sst s0;
	s0 =	simm.s32 @!p2 $0x0  }
0x16: {  	s3 =	sld [smem:$0x3FDB];
	s0 =	simm.s32 @p2 $0x1  }
0x17: {  	s4 =	simm.s32 $0x1BF5;
	[smem:$0x3FB5] =	sst s0  }
0x18: {  	s0 =	sld [smem:$0x3F98];
	_ =	swait.ge [sflag:s4], $0x0  }
0x19: {  	s7 =	sld [smem:$0x3F99]  }
0x1a: {  	s8 =	sadd.s32 $0xFFFFE003, lr  }
0x1b: {  	s9 =	sadd.s32 $0xFFFFFEF7, lr;
	s5 =	simm.s32 $0xFFFFFFFF;
	p2 =	slt.u32 s8, $0xFFFFF086  }
0x1c: {  	p1 =	slt.u32 s9, $0xF7A;
	s5 =	simm.s32 @!p2 $0x0  }
0x1d: {  	s5 =	simm.s32 @p1 $0x1;
	p0 =	seq.s32 s7, s2  }
0x1e: {  	s7 =	smul.u32 @!p0 $0xF7A, s2;
	p2 =	seq.s32 @!p0 s5, $0x0  }
0x1f: {  	s9 =	smul.u32 $0xF7A, s1;
	s8 =	simm.s32 @!p0 $0x1BF5;
	p2 =	por !p2, p0  }
0x20: {  	[sflag:s8] =	ssyncset.s32 @!p0 $0xFFFFF086;
	s6 =	sadd.s32 @!p0 s3, s7;
	s7 =	simm.s32 @!p0 $0x108  }
0x21: {  	s3 =	sadd.s32 s3, s9;
	s6 =	sadd.s32 @!p0 $0x88, s6;
	s7 =	simm.s32 @p2 $0x1082  }
0x22: {  	[simem:s7], [sflag:s8] =	dma.local @!p0 [hbm:s6], $0xF7A  }
0x23: {  	s9 =	sor.u32 $0xD0000000, s2;
	s6 =	simm.s32 $0x108;
	_ =	swait.ge @!p0 [sflag:s8], $0x0  }
0x24: {  	s3 =	sadd.s32 $0x88, s3;
	s6 =	simm.s32 @!p1 $0x1082;
	[sflag:s4] =	ssyncset.s32 $0xFFFFF086  }
0x25: {  	[simem:s6], [sflag:s4] =	dma.local [hbm:s3], $0xF7A  }
0x26: {  	[smem:$0x3F99] =	sst s1;
	(tag) =	ssettag s2;
	_ =	strace s9  }
0x27: {  	s1 =	sld [smem:$0x3FA9]  }
0x28: {  	s2 =	sld [smem:$0x3FAA]  }
0x29: {  	s4 =	sld [smem:$0x3FAC]  }
0x2a: {  	p0 =	seq.s32 s5, $0x0;
	s5 =	sld [smem:$0x3FAD]  }
0x2b: {  	s6 =	sld [smem:$0x3FAE]  }
0x2c: {  	s7 =	sld [smem:$0x3FAF]  }
0x2d: {  	s3 =	simm.s32 $0x108;
	s8 =	sld [smem:$0x3FB0]  }
0x2e: {  	s3 =	simm.s32 @!p0 $0x1082;
	s9 =	sld [smem:$0x3FB1]  }
0x2f: {  	lr =	sadd.s32 s0, s3;
	s0 =	sld [smem:$0x3FA8]  }
0x30: {  	s3 =	sld [smem:$0x3FAB]  }
0x31: {  	[smem:$0x3FB4] =	sst s10  }
0x32: {  	s10 =	sld [smem:$0x3FB2];
	_ =	sdelay $0x3  }
0x33: {  	p0 =	seq.s32 s10, $0x1;
	s10 =	sld [smem:$0x3FB4];
	_ =	sdelay $0x3  }
0x34: {  	[smem:$0x3FB4] =	sst s10  }
0x35: {  	s10 =	sld [smem:$0x3FB3];
	_ =	sdelay $0x3  }
0x36: {  	p1 =	seq.s32 s10, $0x1;
	s10 =	sld [smem:$0x3FB4];
	_ =	sdelay $0x3  }
0x37: {  	[smem:$0x3FB4] =	sst s10  }
0x38: {  	s10 =	sld [smem:$0x3FB5]  }
0x39: {  	_ = 	snop;
	(pc) =	sbr.ind lr, $3  }
0x3a: {  	_ = 	snop  }
0x3b: {  	_ = 	snop  }
0x3c: {  	p2 =	seq.s32 s10, $0x1;
	s10 =	sld [smem:$0x3FB4]  }
0x3d: {  	_ =	shalt  }
0x3e: {  	_ =	shalt  }
0x3f: {  	_ =	shalt  }
0x40: {  	_ =	shalt  }
0x41: {  	_ =	shalt  }
0x42: {  	_ =	shalt  }
0x43: {  	_ =	shalt  }
0x44: {  	_ =	shalt  }
0x45: {  	_ =	shalt  }
0x46: {  	_ =	shalt  }
0x47: {  	_ =	shalt  }
0x48: {  	_ =	shalt  }
0x49: {  	_ =	shalt  }
0x4a: {  	_ =	shalt  }
0x4b: {  	_ =	shalt  }
0x4c: {  	_ =	shalt  }
0x4d: {  	_ =	shalt  }
0x4e: {  	_ =	shalt  }
0x4f: {  	_ =	shalt  }
0x50: {  	_ =	shalt  }
0x51: {  	_ =	shalt  }
0x52: {  	_ =	shalt  }
0x53: {  	_ =	shalt  }
0x54: {  	_ =	shalt  }
0x55: {  	_ =	shalt  }
0x56: {  	_ =	shalt  }
0x57: {  	_ =	shalt  }
0x58: {  	_ =	shalt  }
0x59: {  	_ =	shalt  }
0x5a: {  	_ =	shalt  }
0x5b: {  	_ =	shalt  }
0x5c: {  	_ =	shalt  }
0x5d: {  	_ =	shalt  }
0x5e: {  	_ =	shalt  }
0x5f: {  	_ =	shalt  }
0x60: {  	_ =	shalt  }
0x61: {  	_ =	shalt  }
0x62: {  	_ =	shalt  }
0x63: {  	_ =	shalt  }
0x64: {  	_ =	shalt  }
0x65: {  	_ =	shalt  }
0x66: {  	_ =	shalt  }
0x67: {  	_ =	shalt  }
0x68: {  	_ =	shalt  }
0x69: {  	_ =	shalt  }
0x6a: {  	_ =	shalt  }
0x6b: {  	_ =	shalt  }
0x6c: {  	_ =	shalt  }
0x6d: {  	_ =	shalt  }
0x6e: {  	_ =	shalt  }
0x6f: {  	_ =	shalt  }
0x70: {  	_ =	shalt  }
0x71: {  	_ =	shalt  }
0x72: {  	_ =	shalt  }
0x73: {  	_ =	shalt  }
0x74: {  	_ =	shalt  }
0x75: {  	_ =	shalt  }
0x76: {  	_ =	shalt  }
0x77: {  	_ =	shalt  }
0x78: {  	_ =	shalt  }
0x79: {  	_ =	shalt  }
0x7a: {  	_ =	shalt  }
0x7b: {  	_ =	shalt  }
0x7c: {  	_ =	shalt  }
0x7d: {  	_ =	shalt  }
0x7e: {  	_ =	shalt  }
0x7f: {  	_ =	shalt  }
0x80: {  	_ =	shalt  }
0x81: {  	_ =	shalt  }
0x82: {  	_ =	shalt  }
0x83: {  	_ =	shalt  }
0x84: {  	_ =	shalt  }
0x85: {  	_ =	shalt  }
0x86: {  	_ =	shalt  }
0x87: {  	_ =	shalt  }
.Lfunc_end0:
.L_simem_size_0:
called_computation.2_lowered:
.L_overlay_start_0:
0x88: {  	s2 =	sld [smem:$0x3FD9]  }
0x89: {  	s3 =	sld [smem:$0x3FFE];
	_ =	sdelay $0x1  }
0x8a: {  	s1 =	srdreg.scid  }
0x8b: {  	s0 =	sand.u32 $0x1, s1  }
0x8c: {  	s17 =	sshll.u32 s0, $0xA;
	s2 =	sadd.s32 s3, s2  }
0x8d: {  	s2 =	sadd.s32 s2, s17  }
0x8e: {  	[smem:$0x3FC0] =	sst s2  }
0x8f: {  	_ = 	snop  }
0x90: {  	s2 =	sld [smem:$0x3FD0];
	(tm) =	ssettm $0x1  }
0x91: {  	s18 =	sld [smem:$0x3FFB];
	_ =	sdelay $0x3  }
0x92: {  	_ =	strace s18  }
0x93: {  	s3 =	sld [smem:$0x3FFC];
	_ =	sdelay $0x3  }
0x94: {  	_ =	strace s3  }
0x95: {  	s3 =	sld [smem:$0x3FFD];
	_ =	sdelay $0x3  }
0x96: {  	_ =	strace s3  }
0x97: {  	_ =	strace $0x8FFFFFFF  }
0x98: {  	s19 =	sld [smem:$0x3FDB];
	_ =	sdelay $0x1  }
0x99: {  	s4 =	simm.s32 $_scs_section_size  }
0x9a: {  	s5 =	simm.s32 $_size__tile_overlayer_lowered;
	s6 =	simm.s32 $_tile_overlayer_lowered  }
0x9b: {  	s22 =	simm.s32 $0x1BFF;
	s21 =	sshll.u32 s6, $0x1;
	s3 =	sadd.s32 s4, s19  }
0x9c: {  	s7 =	simm.s32 $0x0;
	s20 =	sshll.u32 s5, $0x1;
	s5 =	sadd.s32 s21, s3  }
0x9d: {  	[timem:s7], [sflag:s22] =	dma.local [hbm:s5], s20  }
0x9e: {  	_ =	swait.ge [sflag:s22], s20  }
0x9f: {  	s4 =	ssub.s32 $0x0, s20;
	[sflag:s22] =	ssyncset.done $0x0  }
0xa0: {  	[sflag:s22] =	ssyncadd.s32 s4;
	_ =	sdelay $0x1  }
0xa1: {  	s23 =	simm.s32 $0x1B8B  }
0xa2: {  	_ =	swait.ge [sflag:s23], $0x1  }
0xa3: {  	[sflag:s23] =	ssyncset.done $0x0  }
0xa4: {  	s25 =	simm.s32 $0x1B8E;
	s24 =	sld [smem:$0x3FFE];
	[sflag:s23] =	ssyncadd.s32 $0xFFFFFFFF  }
0xa5: {  	s26 =	simm.s32 $execute0_lowered;
	[smem:$0x3FD2] =	sst s25  }
0xa6: {  	s5 =	sshll.u32 s26, $0x1;
	_ =	strace $0x8000004C;
	[dreg:$0x1] =	wrdreg $0xFFFFFFFF  }
0xa7: {  	s28 =	simm.s32 $_size_execute0_lowered;
	s3 =	sadd.s32 s3, s5;
	[dreg:$0x0] =	wrdreg $0x0  }
0xa8: {  	s5 =	sshll.u32 s28, $0x1;
	[dreg:$0x2] =	wrdreg s3  }
0xa9: {  	[dreg:$0x3] =	wrdreg s5  }
0xaa: {  	[dreg:$0x4] =	wrdreg $0xC0  }
0xab: {  	_ =	task [dreg:s7], $0x5FFFF  }
0xac: {  	[dreg:$0x1] =	wrdreg $0xFFFFFFFF  }
0xad: {  	[dreg:$0x0] =	wrdreg $0x60  }
0xae: {  	[dreg:$0x2] =	wrdreg s24  }
0xaf: {  	[dreg:$0x3] =	wrdreg s2  }
0xb0: {  	[dreg:$0x4] =	wrdreg $0x0  }
0xb1: {  	[dreg:$0x5] =	wrdreg $0x9  }
0xb2: {  	_ =	task.clear_ibuf [dreg:s7], $0x6FFFF;
	_ =	strace $0x9000004C  }
0xb3: {  	s29 =	simm.s32 $0x9;
	_ =	strace $0x8000004E  }
0xb4: {  	_ =	swait.ge [sflag:s29], $0x1  }
0xb5: {  	[sflag:s29] =	ssyncadd.s32 $0xFFFFFFFF  }
0xb6: {  	_ =	strace $0x9000004E  }
0xb7: {  	_ =	sfence  }
0xb8: {  	s30 =	sld [smem:$0x0];
	_ =	sdelay $0x2  }
0xb9: {  	s31 =	sshll.u32 s1, $0xD;
	s1 =	sshrl.u32 s1, $0x2  }
0xba: {  	s3 =	sand.u32 $0x4000, s31;
	s1 =	sadd.s32 s1, s30  }
0xbb: {  	s0 =	sor.u32 s3, s0;
	s1 =	sshll.u32 s1, $0x11  }
0xbc: {  	s0 =	sor.u32 s1, s0  }
0xbd: {  	s0 =	sadd.s32 $0x8F2B, s0  }
0xbe: {  	[sflag:s0] =	ssyncadd.remote.s32 $0x1  }
0xbf: {  	_ =	sfence.sel $0xFFFF  }
0xc0: {  	[dreg:$0x0] =	wrdreg $0xFFFFFFFF;
	(pc) =	sbr.abs _section_cstart, $3  }
0xc1: {  	[dreg:$0x1] =	wrdreg $0xFFFFFFFF  }
0xc2: {  	_ =	task.clear_ibuf [dreg:s7], $0x2FFFF;
	_ =	strace $0x9FFFFFFF  }
0xc3: {  	(tm) =	ssettm $0x7FFFFFFF  }
tec
execute0_lowered:
.L_overlay_start_1:
0x0: {  	(tag) =	ssettag $0x1  }
0x1: {  	s0 =	rddreg [dreg:$0x0]  }
0x2: {  	s1 =	rddreg [dreg:$0x1]  }
0x3: {  	s2 =	rddreg [dreg:$0x2]  }
0x4: {  	s3 =	srdreg.scid;
	s4 =	simm.s32 $0x0;
	s13 =	stileid.u32  }
0x5: {  	s29 =	simm.s32 $0x2;
	s30 =	simm.s32 $0x17700;
	s7 =	smul.u32 $0x13C00, s13  }
0x6: {  	s31 =	simm.s32 $0x13D00;
	s3 =	sand.u32 $0x1, s3;
	s11 =	smul.u32 $0x4F000, s13  }
0x7: {  	[smem:$0x7FF] =	sst s4;
	s5 =	sadd.s32 $0x34A00, s0;
	s18 =	smul.u32 $0x2780, s13  }
0x8: {  	s8 =	sadd.s32 $0xD200, s0;
	s12 =	smul.u32 $0x2D00, s13;
	s21 =	sshll.u32 s13, $0x6  }
0x9: {  	s6 =	smul.u32 $0x13C000, s3;
	_ =	strace $0x8000004D;
	s9 =	sshll.u32 s3, $0x4  }
0xa: {  	s10 =	ssub.s32 $0x2, s3;
	p0 =	seq.s32 s3, $0x1;
	s3 =	smul.u32 $0x2D000, s3  }
0xb: {  	s9 =	sor.u32 s13, s9;
	s17 =	sshrl.u32 s10, $0x1;
	s11 =	sshrl.u32 s11, $0x2  }
0xc: {  	s13 =	simm.s32 $0x13E80;
	s7 =	sadd.s32 s7, s6;
	s6 =	sadd.s32 $0x1E00, s0  }
0xd: {  	s9 =	smul.u32 $0x2D00, s9;
	s11 =	sadd.s32 s11, s2;
	s3 =	sadd.s32 s12, s3  }
0xe: {  	s12 =	simm.s32 $0x5;
	s7 =	sshrl.u32 s7, $0x3;
	s22 =	sadd.s32 $0x280, s3  }
0xf: {  	s24 =	sadd.s32 $0x180, s3;
	s25 =	sadd.s32 $0x100, s3;
	s26 =	sadd.s32 $0x200, s3  }
0x10: {  	s3 =	sor.u32 $0x80, s3;
	s0 =	sadd.s32 s7, s0;
	s7 =	ssub.s32 s10, s17  }
0x11: {  	s9 =	sshrl.u32 s9, $0x3;
	s23 =	sshrl.u32 s22, $0x3;
	[dreg:$0xc] =	wrdreg s24  }
0x12: {  	s28 =	sshrl.u32 s26, $0x3;
	s3 =	sshrl.u32 s3, $0x3;
	s24 =	simm.s32 $0x13D80  }
0x13: {  	s26 =	simm.s32 $0x70;
	s10 =	simm.s32 $0x13E00;
	s22 =	simm.s32 $0x6  }
0x14: {  	s14 =	sadd.s32 s1, s9;
	s9 =	sadd.s32 s6, s9;
	s0 =	sadd.s32 $0x5C200, s0  }
0x15: {  	s20 =	smax.u32 s7, $0x1;
	s16 =	sadd.s32 s23, s1;
	[dreg:$0x6] =	wrdreg s9  }
0x16: {  	s7 =	simm.s32 $0xA;
	s23 =	simm.s32 $0x0;
	[dreg:$0x4] =	wrdreg s14  }
0x17: {  	s15 =	sadd.s32 $0x10, s14;
	s19 =	sadd.s32 $0x20, s14;
	[dreg:$0x8] =	wrdreg s0  }
0x18: {  	[dreg:$0x9] =	wrdreg s20;
	s0 =	smov.u32 s5;
	s14 =	sor.u32 $0x1C0D, s21  }
0x19: {  	s20 =	sshrl.u32 s11, $0x3;
	s21 =	simm.s32 $0xD;
	[dreg:$0x5] =	wrdreg s15  }
0x1a: {  	s9 =	simm.s32 $0x1AF00;
	s11 =	simm.s32 $0x8;
	[dreg:$0x7] =	wrdreg s19  }
.Ltmp0:
0x1b: {  	s0 =	smov.u32 @p0 s8;
	s19 =	sadd.s32 s3, s6;
	(pc) =	sbr.rel .LBB2_1-.Ltmp0, $4  }
0x1c: {  	s3 =	simm.s32 $0x4;
	s8 =	simm.s32 $0x3;
	[dreg:$0xb] =	wrdreg s14  }
0x1d: {  	s15 =	simm.s32 $0x9;
	[dreg:$0xd] =	wrdreg s20;
	s0 =	sadd.s32 s0, s18  }
0x1e: {  	s18 =	sadd.s32 s28, s1;
	[dreg:$0xa] =	wrdreg s0;
	s0 =	sshrl.u32 s25, $0x3  }
0x1f: {  	s25 =	simm.s32 $0xB;
	s17 =	sadd.s32 s0, s6;
	s0 =	simm.s32 $0x7  }
.LBB2_4:
0x20: {  	s1 =	simm.s32 $0xC  }
0x21: {  	_ =	swait.ge [sflag:s1], $0x3800  }
0x22: {  	[sflag:s1] =	ssyncset.done $0x0  }
0x23: {  	[sflag:s1] =	ssyncadd.s32 $0xFFFFC800  }
0x24: {  	[bflag:$0x0] =	sbarrier.arrive $0xFFFF  }
0x25: {  	s23 =	rddreg [dreg:$0x8]  }
0x26: {  	s14 =	rddreg [dreg:$0xb]  }
0x27: {  	s21 =	simm.s32 $0xD;
	s20 =	rddreg [dreg:$0xd]  }
0x28: {  	[hbm:s23], [sflag:s14] =	dma.local [spmem:s20], $0x2780  }
0x29: {  	_ =	swait.ge [sflag:s21], $0x2780  }
0x2a: {  	s23 =	rddreg [dreg:$0xe]  }
0x2b: {  	s28 =	rddreg [dreg:$0x9];
	s23 =	sadd.s32 $0x1, s23  }
0x2c: {  	p0 =	sne.s32 s23, s28  }
.Ltmp1:
0x2d: {  	_ = 	snop;
	(pc) =	sbr.rel @!p0 .LBB2_5-.Ltmp1, $3  }
0x2e: {  	_ =	sdelay $0x1  }
0x2f: {  	[sflag:s21] =	ssyncset.done $0x0  }
0x30: {  	[sflag:s21] =	ssyncadd.s32 $0xFFFFD880  }
.LBB2_1:
0x31: {  	[dreg:$0xe] =	wrdreg s23  }
0x32: {  	s1 =	rddreg [dreg:$0xa]  }
0x33: {  	[spmem:s20], [sflag:s14] =	dma.local [hbm:s1], $0x2780  }
0x34: {  	_ =	swait.ge [sflag:s21], $0x2780  }
0x35: {  	[sflag:s21] =	ssyncset.done $0x0  }
0x36: {  	[sflag:s21] =	ssyncadd.s32 $0xFFFFD880  }
0x37: {  	[bflag:$0x0] =	sbarrier.arrive $0xFFFF  }
0x38: {  	s14 =	simm.s32 $0x13C00;
	s21 =	rddreg [dreg:$0x4]  }
0x39: {  	[tilespmem:s14], [sflag:$0x1] =	stream.linear.gather [hbm4b:s21+s4], $0x80, $0x38;
	[tilespmem:$0x1E700] =	vst v63  }
0x3a: {  	s20 =	simm.s32 $0x13C80;
	s23 =	rddreg [dreg:$0x5]  }
0x3b: {  	[tilespmem:s20], [sflag:$0x2] =	stream.linear.gather [hbm4b:s23+s4], $0x80, $0x38;
	[tilespmem:$0x1E700] =	vst v63  }
0x3c: {  	s28 =	rddreg [dreg:$0x6];
	s21 =	simm.s32 $0x1  }
0x3d: {  	[tilespmem:s24], [sflag:$0x4] =	stream.linear.gather [hbm4b:s28+s4], $0x80, $0x38;
	[tilespmem:$0x1E700] =	vst v63  }
0x3e: {  	_ =	swait.ge [sflag:s21], $0x80  }
0x3f: {  	[sflag:s21] =	ssyncset.done $0x0  }
0x40: {  	s23 =	simm.s32 $0x13F00;
	[sflag:s21] =	ssyncadd.s32 $0xFFFFFF80  }
0x41: {  	[tilespmem:s23], [sflag:$0x7] =	stream.indirect.gather [hbm4b:s5+s26], $0x80, s14, s26, $0xb8;
	[tilespmem:$0x1E700] =	vst v63  }
0x42: {  	_ =	swait.ge [sflag:s29], $0x80  }
0x43: {  	[sflag:s29] =	ssyncset.done $0x0  }
0x44: {  	s28 =	rddreg [dreg:$0x7];
	[sflag:s29] =	ssyncadd.s32 $0xFFFFFF80  }
0x45: {  	[tilespmem:s30], [sflag:$0x8] =	stream.indirect.gather [hbm4b:s5+s26], $0x80, s20, s26, $0xb8;
	[tilespmem:$0x1E700] =	vst v63  }
0x46: {  	s21 =	rddreg [dreg:$0xc];
	s20 =	simm.s32 $0x0  }
0x47: {  	[tilespmem:s31], [sflag:$0x3] =	stream.linear.gather [hbm4b:s28+s4], $0x80, $0x38;
	[tilespmem:$0x1E700] =	vst v63  }
.LBB2_2:
0x48: {  	_ =	swait.ge [sflag:s0], $0x3800  }
0x49: {  	[sflag:s0] =	ssyncset.done $0x0  }
0x4a: {  	[sflag:s0] =	ssyncadd.s32 $0xFFFFC800  }
0x4b: {  	_ =	swait.ge [sflag:s3], $0x80  }
0x4c: {  	p0 =	seq.s32 s20, $0x0;
	[sflag:s3] =	ssyncset.done $0x0  }
0x4d: {  	s1 =	simm.s32 $0x13F00;
	s14 =	simm.s32 @!p0 $0xC;
	[sflag:s3] =	ssyncadd.s32 $0xFFFFFF80  }
0x4e: {  	[spmem:s2] =	stream.indirect.scatter.add.f32 [tilespmem:s1], [sflag:$0xA], $0x80, s24, s26, $0xb8;
	[tilespmem:$0x1E700] =	vst v63  }
0x4f: {  	_ =	swait.ge @!p0 [sflag:s14], $0x3800  }
0x50: {  	[sflag:s14] =	ssyncset.done @!p0 $0x0  }
0x51: {  	[sflag:s14] =	ssyncadd.s32 @!p0 $0xFFFFC800  }
0x52: {  	_ =	swait.ge [sflag:s8], $0x80  }
0x53: {  	[sflag:s8] =	ssyncset.done $0x0  }
0x54: {  	p0 =	seq.s32 s20, $0x570;
	[sflag:s8] =	ssyncadd.s32 $0xFFFFFF80  }
0x55: {  	[tilespmem:s9], [sflag:$0x9] =	stream.indirect.gather [hbm4b:s5+s26], $0x80, s31, s26, $0xb8;
	[tilespmem:$0x1E700] =	vst v63  }
0x56: {  	s14 =	sshrl.u32 @!p0 s21, $0x3;
	s1 =	rddreg [dreg:$0x1]  }
0x57: {  	s23 =	simm.s32 @!p0 $0x13C00;
	s14 =	sadd.s32 @!p0 s1, s14;
	s1 =	simm.s32 @!p0 $0x0  }
0x58: {  	[tilespmem:s23], [sflag:$0x1] =	stream.linear.gather @!p0 [hbm4b:s14+s1], $0x80, $0x38;
	[tilespmem:$0x1E700] =	vst v63  }
0x59: {  	s28 =	sadd.s32 s20, s19  }
0x5a: {  	[tilespmem:s10], [sflag:$0x5] =	stream.linear.gather [hbm4b:s28+s4], $0x80, $0x38;
	[tilespmem:$0x1E700] =	vst v63  }
0x5b: {  	_ =	swait.ge [sflag:s11], $0x3800  }
0x5c: {  	[sflag:s11] =	ssyncset.done $0x0  }
0x5d: {  	[sflag:s11] =	ssyncadd.s32 $0xFFFFC800  }
0x5e: {  	_ =	swait.ge [sflag:s12], $0x80  }
0x5f: {  	[sflag:s12] =	ssyncset.done $0x0  }
0x60: {  	[sflag:s12] =	ssyncadd.s32 $0xFFFFFF80  }
0x61: {  	[spmem:s2] =	stream.indirect.scatter.add.f32 [tilespmem:s30], [sflag:$0xB], $0x80, s10, s26, $0xb8;
	[tilespmem:$0x1E700] =	vst v63  }
0x62: {  	_ =	swait.ge [sflag:s7], $0x3800  }
0x63: {  	[sflag:s7] =	ssyncset.done $0x0  }
0x64: {  	s14 =	simm.s32 @!p0 $0x1;
	[sflag:s7] =	ssyncadd.s32 $0xFFFFC800  }
0x65: {  	_ =	swait.ge @!p0 [sflag:s14], $0x80  }
0x66: {  	[sflag:s14] =	ssyncset.done @!p0 $0x0  }
0x67: {  	s28 =	simm.s32 @!p0 $0x13F00;
	[sflag:s14] =	ssyncadd.s32 @!p0 $0xFFFFFF80;
	s14 =	simm.s32 @!p0 $0x70  }
0x68: {  	[tilespmem:s28], [sflag:$0x7] =	stream.indirect.gather @!p0 [hbm4b:s5+s14], $0x80, s23, s14, $0xb8;
	[tilespmem:$0x1E700] =	vst v63  }
0x69: {  	s14 =	sadd.s32 @!p0 s20, s18;
	s23 =	simm.s32 @!p0 $0x13C80  }
0x6a: {  	[tilespmem:s23], [sflag:$0x2] =	stream.linear.gather @!p0 [hbm4b:s14+s1], $0x80, $0x38;
	[tilespmem:$0x1E700] =	vst v63  }
0x6b: {  	s28 =	sadd.s32 s20, s17  }
0x6c: {  	[tilespmem:s13], [sflag:$0x6] =	stream.linear.gather [hbm4b:s28+s4], $0x80, $0x38;
	[tilespmem:$0x1E700] =	vst v63  }
0x6d: {  	_ =	swait.ge [sflag:s15], $0x3800  }
0x6e: {  	[sflag:s15] =	ssyncset.done $0x0  }
0x6f: {  	[sflag:s15] =	ssyncadd.s32 $0xFFFFC800  }
0x70: {  	_ =	swait.ge [sflag:s22], $0x80  }
0x71: {  	[sflag:s22] =	ssyncset.done $0x0  }
.Ltmp2:
0x72: {  	[sflag:s22] =	ssyncadd.s32 $0xFFFFFF80;
	(pc) =	sbr.rel @p0 .LBB2_4-.Ltmp2, $4  }
0x73: {  	[spmem:s2] =	stream.indirect.scatter.add.f32 [tilespmem:s9], [sflag:$0xC], $0x80, s13, s26, $0xb8;
	[tilespmem:$0x1E700] =	vst v63  }
0x74: {  	_ =	swait.ge [sflag:s25], $0x3800  }
0x75: {  	[sflag:s25] =	ssyncset.done $0x0  }
0x76: {  	[sflag:s25] =	ssyncadd.s32 $0xFFFFC800  }
0x77: {  	_ =	swait.ge [sflag:s29], $0x80  }
0x78: {  	[sflag:s29] =	ssyncset.done $0x0  }
0x79: {  	s1 =	simm.s32 $0x13C80;
	[sflag:s29] =	ssyncadd.s32 $0xFFFFFF80  }
0x7a: {  	[tilespmem:s30], [sflag:$0x8] =	stream.indirect.gather [hbm4b:s5+s26], $0x80, s1, s26, $0xb8;
	[tilespmem:$0x1E700] =	vst v63  }
.Ltmp3:
0x7b: {  	_ = 	snop;
	(pc) =	sbr.rel .LBB2_2-.Ltmp3, $4  }
0x7c: {  	s23 =	sadd.s32 s20, s16;
	s28 =	sshrl.u32 s21, $0x3  }
0x7d: {  	[tilespmem:s31], [sflag:$0x3] =	stream.linear.gather [hbm4b:s23+s4], $0x80, $0x38;
	[tilespmem:$0x1E700] =	vst v63  }
0x7e: {  	s21 =	sadd.s32 $0x180, s21;
	s20 =	sadd.s32 $0x30, s20;
	s1 =	sadd.s32 s6, s28  }
0x7f: {  	[tilespmem:s24], [sflag:$0x4] =	stream.linear.gather [hbm4b:s1+s4], $0x80, $0x38;
	[tilespmem:$0x1E700] =	vst v63  }
.LBB2_5:
0x80: {  	_ =	sfence.sel $0x180000  }
0x81: {  	[bflag:$0x0] =	sbarrier.arrive $0xFFFF  }
0x82: {  	_ =	strace $0x9000004D  }
0x83: {  	s0 =	stileid.u32;
	[bflag:$0x2] =	sbarrier.arrive $0xFFFF  }
0x84: {  	p0 =	sne.s32 s0, $0x0;
	s0 =	rddreg [dreg:$0x3]  }
0x85: {  	s0 =	sadd.s32 @!p0 $0x100000, s0  }
0x86: {  	[sflag:s0] =	ssyncadd.tile.s32 @!p0 $0x1;
	_ =	shalt  }
.Lfunc_end2:
_tile_overlayer_lowered:
.L_overlay_start_2:
0x87: {  	(tag) =	ssettag $0x2  }
0x88: {  	s0 =	rddreg [dreg:$0x0];
	s2 =	stileid.u32  }
0x89: {  	s1 =	rddreg [dreg:$0x1];
	p0 =	sne.s32 s2, $0x0  }
0x8a: {  	s3 =	rddreg [dreg:$0x2];
	[bflag:$0x3] =	sbarrier.arrive $0xFFFF;
	s2 =	simm.s32 @!p0 $0x1C0D  }
0x8b: {  	[timem:s3], [sflag:s2] =	dma.local @!p0 [hbm:s0], s1  }
0x8c: {  	s0 =	simm.s32 @!p0 $0xD  }
0x8d: {  	_ =	swait.ge @!p0 [sflag:s0], s1  }
0x8e: {  	s1 =	ssub.s32 @!p0 $0x0, s1;
	[sflag:s0] =	ssyncset.done @!p0 $0x0  }
0x8f: {  	[sflag:s0] =	ssyncadd.s32 @!p0 s1  }
0x90: {  	[bflag:$0x3] =	sbarrier.arrive $0xFFFF  }
0x91: {  	_ =	shalt  }

// kernel: kernel.8.cloned.1.call-start
scs
__scs_entry_jumppad:
0x0: {  	(pc) =	sbr.rel $0x88, $3  }
0x1: {  	(tag) =	ssettag $0x0;
	lr =	simm.s32 $0x1  }
0x2: {  	[smem:$0x3F99] =	sst lr;
	_ =	strace $0xD0000000  }
0x3: {  	_ = 	snop  }
0x4: {  	_ = 	snop  }
0x5: {  	_ = 	snop  }
0x6: {  	_ = 	snop  }
0x7: {  	_ = 	snop  }
__scs_overlays_trampoline_lowered:
0x8: {  	[smem:$0x3FA8] =	sst s0  }
0x9: {  	[smem:$0x3FA9] =	sst s1  }
0xa: {  	[smem:$0x3FAA] =	sst s2  }
0xb: {  	[smem:$0x3FAB] =	sst s3  }
0xc: {  	[smem:$0x3FAC] =	sst s4  }
0xd: {  	[smem:$0x3FAD] =	sst s5  }
0xe: {  	[smem:$0x3FAE] =	sst s6  }
0xf: {  	[smem:$0x3FAF] =	sst s7  }
0x10: {  	[smem:$0x3FB0] =	sst s8  }
0x11: {  	[smem:$0x3FB1] =	sst s9;
	s0 =	simm.s32 @!p0 $0x0  }
0x12: {  	s1 =	sld [smem:$0x3F97];
	s0 =	simm.s32 @p0 $0x1  }
0x13: {  	[smem:$0x3FB2] =	sst s0;
	s0 =	simm.s32 @!p1 $0x0  }
0x14: {  	s2 =	sld [smem:$0x3F96];
	s0 =	simm.s32 @p1 $0x1  }
0x15: {  	[smem:$0x3FB3] =	sst s0;
	s0 =	simm.s32 @!p2 $0x0  }
0x16: {  	s3 =	sld [smem:$0x3FDB];
	s0 =	simm.s32 @p2 $0x1  }
0x17: {  	s4 =	simm.s32 $0x1BF5;
	[smem:$0x3FB5] =	sst s0  }
0x18: {  	s0 =	sld [smem:$0x3F98];
	_ =	swait.ge [sflag:s4], $0x0  }
0x19: {  	s7 =	sld [smem:$0x3F99]  }
0x1a: {  	s8 =	sadd.s32 $0xFFFFE003, lr  }
0x1b: {  	s9 =	sadd.s32 $0xFFFFFEF7, lr;
	s5 =	simm.s32 $0xFFFFFFFF;
	p2 =	slt.u32 s8, $0xFFFFF086  }
0x1c: {  	p1 =	slt.u32 s9, $0xF7A;
	s5 =	simm.s32 @!p2 $0x0  }
0x1d: {  	s5 =	simm.s32 @p1 $0x1;
	p0 =	seq.s32 s7, s2  }
0x1e: {  	s7 =	smul.u32 @!p0 $0xF7A, s2;
	p2 =	seq.s32 @!p0 s5, $0x0  }
0x1f: {  	s9 =	smul.u32 $0xF7A, s1;
	s8 =	simm.s32 @!p0 $0x1BF5;
	p2 =	por !p2, p0  }
0x20: {  	[sflag:s8] =	ssyncset.s32 @!p0 $0xFFFFF086;
	s6 =	sadd.s32 @!p0 s3, s7;
	s7 =	simm.s32 @!p0 $0x108  }
0x21: {  	s3 =	sadd.s32 s3, s9;
	s6 =	sadd.s32 @!p0 $0x88, s6;
	s7 =	simm.s32 @p2 $0x1082  }
0x22: {  	[simem:s7], [sflag:s8] =	dma.local @!p0 [hbm:s6], $0xF7A  }
0x23: {  	s9 =	sor.u32 $0xD0000000, s2;
	s6 =	simm.s32 $0x108;
	_ =	swait.ge @!p0 [sflag:s8], $0x0  }
0x24: {  	s3 =	sadd.s32 $0x88, s3;
	s6 =	simm.s32 @!p1 $0x1082;
	[sflag:s4] =	ssyncset.s32 $0xFFFFF086  }
0x25: {  	[simem:s6], [sflag:s4] =	dma.local [hbm:s3], $0xF7A  }
0x26: {  	[smem:$0x3F99] =	sst s1;
	(tag) =	ssettag s2;
	_ =	strace s9  }
0x27: {  	s1 =	sld [smem:$0x3FA9]  }
0x28: {  	s2 =	sld [smem:$0x3FAA]  }
0x29: {  	s4 =	sld [smem:$0x3FAC]  }
0x2a: {  	p0 =	seq.s32 s5, $0x0;
	s5 =	sld [smem:$0x3FAD]  }
0x2b: {  	s6 =	sld [smem:$0x3FAE]  }
0x2c: {  	s7 =	sld [smem:$0x3FAF]  }
0x2d: {  	s3 =	simm.s32 $0x108;
	s8 =	sld [smem:$0x3FB0]  }
0x2e: {  	s3 =	simm.s32 @!p0 $0x1082;
	s9 =	sld [smem:$0x3FB1]  }
0x2f: {  	lr =	sadd.s32 s0, s3;
	s0 =	sld [smem:$0x3FA8]  }
0x30: {  	s3 =	sld [smem:$0x3FAB]  }
0x31: {  	[smem:$0x3FB4] =	sst s10  }
0x32: {  	s10 =	sld [smem:$0x3FB2];
	_ =	sdelay $0x3  }
0x33: {  	p0 =	seq.s32 s10, $0x1;
	s10 =	sld [smem:$0x3FB4];
	_ =	sdelay $0x3  }
0x34: {  	[smem:$0x3FB4] =	sst s10  }
0x35: {  	s10 =	sld [smem:$0x3FB3];
	_ =	sdelay $0x3  }
0x36: {  	p1 =	seq.s32 s10, $0x1;
	s10 =	sld [smem:$0x3FB4];
	_ =	sdelay $0x3  }
0x37: {  	[smem:$0x3FB4] =	sst s10  }
0x38: {  	s10 =	sld [smem:$0x3FB5]  }
0x39: {  	_ = 	snop;
	(pc) =	sbr.ind lr, $3  }
0x3a: {  	_ = 	snop  }
0x3b: {  	_ = 	snop  }
0x3c: {  	p2 =	seq.s32 s10, $0x1;
	s10 =	sld [smem:$0x3FB4]  }
0x3d: {  	_ =	shalt  }
0x3e: {  	_ =	shalt  }
0x3f: {  	_ =	shalt  }
0x40: {  	_ =	shalt  }
0x41: {  	_ =	shalt  }
0x42: {  	_ =	shalt  }
0x43: {  	_ =	shalt  }
0x44: {  	_ =	shalt  }
0x45: {  	_ =	shalt  }
0x46: {  	_ =	shalt  }
0x47: {  	_ =	shalt  }
0x48: {  	_ =	shalt  }
0x49: {  	_ =	shalt  }
0x4a: {  	_ =	shalt  }
0x4b: {  	_ =	shalt  }
0x4c: {  	_ =	shalt  }
0x4d: {  	_ =	shalt  }
0x4e: {  	_ =	shalt  }
0x4f: {  	_ =	shalt  }
0x50: {  	_ =	shalt  }
0x51: {  	_ =	shalt  }
0x52: {  	_ =	shalt  }
0x53: {  	_ =	shalt  }
0x54: {  	_ =	shalt  }
0x55: {  	_ =	shalt  }
0x56: {  	_ =	shalt  }
0x57: {  	_ =	shalt  }
0x58: {  	_ =	shalt  }
0x59: {  	_ =	shalt  }
0x5a: {  	_ =	shalt  }
0x5b: {  	_ =	shalt  }
0x5c: {  	_ =	shalt  }
0x5d: {  	_ =	shalt  }
0x5e: {  	_ =	shalt  }
0x5f: {  	_ =	shalt  }
0x60: {  	_ =	shalt  }
0x61: {  	_ =	shalt  }
0x62: {  	_ =	shalt  }
0x63: {  	_ =	shalt  }
0x64: {  	_ =	shalt  }
0x65: {  	_ =	shalt  }
0x66: {  	_ =	shalt  }
0x67: {  	_ =	shalt  }
0x68: {  	_ =	shalt  }
0x69: {  	_ =	shalt  }
0x6a: {  	_ =	shalt  }
0x6b: {  	_ =	shalt  }
0x6c: {  	_ =	shalt  }
0x6d: {  	_ =	shalt  }
0x6e: {  	_ =	shalt  }
0x6f: {  	_ =	shalt  }
0x70: {  	_ =	shalt  }
0x71: {  	_ =	shalt  }
0x72: {  	_ =	shalt  }
0x73: {  	_ =	shalt  }
0x74: {  	_ =	shalt  }
0x75: {  	_ =	shalt  }
0x76: {  	_ =	shalt  }
0x77: {  	_ =	shalt  }
0x78: {  	_ =	shalt  }
0x79: {  	_ =	shalt  }
0x7a: {  	_ =	shalt  }
0x7b: {  	_ =	shalt  }
0x7c: {  	_ =	shalt  }
0x7d: {  	_ =	shalt  }
0x7e: {  	_ =	shalt  }
0x7f: {  	_ =	shalt  }
0x80: {  	_ =	shalt  }
0x81: {  	_ =	shalt  }
0x82: {  	_ =	shalt  }
0x83: {  	_ =	shalt  }
0x84: {  	_ =	shalt  }
0x85: {  	_ =	shalt  }
0x86: {  	_ =	shalt  }
0x87: {  	_ =	shalt  }
.Lfunc_end0:
.L_simem_size_0:
called_computation_lowered:
.L_overlay_start_0:
0x88: {  	s2 =	sld [smem:$0x3FD9]  }
0x89: {  	s3 =	sld [smem:$0x3FFE];
	_ =	sdelay $0x1  }
0x8a: {  	s1 =	srdreg.scid  }
0x8b: {  	s0 =	sand.u32 $0x1, s1  }
0x8c: {  	s17 =	sshll.u32 s0, $0xA;
	s2 =	sadd.s32 s3, s2  }
0x8d: {  	s2 =	sadd.s32 s2, s17  }
0x8e: {  	[smem:$0x3FC0] =	sst s2  }
0x8f: {  	_ = 	snop  }
0x90: {  	s2 =	sld [smem:$0x3FC9]  }
0x91: {  	s18 =	sld [smem:$0x3FD0];
	(tm) =	ssettm $0x1  }
0x92: {  	s4 =	sld [smem:$0x3FFB];
	_ =	sdelay $0x3  }
0x93: {  	_ =	strace s4  }
0x94: {  	s4 =	sld [smem:$0x3FFC];
	_ =	sdelay $0x3  }
0x95: {  	_ =	strace s4  }
0x96: {  	s4 =	sld [smem:$0x3FFD];
	_ =	sdelay $0x3  }
0x97: {  	_ =	strace s4  }
0x98: {  	_ =	strace $0x8FFFFFFF  }
0x99: {  	s19 =	sld [smem:$0x3FDB];
	_ =	sdelay $0x1  }
0x9a: {  	s5 =	simm.s32 $_scs_section_size  }
0x9b: {  	s6 =	simm.s32 $_size__tile_overlayer_lowered;
	s7 =	simm.s32 $_tile_overlayer_lowered  }
0x9c: {  	s22 =	simm.s32 $0x1BFF;
	s21 =	sshll.u32 s7, $0x1;
	s4 =	sadd.s32 s5, s19  }
0x9d: {  	s8 =	simm.s32 $0x0;
	s20 =	sshll.u32 s6, $0x1;
	s6 =	sadd.s32 s21, s4  }
0x9e: {  	[timem:s8], [sflag:s22] =	dma.local [hbm:s6], s20  }
0x9f: {  	_ =	swait.ge [sflag:s22], s20  }
0xa0: {  	s5 =	ssub.s32 $0x0, s20;
	[sflag:s22] =	ssyncset.done $0x0  }
0xa1: {  	[sflag:s22] =	ssyncadd.s32 s5;
	_ =	sdelay $0x1  }
0xa2: {  	s23 =	simm.s32 $0x1B8B  }
0xa3: {  	_ =	swait.ge [sflag:s23], $0x1  }
0xa4: {  	[sflag:s23] =	ssyncset.done $0x0  }
0xa5: {  	s25 =	simm.s32 $0x1B8E;
	s24 =	sld [smem:$0x3FFE];
	[sflag:s23] =	ssyncadd.s32 $0xFFFFFFFF  }
0xa6: {  	s26 =	simm.s32 $execute0_lowered;
	[smem:$0x3FD2] =	sst s25  }
0xa7: {  	s6 =	sshll.u32 s26, $0x1;
	_ =	strace $0x80000046;
	[dreg:$0x1] =	wrdreg $0xFFFFFFFF  }
0xa8: {  	s28 =	simm.s32 $_size_execute0_lowered;
	s4 =	sadd.s32 s4, s6;
	[dreg:$0x0] =	wrdreg $0x0  }
0xa9: {  	s6 =	sshll.u32 s28, $0x1;
	[dreg:$0x2] =	wrdreg s4  }
0xaa: {  	[dreg:$0x3] =	wrdreg s6  }
0xab: {  	[dreg:$0x4] =	wrdreg $0xC0  }
0xac: {  	_ =	task [dreg:s8], $0x5FFFF  }
0xad: {  	[dreg:$0x1] =	wrdreg $0xFFFFFFFF  }
0xae: {  	[dreg:$0x0] =	wrdreg $0x60  }
0xaf: {  	[dreg:$0x2] =	wrdreg s2  }
0xb0: {  	[dreg:$0x3] =	wrdreg s24  }
0xb1: {  	[dreg:$0x4] =	wrdreg s18  }
0xb2: {  	[dreg:$0x5] =	wrdreg $0x0  }
0xb3: {  	[dreg:$0x6] =	wrdreg $0x9  }
0xb4: {  	_ =	task.clear_ibuf [dreg:s8], $0x7FFFF;
	_ =	strace $0x90000046  }
0xb5: {  	s29 =	simm.s32 $0x9;
	_ =	strace $0x80000048  }
0xb6: {  	_ =	swait.ge [sflag:s29], $0x1  }
0xb7: {  	[sflag:s29] =	ssyncadd.s32 $0xFFFFFFFF  }
0xb8: {  	_ =	strace $0x90000048  }
0xb9: {  	_ =	sfence  }
0xba: {  	s30 =	sld [smem:$0x0];
	_ =	sdelay $0x2  }
0xbb: {  	s31 =	sshll.u32 s1, $0xD;
	s1 =	sshrl.u32 s1, $0x2  }
0xbc: {  	s3 =	sand.u32 $0x4000, s31;
	s1 =	sadd.s32 s1, s30  }
0xbd: {  	s0 =	sor.u32 s3, s0;
	s1 =	sshll.u32 s1, $0x11  }
0xbe: {  	s0 =	sor.u32 s1, s0  }
0xbf: {  	s0 =	sadd.s32 $0x8F2B, s0  }
0xc0: {  	[sflag:s0] =	ssyncadd.remote.s32 $0x1  }
0xc1: {  	_ =	sfence.sel $0xFFFF  }
0xc2: {  	[dreg:$0x0] =	wrdreg $0xFFFFFFFF;
	(pc) =	sbr.abs _section_cstart, $3  }
0xc3: {  	[dreg:$0x1] =	wrdreg $0xFFFFFFFF  }
0xc4: {  	_ =	task.clear_ibuf [dreg:s8], $0x2FFFF;
	_ =	strace $0x9FFFFFFF  }
0xc5: {  	(tm) =	ssettm $0x7FFFFFFF  }
tec
execute0_lowered:
.L_overlay_start_1:
0x0: {  	(tag) =	ssettag $0x1  }
0x1: {  	s0 =	rddreg [dreg:$0x0]  }
0x2: {  	s1 =	rddreg [dreg:$0x1]  }
0x3: {  	s3 =	rddreg [dreg:$0x2];
	s2 =	srdreg.scid  }
0x4: {  	s4 =	rddreg [dreg:$0x3];
	s26 =	stileid.u32  }
0x5: {  	s5 =	simm.s32 $0x0;
	s28 =	simm.s32 $0x13D80;
	s7 =	smul.u32 $0x13C00, s26  }
0x6: {  	s30 =	simm.s32 $0x70;
	s2 =	sand.u32 $0x1, s2;
	s8 =	smul.u32 $0x2780, s26  }
0x7: {  	[smem:$0x7FF] =	sst s5;
	s14 =	sadd.s32 $0x1E00, s1;
	s12 =	smul.u32 $0x4F000, s26  }
0x8: {  	s15 =	sadd.s32 $0x25080, s0;
	s6 =	smul.u32 $0x13C000, s2;
	_ =	strace $0x80000047  }
0x9: {  	s10 =	ssub.s32 $0x2, s2;
	s11 =	sshll.u32 s2, $0x4;
	s25 =	smul.u32 $0x2D000, s2  }
0xa: {  	[dreg:$0x8] =	wrdreg s15;
	p0 =	seq.s32 s2, $0x0;
	s15 =	simm.s32 $0x8  }
0xb: {  	s9 =	sadd.s32 s8, s1;
	s23 =	sshrl.u32 s10, $0x1;
	s11 =	sor.u32 s26, s11  }
0xc: {  	s24 =	sshrl.u32 s12, $0x2;
	s8 =	sadd.s32 s0, s8;
	p2 =	seq.s32 @p0 s26, $0xF  }
0xd: {  	s12 =	simm.s32 $0x3;
	s7 =	sadd.s32 s7, s6;
	s11 =	smul.u32 $0x2D00, s11  }
0xe: {  	s31 =	sadd.s32 s24, s4;
	s9 =	sadd.s32 $0xD200, s9;
	[dreg:$0x7] =	wrdreg s8  }
0xf: {  	s6 =	smul.u32 $0x2D00, s26;
	p1 =	por p2, !p0;
	p2 =	por !p2, !p0  }
0x10: {  	s7 =	sshrl.u32 s7, $0x3;
	[dreg:$0x6] =	wrdreg s9;
	s9 =	simm.s32 $0x7  }
0x11: {  	[dreg:$0x5] =	wrdreg s31;
	s1 =	sadd.s32 s7, s1;
	s7 =	ssub.s32 s10, s23  }
0x12: {  	s29 =	sshrl.u32 s11, $0x3;
	s11 =	sadd.s32 $0x128400, s4;
	s17 =	sadd.s32 s6, s25  }
0x13: {  	s6 =	smov.u32 s14;
	s10 =	simm.s32 $0x4;
	s16 =	sadd.s32 s3, s29  }
0x14: {  	s8 =	sadd.s32 s14, s29;
	s1 =	sadd.s32 $0x34A00, s1;
	s20 =	sadd.s32 $0x280, s17  }
0x15: {  	s7 =	smax.u32 s7, $0x1;
	s21 =	sadd.s32 $0x100, s17;
	s22 =	sadd.s32 $0x180, s17  }
0x16: {  	s24 =	sadd.s32 $0x200, s17;
	s25 =	sor.u32 $0x80, s17;
	[dreg:$0xb] =	wrdreg s8  }
0x17: {  	s2 =	sshrl.u32 @!p2 s11, $0x3;
	s11 =	simm.s32 $0xA;
	[dreg:$0x9] =	wrdreg s16  }
0x18: {  	s17 =	simm.s32 $0x13E80;
	s13 =	sadd.s32 $0x10, s16;
	[dreg:$0xd] =	wrdreg s1  }
0x19: {  	s19 =	sadd.s32 $0x20, s16;
	[dreg:$0xe] =	wrdreg s7;
	s1 =	sshrl.u32 s20, $0x3  }
0x1a: {  	[dreg:$0xf] =	wrdreg s22;
	s23 =	sshrl.u32 s21, $0x3;
	s29 =	sshrl.u32 s25, $0x3  }
0x1b: {  	[dreg:$0x10] =	wrdreg s2;
	s2 =	simm.s32 $0x17700;
	s8 =	simm.s32 $0x13D00  }
0x1c: {  	s16 =	simm.s32 $0x5;
	s22 =	simm.s32 $0x9;
	[dreg:$0xa] =	wrdreg s13  }
0x1d: {  	s25 =	simm.s32 $0x6;
	[dreg:$0xc] =	wrdreg s19;
	s18 =	sadd.s32 s1, s3  }
.Ltmp0:
0x1e: {  	s19 =	sadd.s32 s23, s14;
	s1 =	sshrl.u32 s24, $0x3;
	(pc) =	sbr.rel .LBB2_1-.Ltmp0, $4  }
0x1f: {  	s21 =	sadd.s32 s29, s14;
	s20 =	sadd.s32 s1, s3;
	s1 =	sshll.u32 @!p1 s26, $0x6  }
0x20: {  	s13 =	simm.s32 $0x1AF00;
	s14 =	simm.s32 $0x13E00;
	s1 =	sor.u32 @!p1 $0x1C0D, s1  }
0x21: {  	s23 =	simm.s32 $0xB;
	[dreg:$0x11] =	wrdreg s1;
	s1 =	sshrl.u32 @!p1 s31, $0x3  }
0x22: {  	s24 =	simm.s32 $0x0;
	[dreg:$0x12] =	wrdreg s1;
	s1 =	simm.s32 $0x2  }
.LBB2_4:
0x23: {  	s3 =	simm.s32 $0xC  }
0x24: {  	_ =	swait.ge [sflag:s3], $0x3800  }
0x25: {  	[sflag:s3] =	ssyncset.done $0x0  }
0x26: {  	[sflag:s3] =	ssyncadd.s32 $0xFFFFC800  }
0x27: {  	s26 =	stileid.u32;
	[bflag:$0x0] =	sbarrier.arrive $0xFFFF  }
0x28: {  	s29 =	sshll.u32 s26, $0x6;
	s31 =	rddreg [dreg:$0x5]  }
0x29: {  	s3 =	sor.u32 $0x1C0D, s29;
	s24 =	rddreg [dreg:$0xd];
	s7 =	sshrl.u32 s31, $0x3  }
0x2a: {  	[hbm:s24], [sflag:s3] =	dma.local [spmem:s7], $0x2780  }
0x2b: {  	s7 =	simm.s32 $0xD  }
0x2c: {  	_ =	swait.ge [sflag:s7], $0x2780  }
0x2d: {  	s3 =	rddreg [dreg:$0x13]  }
0x2e: {  	s29 =	rddreg [dreg:$0xe];
	s24 =	sadd.s32 $0x1, s3  }
0x2f: {  	p3 =	sne.s32 s24, s29  }
.Ltmp1:
0x30: {  	_ = 	snop;
	(pc) =	sbr.rel @!p3 .LBB2_5-.Ltmp1, $3  }
0x31: {  	_ =	sdelay $0x1  }
0x32: {  	[sflag:s7] =	ssyncset.done $0x0  }
0x33: {  	[sflag:s7] =	ssyncadd.s32 $0xFFFFD880  }
.LBB2_1:
0x34: {  	[dreg:$0x13] =	wrdreg s24  }
0x35: {  	s3 =	rddreg [dreg:$0x8]  }
0x36: {  	s24 =	simm.s32 @!p2 $0x1FCD;
	s7 =	rddreg [dreg:$0x10]  }
0x37: {  	[spmem:s7], [sflag:s24] =	dma.local @!p2 [hbm:s3], $0x2080  }
0x38: {  	s24 =	simm.s32 @!p2 $0xD  }
0x39: {  	_ =	swait.ge @!p2 [sflag:s24], $0x2080  }
0x3a: {  	s3 =	rddreg [dreg:$0x7]  }
0x3b: {  	[sflag:s24] =	ssyncset.done @!p2 $0x0;
	s7 =	rddreg [dreg:$0x11]  }
0x3c: {  	[sflag:s24] =	ssyncadd.s32 @!p2 $0xFFFFDF80;
	s24 =	rddreg [dreg:$0x12]  }
0x3d: {  	[spmem:s24], [sflag:s7] =	dma.local @!p1 [hbm:s3], $0x2780  }
0x3e: {  	s24 =	simm.s32 @!p1 $0xD  }
0x3f: {  	_ =	swait.ge @!p1 [sflag:s24], $0x2780  }
0x40: {  	s29 =	sshll.u32 @!p0 s26, $0x6;
	[sflag:s24] =	ssyncset.done @!p1 $0x0;
	s3 =	rddreg [dreg:$0x6]  }
0x41: {  	[sflag:s24] =	ssyncadd.s32 @!p1 $0xFFFFD880;
	s24 =	sor.u32 @!p0 $0x1C0D, s29;
	s29 =	sshrl.u32 @!p0 s31, $0x3  }
0x42: {  	[spmem:s29], [sflag:s24] =	dma.local @!p0 [hbm:s3], $0x2780  }
0x43: {  	s24 =	simm.s32 @!p0 $0xD  }
0x44: {  	_ =	swait.ge @!p0 [sflag:s24], $0x2780  }
0x45: {  	[sflag:s24] =	ssyncset.done @!p0 $0x0  }
0x46: {  	[sflag:s24] =	ssyncadd.s32 @!p0 $0xFFFFD880  }
0x47: {  	[bflag:$0x0] =	sbarrier.arrive $0xFFFF  }
0x48: {  	s7 =	simm.s32 $0x13C00;
	s26 =	rddreg [dreg:$0x9]  }
0x49: {  	[tilespmem:s7], [sflag:$0x1] =	stream.linear.gather [hbm4b:s26+s5], $0x80, $0x38;
	[tilespmem:$0x1E700] =	vst v63  }
0x4a: {  	s24 =	simm.s32 $0x13C80;
	s31 =	rddreg [dreg:$0xa]  }
0x4b: {  	[tilespmem:s24], [sflag:$0x2] =	stream.linear.gather [hbm4b:s31+s5], $0x80, $0x38;
	[tilespmem:$0x1E700] =	vst v63  }
0x4c: {  	s26 =	rddreg [dreg:$0xb];
	s31 =	simm.s32 $0x1  }
0x4d: {  	[tilespmem:s28], [sflag:$0x4] =	stream.linear.gather [hbm4b:s26+s5], $0x80, $0x38;
	[tilespmem:$0x1E700] =	vst v63  }
0x4e: {  	_ =	swait.ge [sflag:s31], $0x80  }
0x4f: {  	[sflag:s31] =	ssyncset.done $0x0  }
0x50: {  	s26 =	simm.s32 $0x13F00;
	[sflag:s31] =	ssyncadd.s32 $0xFFFFFF80  }
0x51: {  	[tilespmem:s26], [sflag:$0x7] =	stream.indirect.gather [hbm4b:s0+s30], $0x80, s7, s30, $0xb8;
	[tilespmem:$0x1E700] =	vst v63  }
0x52: {  	_ =	swait.ge [sflag:s1], $0x80  }
0x53: {  	[sflag:s1] =	ssyncset.done $0x0  }
0x54: {  	s31 =	rddreg [dreg:$0xc];
	[sflag:s1] =	ssyncadd.s32 $0xFFFFFF80  }
0x55: {  	[tilespmem:s2], [sflag:$0x8] =	stream.indirect.gather [hbm4b:s0+s30], $0x80, s24, s30, $0xb8;
	[tilespmem:$0x1E700] =	vst v63  }
0x56: {  	s29 =	rddreg [dreg:$0xf];
	s24 =	simm.s32 $0x0  }
0x57: {  	[tilespmem:s8], [sflag:$0x3] =	stream.linear.gather [hbm4b:s31+s5], $0x80, $0x38;
	[tilespmem:$0x1E700] =	vst v63  }
.LBB2_2:
0x58: {  	_ =	swait.ge [sflag:s9], $0x3800  }
0x59: {  	[sflag:s9] =	ssyncset.done $0x0  }
0x5a: {  	[sflag:s9] =	ssyncadd.s32 $0xFFFFC800  }
0x5b: {  	_ =	swait.ge [sflag:s10], $0x80  }
0x5c: {  	p3 =	seq.s32 s24, $0x0;
	[sflag:s10] =	ssyncset.done $0x0  }
0x5d: {  	s3 =	simm.s32 $0x13F00;
	s7 =	simm.s32 @!p3 $0xC;
	[sflag:s10] =	ssyncadd.s32 $0xFFFFFF80  }
0x5e: {  	[spmem:s4] =	stream.indirect.scatter.add.f32 [tilespmem:s3], [sflag:$0xA], $0x80, s28, s30, $0xb8;
	[tilespmem:$0x1E700] =	vst v63  }
0x5f: {  	_ =	swait.ge @!p3 [sflag:s7], $0x3800  }
0x60: {  	[sflag:s7] =	ssyncset.done @!p3 $0x0  }
0x61: {  	[sflag:s7] =	ssyncadd.s32 @!p3 $0xFFFFC800  }
0x62: {  	_ =	swait.ge [sflag:s12], $0x80  }
0x63: {  	[sflag:s12] =	ssyncset.done $0x0  }
0x64: {  	p3 =	seq.s32 s24, $0x570;
	[sflag:s12] =	ssyncadd.s32 $0xFFFFFF80  }
0x65: {  	[tilespmem:s13], [sflag:$0x9] =	stream.indirect.gather [hbm4b:s0+s30], $0x80, s8, s30, $0xb8;
	[tilespmem:$0x1E700] =	vst v63  }
0x66: {  	s7 =	sshrl.u32 @!p3 s29, $0x3;
	s3 =	rddreg [dreg:$0x2]  }
0x67: {  	s26 =	simm.s32 @!p3 $0x13C00;
	s7 =	sadd.s32 @!p3 s3, s7;
	s3 =	simm.s32 @!p3 $0x0  }
0x68: {  	[tilespmem:s26], [sflag:$0x1] =	stream.linear.gather @!p3 [hbm4b:s7+s3], $0x80, $0x38;
	[tilespmem:$0x1E700] =	vst v63  }
0x69: {  	s31 =	sadd.s32 s24, s21  }
0x6a: {  	[tilespmem:s14], [sflag:$0x5] =	stream.linear.gather [hbm4b:s31+s5], $0x80, $0x38;
	[tilespmem:$0x1E700] =	vst v63  }
0x6b: {  	_ =	swait.ge [sflag:s15], $0x3800  }
0x6c: {  	[sflag:s15] =	ssyncset.done $0x0  }
0x6d: {  	[sflag:s15] =	ssyncadd.s32 $0xFFFFC800  }
0x6e: {  	_ =	swait.ge [sflag:s16], $0x80  }
0x6f: {  	[sflag:s16] =	ssyncset.done $0x0  }
0x70: {  	[sflag:s16] =	ssyncadd.s32 $0xFFFFFF80  }
0x71: {  	[spmem:s4] =	stream.indirect.scatter.add.f32 [tilespmem:s2], [sflag:$0xB], $0x80, s14, s30, $0xb8;
	[tilespmem:$0x1E700] =	vst v63  }
0x72: {  	_ =	swait.ge [sflag:s11], $0x3800  }
0x73: {  	[sflag:s11] =	ssyncset.done $0x0  }
0x74: {  	s7 =	simm.s32 @!p3 $0x1;
	[sflag:s11] =	ssyncadd.s32 $0xFFFFC800  }
0x75: {  	_ =	swait.ge @!p3 [sflag:s7], $0x80  }
0x76: {  	[sflag:s7] =	ssyncset.done @!p3 $0x0  }
0x77: {  	s31 =	simm.s32 @!p3 $0x13F00;
	[sflag:s7] =	ssyncadd.s32 @!p3 $0xFFFFFF80;
	s7 =	simm.s32 @!p3 $0x70  }
0x78: {  	[tilespmem:s31], [sflag:$0x7] =	stream.indirect.gather @!p3 [hbm4b:s0+s7], $0x80, s26, s7, $0xb8;
	[tilespmem:$0x1E700] =	vst v63  }
0x79: {  	s7 =	sadd.s32 @!p3 s24, s20;
	s26 =	simm.s32 @!p3 $0x13C80  }
0x7a: {  	[tilespmem:s26], [sflag:$0x2] =	stream.linear.gather @!p3 [hbm4b:s7+s3], $0x80, $0x38;
	[tilespmem:$0x1E700] =	vst v63  }
0x7b: {  	s31 =	sadd.s32 s24, s19  }
0x7c: {  	[tilespmem:s17], [sflag:$0x6] =	stream.linear.gather [hbm4b:s31+s5], $0x80, $0x38;
	[tilespmem:$0x1E700] =	vst v63  }
0x7d: {  	_ =	swait.ge [sflag:s22], $0x3800  }
0x7e: {  	[sflag:s22] =	ssyncset.done $0x0  }
0x7f: {  	[sflag:s22] =	ssyncadd.s32 $0xFFFFC800  }
0x80: {  	_ =	swait.ge [sflag:s25], $0x80  }
0x81: {  	[sflag:s25] =	ssyncset.done $0x0  }
.Ltmp2:
0x82: {  	[sflag:s25] =	ssyncadd.s32 $0xFFFFFF80;
	(pc) =	sbr.rel @p3 .LBB2_4-.Ltmp2, $4  }
0x83: {  	[spmem:s4] =	stream.indirect.scatter.add.f32 [tilespmem:s13], [sflag:$0xC], $0x80, s17, s30, $0xb8;
	[tilespmem:$0x1E700] =	vst v63  }
0x84: {  	_ =	swait.ge [sflag:s23], $0x3800  }
0x85: {  	[sflag:s23] =	ssyncset.done $0x0  }
0x86: {  	[sflag:s23] =	ssyncadd.s32 $0xFFFFC800  }
0x87: {  	_ =	swait.ge [sflag:s1], $0x80  }
0x88: {  	[sflag:s1] =	ssyncset.done $0x0  }
0x89: {  	s3 =	simm.s32 $0x13C80;
	[sflag:s1] =	ssyncadd.s32 $0xFFFFFF80  }
0x8a: {  	[tilespmem:s2], [sflag:$0x8] =	stream.indirect.gather [hbm4b:s0+s30], $0x80, s3, s30, $0xb8;
	[tilespmem:$0x1E700] =	vst v63  }
.Ltmp3:
0x8b: {  	_ = 	snop;
	(pc) =	sbr.rel .LBB2_2-.Ltmp3, $4  }
0x8c: {  	s26 =	sadd.s32 s24, s18;
	s31 =	sshrl.u32 s29, $0x3  }
0x8d: {  	[tilespmem:s8], [sflag:$0x3] =	stream.linear.gather [hbm4b:s26+s5], $0x80, $0x38;
	[tilespmem:$0x1E700] =	vst v63  }
0x8e: {  	s29 =	sadd.s32 $0x180, s29;
	s24 =	sadd.s32 $0x30, s24;
	s3 =	sadd.s32 s6, s31  }
0x8f: {  	[tilespmem:s28], [sflag:$0x4] =	stream.linear.gather [hbm4b:s3+s5], $0x80, $0x38;
	[tilespmem:$0x1E700] =	vst v63  }
.LBB2_5:
0x90: {  	_ =	sfence.sel $0x180000  }
0x91: {  	[bflag:$0x0] =	sbarrier.arrive $0xFFFF  }
0x92: {  	_ =	strace $0x90000047  }
0x93: {  	[bflag:$0x2] =	sbarrier.arrive $0xFFFF  }
0x94: {  	p0 =	sne.s32 s26, $0x0;
	s0 =	rddreg [dreg:$0x4]  }
0x95: {  	s0 =	sadd.s32 @!p0 $0x100000, s0  }
0x96: {  	[sflag:s0] =	ssyncadd.tile.s32 @!p0 $0x1;
	_ =	shalt  }
.Lfunc_end2:
_tile_overlayer_lowered:
.L_overlay_start_2:
0x97: {  	(tag) =	ssettag $0x2  }
0x98: {  	s0 =	rddreg [dreg:$0x0];
	s2 =	stileid.u32  }
0x99: {  	s1 =	rddreg [dreg:$0x1];
	p0 =	sne.s32 s2, $0x0  }
0x9a: {  	s3 =	rddreg [dreg:$0x2];
	[bflag:$0x3] =	sbarrier.arrive $0xFFFF;
	s2 =	simm.s32 @!p0 $0x1C0D  }
0x9b: {  	[timem:s3], [sflag:s2] =	dma.local @!p0 [hbm:s0], s1  }
0x9c: {  	s0 =	simm.s32 @!p0 $0xD  }
0x9d: {  	_ =	swait.ge @!p0 [sflag:s0], s1  }
0x9e: {  	s1 =	ssub.s32 @!p0 $0x0, s1;
	[sflag:s0] =	ssyncset.done @!p0 $0x0  }
0x9f: {  	[sflag:s0] =	ssyncadd.s32 @!p0 s1  }
0xa0: {  	[bflag:$0x3] =	sbarrier.arrive $0xFFFF  }
0xa1: {  	_ =	shalt  }

</sc_bundles>
